<compile_context>
chip_gen: v7x
topology: tpu7x:2x2x1
jax: 0.10.2.dev20260603
libtpu: 0.0.44.dev20260713+nightly
codegen_flags: <defaults>
</compile_context>

<pallas_src>
import functools

import jax
import jax.numpy as jnp
from jax import lax
from jax.experimental import pallas as pl
from jax.experimental.pallas import tpu as pltpu
from jax.experimental.pallas import tpu_sc as plsc

_B, _T, _D = 4096, 200, 64
_L = 16
_NC, _NS = 2, 16
_NW = _NC * _NS
_TT = _T // 8
_GR = _T * _D * _B // _L
_TS = _D * _B // _L


@functools.partial(
    pl.kernel,
    out_type=jax.ShapeDtypeStruct((8, 32, 8, 128), jnp.float32),
    mesh=plsc.VectorSubcoreMesh(core_axis_name="c", subcore_axis_name="s"),
    scratch_types=[
        pltpu.VMEM((_TT, 8, 128), jnp.int32),
        pltpu.VMEM((4, 8, 128), jnp.int32),
        pltpu.VMEM((4, 1024, _L), jnp.float32),
        pltpu.VMEM((8, 1, 8, 128), jnp.float32),
        pltpu.SemaphoreType.DMA,
        pltpu.SemaphoreType.DMA,
        pltpu.SemaphoreType.DMA,
        pltpu.SemaphoreType.DMA,
    ],
    compiler_params=pltpu.CompilerParams(
        needs_layout_passes=False, use_tc_tiling_on_sc=False
    ),
)
def _last_pool_sc(
    a16_hbm, mw_hbm, out_hbm, mbuf, idxbuf, gbuf, obuf, s0, s1, s2, s3
):
    wid = lax.axis_index("s") * _NC + lax.axis_index("c")
    pltpu.sync_copy(mw_hbm.at[:, wid], mbuf)
    zero = jnp.zeros((_L,), jnp.int32)
    lanes = lax.iota(jnp.int32, _L)

    def fill_idx(g, h):
        def tbody(tt, acc):
            row = mbuf.at[tt]
            for tr in range(8):
                acc = acc + row.at[tr][pl.ds(g * _L, _L)]
            return acc

        s = lax.fori_loop(0, _TT, tbody, zero)
        t = jnp.minimum(s, _T - 1) - 1
        t = jnp.where(t < 0, _T - 1, t)
        base = t * _TS + wid * 64 + g

        def kbody(k, _):
            row = idxbuf.at[h].at[k]
            for dl in range(8):
                row[pl.ds(dl * _L, _L)] = base + k * 2048 + dl * 8
            return 0

        lax.fori_loop(0, 8, kbody, 0)

    def fire(h, sem):
        def kbody(k, _):
            pltpu.async_copy(
                a16_hbm.at[idxbuf.at[h].at[k]],
                gbuf.at[h].at[pl.ds(k * 128, 128)],
                sem,
            )
            return 0

        lax.fori_loop(0, 8, kbody, 0)

    def drain(h, sem):
        def kbody(k, _):
            pltpu.make_async_copy(
                a16_hbm.at[idxbuf.at[h].at[k]],
                gbuf.at[h].at[pl.ds(k * 128, 128)],
                sem,
            ).wait()
            return 0

        lax.fori_loop(0, 8, kbody, 0)

    def extract(g, h):
        src = gbuf.at[h]

        def jbody(j, _):
            for dl in range(8):
                val = plsc.load_gather(src, [j * 128 + dl * _L + lanes, lanes])
                obuf.at[j].at[0].at[dl][pl.ds(g * _L, _L)] = val
            return 0

        lax.fori_loop(0, 8, jbody, 0)

    sems = (s0, s1, s2, s3)
    for g in range(3):
        fill_idx(g, g)
        fire(g, sems[g])

    def step(g, _):
        h = g & 3

        @pl.when(g < 5)
        def _():
            hn = (g + 3) & 3
            fill_idx(g + 3, hn)
            for hh in range(4):
                @pl.when(hn == hh)
                def _(hh=hh):
                    fire(hh, sems[hh])

        for hh in range(4):
            @pl.when(h == hh)
            def _(hh=hh):
                drain(hh, sems[hh])

        extract(g, h)
        return 0

    lax.fori_loop(0, 8, step, 0)
    pltpu.sync_copy(obuf, out_hbm.at[:, pl.ds(wid, 1)])


def kernel(x, mask):
    a16 = (
        x.reshape(32, 128, _T, 8, 8)
        .transpose(2, 3, 0, 4, 1)
        .reshape(_GR, _L)
    )
    mask_words = (
        mask.astype(jnp.int32)
        .reshape(32, 128, _TT, 8)
        .transpose(2, 0, 3, 1)
    )
    out_t = _last_pool_sc(a16, mask_words)
    return out_t.transpose(1, 3, 0, 2).reshape(_B, _D)

# --- scband reference (transcript-rebuilt; emitter-appended) ---
"""Pipeline reference for scband-temporal-last-pooling-58076547776513 (READ-ONLY COPY).

The authoritative reference and input builder live on the scoring server;
editing this copy changes nothing except your own understanding.
"""

import jax, jax.numpy as jnp
import numpy as np


def setup_inputs(seed: int = 0) -> dict:
    key = jax.random.key(seed)
    k1, k2 = jax.random.split(key)
    x = jax.random.normal(k1, (4096, 200, 64), dtype=jnp.float32)
    mask = jax.random.randint(k2, (4096, 200), 0, 2).astype(jnp.bool_)
    return {"x": x, "mask": mask}


def reference(x, mask):
    # TemporalLastPooling with mask: lengths = mask.sum(dim=1).clamp_max(T-1)
    # then gather x[b, lengths[b]-1] for each batch row.
    B, T, D = x.shape
    lengths = jnp.minimum(jnp.sum(mask.astype(jnp.int32), axis=1), T - 1)
    idx = lengths - 1  # note: if lengths==0 this is -1, which indexes the last
                       # timestep in both torch and jax (negative indexing)
    x_out = x[jnp.arange(B), idx]
    # x_out already has shape [B, D]; squeeze(1) in torch is a no-op here
    return x_out

if __name__ == "__main__":
    import jax
    _d = setup_inputs()
    print(jax.jit(kernel)(*tuple(_d.values())))

</pallas_src>

<mosaic_0001>
#map = affine_map<(d0, d1) -> (0, 0)>
#map1 = affine_map<(d0, d1) -> (0, 0, 0, 0)>
module attributes {stable_mosaic.version = 14 : i64} {
  func.func @_last_pool_sc(%arg0: i32, %arg1: i32, %arg2: memref<3276800x16xf32, #tpu.memory_space<hbm>>, %arg3: memref<25x32x8x128xi32, #tpu.memory_space<hbm>>, %arg4: memref<8x32x8x128xf32, #tpu.memory_space<hbm>>, %arg5: memref<25x8x128xi32, #tpu.memory_space<vmem>>, %arg6: memref<4x8x128xi32, #tpu.memory_space<vmem>>, %arg7: memref<4x1024x16xf32, #tpu.memory_space<vmem>>, %arg8: memref<8x1x8x128xf32, #tpu.memory_space<vmem>>, %arg9: memref<!tpu.dma_semaphore, #tpu.memory_space<semaphore_mem>>, %arg10: memref<!tpu.dma_semaphore, #tpu.memory_space<semaphore_mem>>, %arg11: memref<!tpu.dma_semaphore, #tpu.memory_space<semaphore_mem>>, %arg12: memref<!tpu.dma_semaphore, #tpu.memory_space<semaphore_mem>>) attributes {dimension_semantics = [#tpu.dimension_semantics<core_parallel>, #tpu.dimension_semantics<subcore_parallel>], iteration_bounds = array<i64: 2, 16>, scalar_prefetch = 0 : i64, scratch_operands = 8 : i64, tpu.core_type = #tpu.core_type<sc_vector_subcore>, window_params = [{transform_indices = #map}, {transform_indices = #map1}, {transform_indices = #map1}]} {
    %mul3A = arith.constant 2 : i32
    %mul3A_0 = arith.muli %arg1, %mul3A : i32
    %add3A = arith.addi %mul3A_0, %arg0 : i32
    "tpu.region"() ({
      %run_scoped3A = tpu.sem_alloc : memref<!tpu.dma_semaphore, #tpu.memory_space<semaphore_mem>>
      %dma_start3A = arith.constant 0 : i32
      %dma_start3A_129 = arith.constant 0 : i32
      %dma_start3A_130 = arith.constant 0 : i32
      %dma_start3A_131 = tpu.memref_slice %arg3[%dma_start3A, %add3A, %dma_start3A_129, %dma_start3A_130] : memref<25x32x8x128xi32, #tpu.memory_space<hbm>> -> memref<25x1x8x128xi32, #tpu.memory_space<hbm>>
      %dma_start3A_132 = tpu.memref_squeeze %dma_start3A_131 : memref<25x1x8x128xi32, #tpu.memory_space<hbm>> -> memref<25x8x128xi32, #tpu.memory_space<hbm>>
      %dma_start3A_133 = arith.constant 0 : i32
      %dma_start3A_134 = arith.constant 0 : i32
      %dma_start3A_135 = arith.constant 0 : i32
      %dma_start3A_136 = tpu.memref_slice %arg3[%dma_start3A_133, %add3A, %dma_start3A_134, %dma_start3A_135] : memref<25x32x8x128xi32, #tpu.memory_space<hbm>> -> memref<25x1x8x128xi32, #tpu.memory_space<hbm>>
      %dma_start3A_137 = tpu.memref_squeeze %dma_start3A_136 : memref<25x1x8x128xi32, #tpu.memory_space<hbm>> -> memref<25x8x128xi32, #tpu.memory_space<hbm>>
      tpu.enqueue_dma source(%dma_start3A_137 : memref<25x8x128xi32, #tpu.memory_space<hbm>>) target(%arg5 : memref<25x8x128xi32, #tpu.memory_space<vmem>>) target_semaphore(%run_scoped3A : memref<!tpu.dma_semaphore, #tpu.memory_space<semaphore_mem>>)
      %dma_wait3A = arith.constant 0 : i32
      %dma_wait3A_138 = arith.constant 0 : i32
      %dma_wait3A_139 = arith.constant 0 : i32
      %dma_wait3A_140 = tpu.memref_slice %arg3[%dma_wait3A, %add3A, %dma_wait3A_138, %dma_wait3A_139] : memref<25x32x8x128xi32, #tpu.memory_space<hbm>> -> memref<25x1x8x128xi32, #tpu.memory_space<hbm>>
      %dma_wait3A_141 = tpu.memref_squeeze %dma_wait3A_140 : memref<25x1x8x128xi32, #tpu.memory_space<hbm>> -> memref<25x8x128xi32, #tpu.memory_space<hbm>>
      %dma_wait3A_142 = arith.constant 0 : i32
      %dma_wait3A_143 = arith.constant 0 : i32
      %dma_wait3A_144 = arith.constant 0 : i32
      %dma_wait3A_145 = tpu.memref_slice %arg3[%dma_wait3A_142, %add3A, %dma_wait3A_143, %dma_wait3A_144] : memref<25x32x8x128xi32, #tpu.memory_space<hbm>> -> memref<25x1x8x128xi32, #tpu.memory_space<hbm>>
      %dma_wait3A_146 = tpu.memref_squeeze %dma_wait3A_145 : memref<25x1x8x128xi32, #tpu.memory_space<hbm>> -> memref<25x8x128xi32, #tpu.memory_space<hbm>>
      tpu.wait_dma2 semaphore(%run_scoped3A : memref<!tpu.dma_semaphore, #tpu.memory_space<semaphore_mem>>) src(%dma_wait3A_146 : memref<25x8x128xi32, #tpu.memory_space<hbm>>) dst(%arg5 : memref<25x8x128xi32, #tpu.memory_space<vmem>>)
      tpu.yield
    }) : () -> ()
    %broadcast_in_dim3A = arith.constant 0 : i32
    %broadcast_in_dim3A_1 = vector.broadcast %broadcast_in_dim3A : i32 to vector<16xi32>
    %iota3A = tpu.iota {dimensions = array<i32: 0>} : vector<16xi32>
    %scan3A = arith.constant 0 : i32
    %scan3A_2 = arith.constant 25 : i32
    %scan3A_3 = arith.addi %scan3A, %scan3A_2 : i32
    %scan3A_4 = arith.constant 1 : i32
    %scan3A_5 = scf.for %scan3A_129 = %scan3A to %scan3A_3 step %scan3A_4 iter_args(%scan3A_130 = %broadcast_in_dim3A_1) -> (vector<16xi32>)  : i32 {
      %get3A = arith.constant 0 : i32
      %get3A_131 = arith.constant 0 : i32
      %get3A_132 = arith.constant 0 : i32
      %get3A_133 = tpu.memref_slice %arg5[%scan3A_129, %get3A_131, %get3A_132] : memref<25x8x128xi32, #tpu.memory_space<vmem>> -> memref<1x8x128xi32, #tpu.memory_space<vmem>>
      %get3A_134 = tpu.memref_squeeze %get3A_133 : memref<1x8x128xi32, #tpu.memory_space<vmem>> -> memref<8x128xi32, #tpu.memory_space<vmem>>
      %get3A_135 = arith.constant 0 : i32
      %get3A_136 = tpu.memref_slice %get3A_134[%get3A, %get3A_135] : memref<8x128xi32, #tpu.memory_space<vmem>> -> memref<1x128xi32, #tpu.memory_space<vmem>>
      %get3A_137 = tpu.memref_squeeze %get3A_136 : memref<1x128xi32, #tpu.memory_space<vmem>> -> memref<128xi32, #tpu.memory_space<vmem>>
      %get3A_138 = arith.constant 0 : index
      %get3A_139 = tpu.vector_load %get3A_137[%get3A_138] {strides = array<i32>} : memref<128xi32, #tpu.memory_space<vmem>>, vector<16xi32>,
      %add3A_140 = arith.addi %scan3A_130, %get3A_139 : vector<16xi32>
      %get3A_141 = arith.constant 1 : i32
      %get3A_142 = arith.constant 0 : i32
      %get3A_143 = arith.constant 0 : i32
      %get3A_144 = tpu.memref_slice %arg5[%scan3A_129, %get3A_142, %get3A_143] : memref<25x8x128xi32, #tpu.memory_space<vmem>> -> memref<1x8x128xi32, #tpu.memory_space<vmem>>
      %get3A_145 = tpu.memref_squeeze %get3A_144 : memref<1x8x128xi32, #tpu.memory_space<vmem>> -> memref<8x128xi32, #tpu.memory_space<vmem>>
      %get3A_146 = arith.constant 0 : i32
      %get3A_147 = tpu.memref_slice %get3A_145[%get3A_141, %get3A_146] : memref<8x128xi32, #tpu.memory_space<vmem>> -> memref<1x128xi32, #tpu.memory_space<vmem>>
      %get3A_148 = tpu.memref_squeeze %get3A_147 : memref<1x128xi32, #tpu.memory_space<vmem>> -> memref<128xi32, #tpu.memory_space<vmem>>
      %get3A_149 = arith.constant 0 : index
      %get3A_150 = tpu.vector_load %get3A_148[%get3A_149] {strides = array<i32>} : memref<128xi32, #tpu.memory_space<vmem>>, vector<16xi32>,
      %add3A_151 = arith.addi %add3A_140, %get3A_150 : vector<16xi32>
      %get3A_152 = arith.constant 2 : i32
      %get3A_153 = arith.constant 0 : i32
      %get3A_154 = arith.constant 0 : i32
      %get3A_155 = tpu.memref_slice %arg5[%scan3A_129, %get3A_153, %get3A_154] : memref<25x8x128xi32, #tpu.memory_space<vmem>> -> memref<1x8x128xi32, #tpu.memory_space<vmem>>
      %get3A_156 = tpu.memref_squeeze %get3A_155 : memref<1x8x128xi32, #tpu.memory_space<vmem>> -> memref<8x128xi32, #tpu.memory_space<vmem>>
      %get3A_157 = arith.constant 0 : i32
      %get3A_158 = tpu.memref_slice %get3A_156[%get3A_152, %get3A_157] : memref<8x128xi32, #tpu.memory_space<vmem>> -> memref<1x128xi32, #tpu.memory_space<vmem>>
      %get3A_159 = tpu.memref_squeeze %get3A_158 : memref<1x128xi32, #tpu.memory_space<vmem>> -> memref<128xi32, #tpu.memory_space<vmem>>
      %get3A_160 = arith.constant 0 : index
      %get3A_161 = tpu.vector_load %get3A_159[%get3A_160] {strides = array<i32>} : memref<128xi32, #tpu.memory_space<vmem>>, vector<16xi32>,
      %add3A_162 = arith.addi %add3A_151, %get3A_161 : vector<16xi32>
      %get3A_163 = arith.constant 3 : i32
      %get3A_164 = arith.constant 0 : i32
      %get3A_165 = arith.constant 0 : i32
      %get3A_166 = tpu.memref_slice %arg5[%scan3A_129, %get3A_164, %get3A_165] : memref<25x8x128xi32, #tpu.memory_space<vmem>> -> memref<1x8x128xi32, #tpu.memory_space<vmem>>
      %get3A_167 = tpu.memref_squeeze %get3A_166 : memref<1x8x128xi32, #tpu.memory_space<vmem>> -> memref<8x128xi32, #tpu.memory_space<vmem>>
      %get3A_168 = arith.constant 0 : i32
      %get3A_169 = tpu.memref_slice %get3A_167[%get3A_163, %get3A_168] : memref<8x128xi32, #tpu.memory_space<vmem>> -> memref<1x128xi32, #tpu.memory_space<vmem>>
      %get3A_170 = tpu.memref_squeeze %get3A_169 : memref<1x128xi32, #tpu.memory_space<vmem>> -> memref<128xi32, #tpu.memory_space<vmem>>
      %get3A_171 = arith.constant 0 : index
      %get3A_172 = tpu.vector_load %get3A_170[%get3A_171] {strides = array<i32>} : memref<128xi32, #tpu.memory_space<vmem>>, vector<16xi32>,
      %add3A_173 = arith.addi %add3A_162, %get3A_172 : vector<16xi32>
      %get3A_174 = arith.constant 4 : i32
      %get3A_175 = arith.constant 0 : i32
      %get3A_176 = arith.constant 0 : i32
      %get3A_177 = tpu.memref_slice %arg5[%scan3A_129, %get3A_175, %get3A_176] : memref<25x8x128xi32, #tpu.memory_space<vmem>> -> memref<1x8x128xi32, #tpu.memory_space<vmem>>
      %get3A_178 = tpu.memref_squeeze %get3A_177 : memref<1x8x128xi32, #tpu.memory_space<vmem>> -> memref<8x128xi32, #tpu.memory_space<vmem>>
      %get3A_179 = arith.constant 0 : i32
      %get3A_180 = tpu.memref_slice %get3A_178[%get3A_174, %get3A_179] : memref<8x128xi32, #tpu.memory_space<vmem>> -> memref<1x128xi32, #tpu.memory_space<vmem>>
      %get3A_181 = tpu.memref_squeeze %get3A_180 : memref<1x128xi32, #tpu.memory_space<vmem>> -> memref<128xi32, #tpu.memory_space<vmem>>
      %get3A_182 = arith.constant 0 : index
      %get3A_183 = tpu.vector_load %get3A_181[%get3A_182] {strides = array<i32>} : memref<128xi32, #tpu.memory_space<vmem>>, vector<16xi32>,
      %add3A_184 = arith.addi %add3A_173, %get3A_183 : vector<16xi32>
      %get3A_185 = arith.constant 5 : i32
      %get3A_186 = arith.constant 0 : i32
      %get3A_187 = arith.constant 0 : i32
      %get3A_188 = tpu.memref_slice %arg5[%scan3A_129, %get3A_186, %get3A_187] : memref<25x8x128xi32, #tpu.memory_space<vmem>> -> memref<1x8x128xi32, #tpu.memory_space<vmem>>
      %get3A_189 = tpu.memref_squeeze %get3A_188 : memref<1x8x128xi32, #tpu.memory_space<vmem>> -> memref<8x128xi32, #tpu.memory_space<vmem>>
      %get3A_190 = arith.constant 0 : i32
      %get3A_191 = tpu.memref_slice %get3A_189[%get3A_185, %get3A_190] : memref<8x128xi32, #tpu.memory_space<vmem>> -> memref<1x128xi32, #tpu.memory_space<vmem>>
      %get3A_192 = tpu.memref_squeeze %get3A_191 : memref<1x128xi32, #tpu.memory_space<vmem>> -> memref<128xi32, #tpu.memory_space<vmem>>
      %get3A_193 = arith.constant 0 : index
      %get3A_194 = tpu.vector_load %get3A_192[%get3A_193] {strides = array<i32>} : memref<128xi32, #tpu.memory_space<vmem>>, vector<16xi32>,
      %add3A_195 = arith.addi %add3A_184, %get3A_194 : vector<16xi32>
      %get3A_196 = arith.constant 6 : i32
      %get3A_197 = arith.constant 0 : i32
      %get3A_198 = arith.constant 0 : i32
      %get3A_199 = tpu.memref_slice %arg5[%scan3A_129, %get3A_197, %get3A_198] : memref<25x8x128xi32, #tpu.memory_space<vmem>> -> memref<1x8x128xi32, #tpu.memory_space<vmem>>
      %get3A_200 = tpu.memref_squeeze %get3A_199 : memref<1x8x128xi32, #tpu.memory_space<vmem>> -> memref<8x128xi32, #tpu.memory_space<vmem>>
      %get3A_201 = arith.constant 0 : i32
      %get3A_202 = tpu.memref_slice %get3A_200[%get3A_196, %get3A_201] : memref<8x128xi32, #tpu.memory_space<vmem>> -> memref<1x128xi32, #tpu.memory_space<vmem>>
      %get3A_203 = tpu.memref_squeeze %get3A_202 : memref<1x128xi32, #tpu.memory_space<vmem>> -> memref<128xi32, #tpu.memory_space<vmem>>
      %get3A_204 = arith.constant 0 : index
      %get3A_205 = tpu.vector_load %get3A_203[%get3A_204] {strides = array<i32>} : memref<128xi32, #tpu.memory_space<vmem>>, vector<16xi32>,
      %add3A_206 = arith.addi %add3A_195, %get3A_205 : vector<16xi32>
      %get3A_207 = arith.constant 7 : i32
      %get3A_208 = arith.constant 0 : i32
      %get3A_209 = arith.constant 0 : i32
      %get3A_210 = tpu.memref_slice %arg5[%scan3A_129, %get3A_208, %get3A_209] : memref<25x8x128xi32, #tpu.memory_space<vmem>> -> memref<1x8x128xi32, #tpu.memory_space<vmem>>
      %get3A_211 = tpu.memref_squeeze %get3A_210 : memref<1x8x128xi32, #tpu.memory_space<vmem>> -> memref<8x128xi32, #tpu.memory_space<vmem>>
      %get3A_212 = arith.constant 0 : i32
      %get3A_213 = tpu.memref_slice %get3A_211[%get3A_207, %get3A_212] : memref<8x128xi32, #tpu.memory_space<vmem>> -> memref<1x128xi32, #tpu.memory_space<vmem>>
      %get3A_214 = tpu.memref_squeeze %get3A_213 : memref<1x128xi32, #tpu.memory_space<vmem>> -> memref<128xi32, #tpu.memory_space<vmem>>
      %get3A_215 = arith.constant 0 : index
      %get3A_216 = tpu.vector_load %get3A_214[%get3A_215] {strides = array<i32>} : memref<128xi32, #tpu.memory_space<vmem>>, vector<16xi32>,
      %add3A_217 = arith.addi %add3A_206, %get3A_216 : vector<16xi32>
      scf.yield %add3A_217 : vector<16xi32>
    }
    %scan3A_6 = arith.constant 25 : i32
    %min3A = arith.constant 199 : i32
    %min3A_7 = vector.broadcast %min3A : i32 to vector<16xi32>
    %min3A_8 = arith.minsi %scan3A_5, %min3A_7 : vector<16xi32>
    %sub3A = arith.constant 1 : i32
    %sub3A_9 = vector.broadcast %sub3A : i32 to vector<16xi32>
    %sub3A_10 = arith.subi %min3A_8, %sub3A_9 : vector<16xi32>
    %lt3A = arith.constant 0 : i32
    %lt3A_11 = vector.broadcast %lt3A : i32 to vector<16xi32>
    %lt3A_12 = arith.cmpi slt, %sub3A_10, %lt3A_11 : vector<16xi32>
    %jit3A = arith.constant 199 : i32
    %broadcast_in_dim3A_13 = vector.broadcast %jit3A : i32 to vector<16xi32>
    %select_n3A = arith.select %lt3A_12, %broadcast_in_dim3A_13, %sub3A_10 : vector<16xi1>, vector<16xi32>
    %mul3A_14 = arith.constant 16384 : i32
    %mul3A_15 = vector.broadcast %mul3A_14 : i32 to vector<16xi32>
    %mul3A_16 = arith.muli %select_n3A, %mul3A_15 : vector<16xi32>
    %mul3A_17 = arith.constant 64 : i32
    %mul3A_18 = arith.muli %add3A, %mul3A_17 : i32
    %add3A_19 = vector.broadcast %mul3A_18 : i32 to vector<16xi32>
    %add3A_20 = arith.addi %mul3A_16, %add3A_19 : vector<16xi32>
    %add3A_21 = arith.constant 0 : i32
    %add3A_22 = vector.broadcast %add3A_21 : i32 to vector<16xi32>
    %add3A_23 = arith.addi %add3A_20, %add3A_22 : vector<16xi32>
    %scan3A_24 = arith.constant 0 : i32
    %scan3A_25 = arith.constant 0 : i32
    %scan3A_26 = arith.constant 8 : i32
    %scan3A_27 = arith.addi %scan3A_25, %scan3A_26 : i32
    %scan3A_28 = arith.constant 1 : i32
    %scan3A_29 = scf.for %scan3A_129 = %scan3A_25 to %scan3A_27 step %scan3A_28 iter_args(%scan3A_130 = %scan3A_24) -> (i32)  : i32 {
      %mul3A_131 = arith.constant 2048 : i32
      %mul3A_132 = arith.muli %scan3A_129, %mul3A_131 : i32
      %add3A_133 = vector.broadcast %mul3A_132 : i32 to vector<16xi32>
      %add3A_134 = arith.addi %add3A_23, %add3A_133 : vector<16xi32>
      %add3A_135 = arith.constant 0 : i32
      %add3A_136 = vector.broadcast %add3A_135 : i32 to vector<16xi32>
      %add3A_137 = arith.addi %add3A_134, %add3A_136 : vector<16xi32>
      %swap3A = arith.constant 0 : i32
      %swap3A_138 = arith.constant 0 : i32
      %swap3A_139 = arith.constant 0 : i32
      %swap3A_140 = tpu.memref_slice %arg6[%swap3A, %swap3A_138, %swap3A_139] : memref<4x8x128xi32, #tpu.memory_space<vmem>> -> memref<1x8x128xi32, #tpu.memory_space<vmem>>
      %swap3A_141 = tpu.memref_squeeze %swap3A_140 : memref<1x8x128xi32, #tpu.memory_space<vmem>> -> memref<8x128xi32, #tpu.memory_space<vmem>>
      %swap3A_142 = arith.constant 0 : i32
      %swap3A_143 = tpu.memref_slice %swap3A_141[%scan3A_129, %swap3A_142] : memref<8x128xi32, #tpu.memory_space<vmem>> -> memref<1x128xi32, #tpu.memory_space<vmem>>
      %swap3A_144 = tpu.memref_squeeze %swap3A_143 : memref<1x128xi32, #tpu.memory_space<vmem>> -> memref<128xi32, #tpu.memory_space<vmem>>
      %swap3A_145 = arith.constant 0 : index
      %swap3A_146 = tpu.vector_load %swap3A_144[%swap3A_145] {strides = array<i32>} : memref<128xi32, #tpu.memory_space<vmem>>, vector<16xi32>,
      tpu.vector_store %swap3A_144[%swap3A_145], %add3A_137 {strides = array<i32>} : memref<128xi32, #tpu.memory_space<vmem>>, vector<16xi32>,
      %mul3A_147 = arith.constant 2048 : i32
      %mul3A_148 = arith.muli %scan3A_129, %mul3A_147 : i32
      %add3A_149 = vector.broadcast %mul3A_148 : i32 to vector<16xi32>
      %add3A_150 = arith.addi %add3A_23, %add3A_149 : vector<16xi32>
      %add3A_151 = arith.constant 8 : i32
      %add3A_152 = vector.broadcast %add3A_151 : i32 to vector<16xi32>
      %add3A_153 = arith.addi %add3A_150, %add3A_152 : vector<16xi32>
      %swap3A_154 = arith.constant 0 : i32
      %swap3A_155 = arith.constant 0 : i32
      %swap3A_156 = arith.constant 0 : i32
      %swap3A_157 = tpu.memref_slice %arg6[%swap3A_154, %swap3A_155, %swap3A_156] : memref<4x8x128xi32, #tpu.memory_space<vmem>> -> memref<1x8x128xi32, #tpu.memory_space<vmem>>
      %swap3A_158 = tpu.memref_squeeze %swap3A_157 : memref<1x8x128xi32, #tpu.memory_space<vmem>> -> memref<8x128xi32, #tpu.memory_space<vmem>>
      %swap3A_159 = arith.constant 0 : i32
      %swap3A_160 = tpu.memref_slice %swap3A_158[%scan3A_129, %swap3A_159] : memref<8x128xi32, #tpu.memory_space<vmem>> -> memref<1x128xi32, #tpu.memory_space<vmem>>
      %swap3A_161 = tpu.memref_squeeze %swap3A_160 : memref<1x128xi32, #tpu.memory_space<vmem>> -> memref<128xi32, #tpu.memory_space<vmem>>
      %swap3A_162 = arith.constant 16 : index
      %swap3A_163 = tpu.vector_load %swap3A_161[%swap3A_162] {strides = array<i32>} : memref<128xi32, #tpu.memory_space<vmem>>, vector<16xi32>,
      tpu.vector_store %swap3A_161[%swap3A_162], %add3A_153 {strides = array<i32>} : memref<128xi32, #tpu.memory_space<vmem>>, vector<16xi32>,
      %mul3A_164 = arith.constant 2048 : i32
      %mul3A_165 = arith.muli %scan3A_129, %mul3A_164 : i32
      %add3A_166 = vector.broadcast %mul3A_165 : i32 to vector<16xi32>
      %add3A_167 = arith.addi %add3A_23, %add3A_166 : vector<16xi32>
      %add3A_168 = arith.constant 16 : i32
      %add3A_169 = vector.broadcast %add3A_168 : i32 to vector<16xi32>
      %add3A_170 = arith.addi %add3A_167, %add3A_169 : vector<16xi32>
      %swap3A_171 = arith.constant 0 : i32
      %swap3A_172 = arith.constant 0 : i32
      %swap3A_173 = arith.constant 0 : i32
      %swap3A_174 = tpu.memref_slice %arg6[%swap3A_171, %swap3A_172, %swap3A_173] : memref<4x8x128xi32, #tpu.memory_space<vmem>> -> memref<1x8x128xi32, #tpu.memory_space<vmem>>
      %swap3A_175 = tpu.memref_squeeze %swap3A_174 : memref<1x8x128xi32, #tpu.memory_space<vmem>> -> memref<8x128xi32, #tpu.memory_space<vmem>>
      %swap3A_176 = arith.constant 0 : i32
      %swap3A_177 = tpu.memref_slice %swap3A_175[%scan3A_129, %swap3A_176] : memref<8x128xi32, #tpu.memory_space<vmem>> -> memref<1x128xi32, #tpu.memory_space<vmem>>
      %swap3A_178 = tpu.memref_squeeze %swap3A_177 : memref<1x128xi32, #tpu.memory_space<vmem>> -> memref<128xi32, #tpu.memory_space<vmem>>
      %swap3A_179 = arith.constant 32 : index
      %swap3A_180 = tpu.vector_load %swap3A_178[%swap3A_179] {strides = array<i32>} : memref<128xi32, #tpu.memory_space<vmem>>, vector<16xi32>,
      tpu.vector_store %swap3A_178[%swap3A_179], %add3A_170 {strides = array<i32>} : memref<128xi32, #tpu.memory_space<vmem>>, vector<16xi32>,
      %mul3A_181 = arith.constant 2048 : i32
      %mul3A_182 = arith.muli %scan3A_129, %mul3A_181 : i32
      %add3A_183 = vector.broadcast %mul3A_182 : i32 to vector<16xi32>
      %add3A_184 = arith.addi %add3A_23, %add3A_183 : vector<16xi32>
      %add3A_185 = arith.constant 24 : i32
      %add3A_186 = vector.broadcast %add3A_185 : i32 to vector<16xi32>
      %add3A_187 = arith.addi %add3A_184, %add3A_186 : vector<16xi32>
      %swap3A_188 = arith.constant 0 : i32
      %swap3A_189 = arith.constant 0 : i32
      %swap3A_190 = arith.constant 0 : i32
      %swap3A_191 = tpu.memref_slice %arg6[%swap3A_188, %swap3A_189, %swap3A_190] : memref<4x8x128xi32, #tpu.memory_space<vmem>> -> memref<1x8x128xi32, #tpu.memory_space<vmem>>
      %swap3A_192 = tpu.memref_squeeze %swap3A_191 : memref<1x8x128xi32, #tpu.memory_space<vmem>> -> memref<8x128xi32, #tpu.memory_space<vmem>>
      %swap3A_193 = arith.constant 0 : i32
      %swap3A_194 = tpu.memref_slice %swap3A_192[%scan3A_129, %swap3A_193] : memref<8x128xi32, #tpu.memory_space<vmem>> -> memref<1x128xi32, #tpu.memory_space<vmem>>
      %swap3A_195 = tpu.memref_squeeze %swap3A_194 : memref<1x128xi32, #tpu.memory_space<vmem>> -> memref<128xi32, #tpu.memory_space<vmem>>
      %swap3A_196 = arith.constant 48 : index
      %swap3A_197 = tpu.vector_load %swap3A_195[%swap3A_196] {strides = array<i32>} : memref<128xi32, #tpu.memory_space<vmem>>, vector<16xi32>,
      tpu.vector_store %swap3A_195[%swap3A_196], %add3A_187 {strides = array<i32>} : memref<128xi32, #tpu.memory_space<vmem>>, vector<16xi32>,
      %mul3A_198 = arith.constant 2048 : i32
      %mul3A_199 = arith.muli %scan3A_129, %mul3A_198 : i32
      %add3A_200 = vector.broadcast %mul3A_199 : i32 to vector<16xi32>
      %add3A_201 = arith.addi %add3A_23, %add3A_200 : vector<16xi32>
      %add3A_202 = arith.constant 32 : i32
      %add3A_203 = vector.broadcast %add3A_202 : i32 to vector<16xi32>
      %add3A_204 = arith.addi %add3A_201, %add3A_203 : vector<16xi32>
      %swap3A_205 = arith.constant 0 : i32
      %swap3A_206 = arith.constant 0 : i32
      %swap3A_207 = arith.constant 0 : i32
      %swap3A_208 = tpu.memref_slice %arg6[%swap3A_205, %swap3A_206, %swap3A_207] : memref<4x8x128xi32, #tpu.memory_space<vmem>> -> memref<1x8x128xi32, #tpu.memory_space<vmem>>
      %swap3A_209 = tpu.memref_squeeze %swap3A_208 : memref<1x8x128xi32, #tpu.memory_space<vmem>> -> memref<8x128xi32, #tpu.memory_space<vmem>>
      %swap3A_210 = arith.constant 0 : i32
      %swap3A_211 = tpu.memref_slice %swap3A_209[%scan3A_129, %swap3A_210] : memref<8x128xi32, #tpu.memory_space<vmem>> -> memref<1x128xi32, #tpu.memory_space<vmem>>
      %swap3A_212 = tpu.memref_squeeze %swap3A_211 : memref<1x128xi32, #tpu.memory_space<vmem>> -> memref<128xi32, #tpu.memory_space<vmem>>
      %swap3A_213 = arith.constant 64 : index
      %swap3A_214 = tpu.vector_load %swap3A_212[%swap3A_213] {strides = array<i32>} : memref<128xi32, #tpu.memory_space<vmem>>, vector<16xi32>,
      tpu.vector_store %swap3A_212[%swap3A_213], %add3A_204 {strides = array<i32>} : memref<128xi32, #tpu.memory_space<vmem>>, vector<16xi32>,
      %mul3A_215 = arith.constant 2048 : i32
      %mul3A_216 = arith.muli %scan3A_129, %mul3A_215 : i32
      %add3A_217 = vector.broadcast %mul3A_216 : i32 to vector<16xi32>
      %add3A_218 = arith.addi %add3A_23, %add3A_217 : vector<16xi32>
      %add3A_219 = arith.constant 40 : i32
      %add3A_220 = vector.broadcast %add3A_219 : i32 to vector<16xi32>
      %add3A_221 = arith.addi %add3A_218, %add3A_220 : vector<16xi32>
      %swap3A_222 = arith.constant 0 : i32
      %swap3A_223 = arith.constant 0 : i32
      %swap3A_224 = arith.constant 0 : i32
      %swap3A_225 = tpu.memref_slice %arg6[%swap3A_222, %swap3A_223, %swap3A_224] : memref<4x8x128xi32, #tpu.memory_space<vmem>> -> memref<1x8x128xi32, #tpu.memory_space<vmem>>
      %swap3A_226 = tpu.memref_squeeze %swap3A_225 : memref<1x8x128xi32, #tpu.memory_space<vmem>> -> memref<8x128xi32, #tpu.memory_space<vmem>>
      %swap3A_227 = arith.constant 0 : i32
      %swap3A_228 = tpu.memref_slice %swap3A_226[%scan3A_129, %swap3A_227] : memref<8x128xi32, #tpu.memory_space<vmem>> -> memref<1x128xi32, #tpu.memory_space<vmem>>
      %swap3A_229 = tpu.memref_squeeze %swap3A_228 : memref<1x128xi32, #tpu.memory_space<vmem>> -> memref<128xi32, #tpu.memory_space<vmem>>
      %swap3A_230 = arith.constant 80 : index
      %swap3A_231 = tpu.vector_load %swap3A_229[%swap3A_230] {strides = array<i32>} : memref<128xi32, #tpu.memory_space<vmem>>, vector<16xi32>,
      tpu.vector_store %swap3A_229[%swap3A_230], %add3A_221 {strides = array<i32>} : memref<128xi32, #tpu.memory_space<vmem>>, vector<16xi32>,
      %mul3A_232 = arith.constant 2048 : i32
      %mul3A_233 = arith.muli %scan3A_129, %mul3A_232 : i32
      %add3A_234 = vector.broadcast %mul3A_233 : i32 to vector<16xi32>
      %add3A_235 = arith.addi %add3A_23, %add3A_234 : vector<16xi32>
      %add3A_236 = arith.constant 48 : i32
      %add3A_237 = vector.broadcast %add3A_236 : i32 to vector<16xi32>
      %add3A_238 = arith.addi %add3A_235, %add3A_237 : vector<16xi32>
      %swap3A_239 = arith.constant 0 : i32
      %swap3A_240 = arith.constant 0 : i32
      %swap3A_241 = arith.constant 0 : i32
      %swap3A_242 = tpu.memref_slice %arg6[%swap3A_239, %swap3A_240, %swap3A_241] : memref<4x8x128xi32, #tpu.memory_space<vmem>> -> memref<1x8x128xi32, #tpu.memory_space<vmem>>
      %swap3A_243 = tpu.memref_squeeze %swap3A_242 : memref<1x8x128xi32, #tpu.memory_space<vmem>> -> memref<8x128xi32, #tpu.memory_space<vmem>>
      %swap3A_244 = arith.constant 0 : i32
      %swap3A_245 = tpu.memref_slice %swap3A_243[%scan3A_129, %swap3A_244] : memref<8x128xi32, #tpu.memory_space<vmem>> -> memref<1x128xi32, #tpu.memory_space<vmem>>
      %swap3A_246 = tpu.memref_squeeze %swap3A_245 : memref<1x128xi32, #tpu.memory_space<vmem>> -> memref<128xi32, #tpu.memory_space<vmem>>
      %swap3A_247 = arith.constant 96 : index
      %swap3A_248 = tpu.vector_load %swap3A_246[%swap3A_247] {strides = array<i32>} : memref<128xi32, #tpu.memory_space<vmem>>, vector<16xi32>,
      tpu.vector_store %swap3A_246[%swap3A_247], %add3A_238 {strides = array<i32>} : memref<128xi32, #tpu.memory_space<vmem>>, vector<16xi32>,
      %mul3A_249 = arith.constant 2048 : i32
      %mul3A_250 = arith.muli %scan3A_129, %mul3A_249 : i32
      %add3A_251 = vector.broadcast %mul3A_250 : i32 to vector<16xi32>
      %add3A_252 = arith.addi %add3A_23, %add3A_251 : vector<16xi32>
      %add3A_253 = arith.constant 56 : i32
      %add3A_254 = vector.broadcast %add3A_253 : i32 to vector<16xi32>
      %add3A_255 = arith.addi %add3A_252, %add3A_254 : vector<16xi32>
      %swap3A_256 = arith.constant 0 : i32
      %swap3A_257 = arith.constant 0 : i32
      %swap3A_258 = arith.constant 0 : i32
      %swap3A_259 = tpu.memref_slice %arg6[%swap3A_256, %swap3A_257, %swap3A_258] : memref<4x8x128xi32, #tpu.memory_space<vmem>> -> memref<1x8x128xi32, #tpu.memory_space<vmem>>
      %swap3A_260 = tpu.memref_squeeze %swap3A_259 : memref<1x8x128xi32, #tpu.memory_space<vmem>> -> memref<8x128xi32, #tpu.memory_space<vmem>>
      %swap3A_261 = arith.constant 0 : i32
      %swap3A_262 = tpu.memref_slice %swap3A_260[%scan3A_129, %swap3A_261] : memref<8x128xi32, #tpu.memory_space<vmem>> -> memref<1x128xi32, #tpu.memory_space<vmem>>
      %swap3A_263 = tpu.memref_squeeze %swap3A_262 : memref<1x128xi32, #tpu.memory_space<vmem>> -> memref<128xi32, #tpu.memory_space<vmem>>
      %swap3A_264 = arith.constant 112 : index
      %swap3A_265 = tpu.vector_load %swap3A_263[%swap3A_264] {strides = array<i32>} : memref<128xi32, #tpu.memory_space<vmem>>, vector<16xi32>,
      tpu.vector_store %swap3A_263[%swap3A_264], %add3A_255 {strides = array<i32>} : memref<128xi32, #tpu.memory_space<vmem>>, vector<16xi32>,
      %scan3A_266 = arith.constant 0 : i32
      scf.yield %scan3A_266 : i32
    }
    %scan3A_30 = arith.constant 8 : i32
    %scan3A_31 = arith.constant 0 : i32
    %scan3A_32 = arith.constant 0 : i32
    %scan3A_33 = arith.constant 8 : i32
    %scan3A_34 = arith.addi %scan3A_32, %scan3A_33 : i32
    %scan3A_35 = arith.constant 1 : i32
    %scan3A_36 = scf.for %scan3A_129 = %scan3A_32 to %scan3A_34 step %scan3A_35 iter_args(%scan3A_130 = %scan3A_31) -> (i32)  : i32 {
      %mul3A_131 = arith.constant 128 : i32
      %mul3A_132 = arith.muli %scan3A_129, %mul3A_131 : i32
      %dma_start3A = arith.constant 0 : i32
      %dma_start3A_133 = arith.constant 0 : i32
      %dma_start3A_134 = arith.constant 0 : i32
      %dma_start3A_135 = arith.constant 0 : i32
      %dma_start3A_136 = tpu.memref_slice %arg7[%dma_start3A_133, %dma_start3A_134, %dma_start3A_135] : memref<4x1024x16xf32, #tpu.memory_space<vmem>> -> memref<1x1024x16xf32, #tpu.memory_space<vmem>>
      %dma_start3A_137 = tpu.memref_squeeze %dma_start3A_136 : memref<1x1024x16xf32, #tpu.memory_space<vmem>> -> memref<1024x16xf32, #tpu.memory_space<vmem>>
      %dma_start3A_138 = arith.constant 0 : i32
      %dma_start3A_139 = tpu.memref_slice %dma_start3A_137[%mul3A_132, %dma_start3A_138] : memref<1024x16xf32, #tpu.memory_space<vmem>> -> memref<128x16xf32, #tpu.memory_space<vmem>>
      %dma_start3A_140 = arith.constant 0 : i32
      %dma_start3A_141 = arith.constant 0 : i32
      %dma_start3A_142 = tpu.memref_slice %arg6[%dma_start3A, %dma_start3A_140, %dma_start3A_141] : memref<4x8x128xi32, #tpu.memory_space<vmem>> -> memref<1x8x128xi32, #tpu.memory_space<vmem>>
      %dma_start3A_143 = tpu.memref_squeeze %dma_start3A_142 : memref<1x8x128xi32, #tpu.memory_space<vmem>> -> memref<8x128xi32, #tpu.memory_space<vmem>>
      %dma_start3A_144 = arith.constant 0 : i32
      %dma_start3A_145 = tpu.memref_slice %dma_start3A_143[%scan3A_129, %dma_start3A_144] : memref<8x128xi32, #tpu.memory_space<vmem>> -> memref<1x128xi32, #tpu.memory_space<vmem>>
      %dma_start3A_146 = tpu.memref_squeeze %dma_start3A_145 : memref<1x128xi32, #tpu.memory_space<vmem>> -> memref<128xi32, #tpu.memory_space<vmem>>
      %dma_start3A_147 = arith.constant 0 : i32
      %dma_start3A_148 = arith.constant 0 : i32
      %dma_start3A_149 = tpu.memref_slice %arg2[%dma_start3A_147, %dma_start3A_148] : memref<3276800x16xf32, #tpu.memory_space<hbm>> -> memref<3276800x16xf32, #tpu.memory_space<hbm>>
      tpu.enqueue_indirect_dma source(%dma_start3A_149 : memref<3276800x16xf32, #tpu.memory_space<hbm>>) target(%dma_start3A_139 : memref<128x16xf32, #tpu.memory_space<vmem>>) offsets(%dma_start3A_146 : memref<128xi32, #tpu.memory_space<vmem>>) semaphore(%arg9 : memref<!tpu.dma_semaphore, #tpu.memory_space<semaphore_mem>>)
      %scan3A_150 = arith.constant 0 : i32
      scf.yield %scan3A_150 : i32
    }
    %scan3A_37 = arith.constant 8 : i32
    %scan3A_38 = arith.constant 0 : i32
    %scan3A_39 = arith.constant 25 : i32
    %scan3A_40 = arith.addi %scan3A_38, %scan3A_39 : i32
    %scan3A_41 = arith.constant 1 : i32
    %scan3A_42 = scf.for %scan3A_129 = %scan3A_38 to %scan3A_40 step %scan3A_41 iter_args(%scan3A_130 = %broadcast_in_dim3A_1) -> (vector<16xi32>)  : i32 {
      %get3A = arith.constant 0 : i32
      %get3A_131 = arith.constant 0 : i32
      %get3A_132 = arith.constant 0 : i32
      %get3A_133 = tpu.memref_slice %arg5[%scan3A_129, %get3A_131, %get3A_132] : memref<25x8x128xi32, #tpu.memory_space<vmem>> -> memref<1x8x128xi32, #tpu.memory_space<vmem>>
      %get3A_134 = tpu.memref_squeeze %get3A_133 : memref<1x8x128xi32, #tpu.memory_space<vmem>> -> memref<8x128xi32, #tpu.memory_space<vmem>>
      %get3A_135 = arith.constant 0 : i32
      %get3A_136 = tpu.memref_slice %get3A_134[%get3A, %get3A_135] : memref<8x128xi32, #tpu.memory_space<vmem>> -> memref<1x128xi32, #tpu.memory_space<vmem>>
      %get3A_137 = tpu.memref_squeeze %get3A_136 : memref<1x128xi32, #tpu.memory_space<vmem>> -> memref<128xi32, #tpu.memory_space<vmem>>
      %get3A_138 = arith.constant 16 : index
      %get3A_139 = tpu.vector_load %get3A_137[%get3A_138] {strides = array<i32>} : memref<128xi32, #tpu.memory_space<vmem>>, vector<16xi32>,
      %add3A_140 = arith.addi %scan3A_130, %get3A_139 : vector<16xi32>
      %get3A_141 = arith.constant 1 : i32
      %get3A_142 = arith.constant 0 : i32
      %get3A_143 = arith.constant 0 : i32
      %get3A_144 = tpu.memref_slice %arg5[%scan3A_129, %get3A_142, %get3A_143] : memref<25x8x128xi32, #tpu.memory_space<vmem>> -> memref<1x8x128xi32, #tpu.memory_space<vmem>>
      %get3A_145 = tpu.memref_squeeze %get3A_144 : memref<1x8x128xi32, #tpu.memory_space<vmem>> -> memref<8x128xi32, #tpu.memory_space<vmem>>
      %get3A_146 = arith.constant 0 : i32
      %get3A_147 = tpu.memref_slice %get3A_145[%get3A_141, %get3A_146] : memref<8x128xi32, #tpu.memory_space<vmem>> -> memref<1x128xi32, #tpu.memory_space<vmem>>
      %get3A_148 = tpu.memref_squeeze %get3A_147 : memref<1x128xi32, #tpu.memory_space<vmem>> -> memref<128xi32, #tpu.memory_space<vmem>>
      %get3A_149 = arith.constant 16 : index
      %get3A_150 = tpu.vector_load %get3A_148[%get3A_149] {strides = array<i32>} : memref<128xi32, #tpu.memory_space<vmem>>, vector<16xi32>,
      %add3A_151 = arith.addi %add3A_140, %get3A_150 : vector<16xi32>
      %get3A_152 = arith.constant 2 : i32
      %get3A_153 = arith.constant 0 : i32
      %get3A_154 = arith.constant 0 : i32
      %get3A_155 = tpu.memref_slice %arg5[%scan3A_129, %get3A_153, %get3A_154] : memref<25x8x128xi32, #tpu.memory_space<vmem>> -> memref<1x8x128xi32, #tpu.memory_space<vmem>>
      %get3A_156 = tpu.memref_squeeze %get3A_155 : memref<1x8x128xi32, #tpu.memory_space<vmem>> -> memref<8x128xi32, #tpu.memory_space<vmem>>
      %get3A_157 = arith.constant 0 : i32
      %get3A_158 = tpu.memref_slice %get3A_156[%get3A_152, %get3A_157] : memref<8x128xi32, #tpu.memory_space<vmem>> -> memref<1x128xi32, #tpu.memory_space<vmem>>
      %get3A_159 = tpu.memref_squeeze %get3A_158 : memref<1x128xi32, #tpu.memory_space<vmem>> -> memref<128xi32, #tpu.memory_space<vmem>>
      %get3A_160 = arith.constant 16 : index
      %get3A_161 = tpu.vector_load %get3A_159[%get3A_160] {strides = array<i32>} : memref<128xi32, #tpu.memory_space<vmem>>, vector<16xi32>,
      %add3A_162 = arith.addi %add3A_151, %get3A_161 : vector<16xi32>
      %get3A_163 = arith.constant 3 : i32
      %get3A_164 = arith.constant 0 : i32
      %get3A_165 = arith.constant 0 : i32
      %get3A_166 = tpu.memref_slice %arg5[%scan3A_129, %get3A_164, %get3A_165] : memref<25x8x128xi32, #tpu.memory_space<vmem>> -> memref<1x8x128xi32, #tpu.memory_space<vmem>>
      %get3A_167 = tpu.memref_squeeze %get3A_166 : memref<1x8x128xi32, #tpu.memory_space<vmem>> -> memref<8x128xi32, #tpu.memory_space<vmem>>
      %get3A_168 = arith.constant 0 : i32
      %get3A_169 = tpu.memref_slice %get3A_167[%get3A_163, %get3A_168] : memref<8x128xi32, #tpu.memory_space<vmem>> -> memref<1x128xi32, #tpu.memory_space<vmem>>
      %get3A_170 = tpu.memref_squeeze %get3A_169 : memref<1x128xi32, #tpu.memory_space<vmem>> -> memref<128xi32, #tpu.memory_space<vmem>>
      %get3A_171 = arith.constant 16 : index
      %get3A_172 = tpu.vector_load %get3A_170[%get3A_171] {strides = array<i32>} : memref<128xi32, #tpu.memory_space<vmem>>, vector<16xi32>,
      %add3A_173 = arith.addi %add3A_162, %get3A_172 : vector<16xi32>
      %get3A_174 = arith.constant 4 : i32
      %get3A_175 = arith.constant 0 : i32
      %get3A_176 = arith.constant 0 : i32
      %get3A_177 = tpu.memref_slice %arg5[%scan3A_129, %get3A_175, %get3A_176] : memref<25x8x128xi32, #tpu.memory_space<vmem>> -> memref<1x8x128xi32, #tpu.memory_space<vmem>>
      %get3A_178 = tpu.memref_squeeze %get3A_177 : memref<1x8x128xi32, #tpu.memory_space<vmem>> -> memref<8x128xi32, #tpu.memory_space<vmem>>
      %get3A_179 = arith.constant 0 : i32
      %get3A_180 = tpu.memref_slice %get3A_178[%get3A_174, %get3A_179] : memref<8x128xi32, #tpu.memory_space<vmem>> -> memref<1x128xi32, #tpu.memory_space<vmem>>
      %get3A_181 = tpu.memref_squeeze %get3A_180 : memref<1x128xi32, #tpu.memory_space<vmem>> -> memref<128xi32, #tpu.memory_space<vmem>>
      %get3A_182 = arith.constant 16 : index
      %get3A_183 = tpu.vector_load %get3A_181[%get3A_182] {strides = array<i32>} : memref<128xi32, #tpu.memory_space<vmem>>, vector<16xi32>,
      %add3A_184 = arith.addi %add3A_173, %get3A_183 : vector<16xi32>
      %get3A_185 = arith.constant 5 : i32
      %get3A_186 = arith.constant 0 : i32
      %get3A_187 = arith.constant 0 : i32
      %get3A_188 = tpu.memref_slice %arg5[%scan3A_129, %get3A_186, %get3A_187] : memref<25x8x128xi32, #tpu.memory_space<vmem>> -> memref<1x8x128xi32, #tpu.memory_space<vmem>>
      %get3A_189 = tpu.memref_squeeze %get3A_188 : memref<1x8x128xi32, #tpu.memory_space<vmem>> -> memref<8x128xi32, #tpu.memory_space<vmem>>
      %get3A_190 = arith.constant 0 : i32
      %get3A_191 = tpu.memref_slice %get3A_189[%get3A_185, %get3A_190] : memref<8x128xi32, #tpu.memory_space<vmem>> -> memref<1x128xi32, #tpu.memory_space<vmem>>
      %get3A_192 = tpu.memref_squeeze %get3A_191 : memref<1x128xi32, #tpu.memory_space<vmem>> -> memref<128xi32, #tpu.memory_space<vmem>>
      %get3A_193 = arith.constant 16 : index
      %get3A_194 = tpu.vector_load %get3A_192[%get3A_193] {strides = array<i32>} : memref<128xi32, #tpu.memory_space<vmem>>, vector<16xi32>,
      %add3A_195 = arith.addi %add3A_184, %get3A_194 : vector<16xi32>
      %get3A_196 = arith.constant 6 : i32
      %get3A_197 = arith.constant 0 : i32
      %get3A_198 = arith.constant 0 : i32
      %get3A_199 = tpu.memref_slice %arg5[%scan3A_129, %get3A_197, %get3A_198] : memref<25x8x128xi32, #tpu.memory_space<vmem>> -> memref<1x8x128xi32, #tpu.memory_space<vmem>>
      %get3A_200 = tpu.memref_squeeze %get3A_199 : memref<1x8x128xi32, #tpu.memory_space<vmem>> -> memref<8x128xi32, #tpu.memory_space<vmem>>
      %get3A_201 = arith.constant 0 : i32
      %get3A_202 = tpu.memref_slice %get3A_200[%get3A_196, %get3A_201] : memref<8x128xi32, #tpu.memory_space<vmem>> -> memref<1x128xi32, #tpu.memory_space<vmem>>
      %get3A_203 = tpu.memref_squeeze %get3A_202 : memref<1x128xi32, #tpu.memory_space<vmem>> -> memref<128xi32, #tpu.memory_space<vmem>>
      %get3A_204 = arith.constant 16 : index
      %get3A_205 = tpu.vector_load %get3A_203[%get3A_204] {strides = array<i32>} : memref<128xi32, #tpu.memory_space<vmem>>, vector<16xi32>,
      %add3A_206 = arith.addi %add3A_195, %get3A_205 : vector<16xi32>
      %get3A_207 = arith.constant 7 : i32
      %get3A_208 = arith.constant 0 : i32
      %get3A_209 = arith.constant 0 : i32
      %get3A_210 = tpu.memref_slice %arg5[%scan3A_129, %get3A_208, %get3A_209] : memref<25x8x128xi32, #tpu.memory_space<vmem>> -> memref<1x8x128xi32, #tpu.memory_space<vmem>>
      %get3A_211 = tpu.memref_squeeze %get3A_210 : memref<1x8x128xi32, #tpu.memory_space<vmem>> -> memref<8x128xi32, #tpu.memory_space<vmem>>
      %get3A_212 = arith.constant 0 : i32
      %get3A_213 = tpu.memref_slice %get3A_211[%get3A_207, %get3A_212] : memref<8x128xi32, #tpu.memory_space<vmem>> -> memref<1x128xi32, #tpu.memory_space<vmem>>
      %get3A_214 = tpu.memref_squeeze %get3A_213 : memref<1x128xi32, #tpu.memory_space<vmem>> -> memref<128xi32, #tpu.memory_space<vmem>>
      %get3A_215 = arith.constant 16 : index
      %get3A_216 = tpu.vector_load %get3A_214[%get3A_215] {strides = array<i32>} : memref<128xi32, #tpu.memory_space<vmem>>, vector<16xi32>,
      %add3A_217 = arith.addi %add3A_206, %get3A_216 : vector<16xi32>
      scf.yield %add3A_217 : vector<16xi32>
    }
    %scan3A_43 = arith.constant 25 : i32
    %min3A_44 = arith.constant 199 : i32
    %min3A_45 = vector.broadcast %min3A_44 : i32 to vector<16xi32>
    %min3A_46 = arith.minsi %scan3A_42, %min3A_45 : vector<16xi32>
    %sub3A_47 = arith.constant 1 : i32
    %sub3A_48 = vector.broadcast %sub3A_47 : i32 to vector<16xi32>
    %sub3A_49 = arith.subi %min3A_46, %sub3A_48 : vector<16xi32>
    %lt3A_50 = arith.constant 0 : i32
    %lt3A_51 = vector.broadcast %lt3A_50 : i32 to vector<16xi32>
    %lt3A_52 = arith.cmpi slt, %sub3A_49, %lt3A_51 : vector<16xi32>
    %jit3A_53 = arith.constant 199 : i32
    %broadcast_in_dim3A_54 = vector.broadcast %jit3A_53 : i32 to vector<16xi32>
    %select_n3A_55 = arith.select %lt3A_52, %broadcast_in_dim3A_54, %sub3A_49 : vector<16xi1>, vector<16xi32>
    %mul3A_56 = arith.constant 16384 : i32
    %mul3A_57 = vector.broadcast %mul3A_56 : i32 to vector<16xi32>
    %mul3A_58 = arith.muli %select_n3A_55, %mul3A_57 : vector<16xi32>
    %mul3A_59 = arith.constant 64 : i32
    %mul3A_60 = arith.muli %add3A, %mul3A_59 : i32
    %add3A_61 = vector.broadcast %mul3A_60 : i32 to vector<16xi32>
    %add3A_62 = arith.addi %mul3A_58, %add3A_61 : vector<16xi32>
    %add3A_63 = arith.constant 1 : i32
    %add3A_64 = vector.broadcast %add3A_63 : i32 to vector<16xi32>
    %add3A_65 = arith.addi %add3A_62, %add3A_64 : vector<16xi32>
    %scan3A_66 = arith.constant 0 : i32
    %scan3A_67 = arith.constant 0 : i32
    %scan3A_68 = arith.constant 8 : i32
    %scan3A_69 = arith.addi %scan3A_67, %scan3A_68 : i32
    %scan3A_70 = arith.constant 1 : i32
    %scan3A_71 = scf.for %scan3A_129 = %scan3A_67 to %scan3A_69 step %scan3A_70 iter_args(%scan3A_130 = %scan3A_66) -> (i32)  : i32 {
      %mul3A_131 = arith.constant 2048 : i32
      %mul3A_132 = arith.muli %scan3A_129, %mul3A_131 : i32
      %add3A_133 = vector.broadcast %mul3A_132 : i32 to vector<16xi32>
      %add3A_134 = arith.addi %add3A_65, %add3A_133 : vector<16xi32>
      %add3A_135 = arith.constant 0 : i32
      %add3A_136 = vector.broadcast %add3A_135 : i32 to vector<16xi32>
      %add3A_137 = arith.addi %add3A_134, %add3A_136 : vector<16xi32>
      %swap3A = arith.constant 1 : i32
      %swap3A_138 = arith.constant 0 : i32
      %swap3A_139 = arith.constant 0 : i32
      %swap3A_140 = tpu.memref_slice %arg6[%swap3A, %swap3A_138, %swap3A_139] : memref<4x8x128xi32, #tpu.memory_space<vmem>> -> memref<1x8x128xi32, #tpu.memory_space<vmem>>
      %swap3A_141 = tpu.memref_squeeze %swap3A_140 : memref<1x8x128xi32, #tpu.memory_space<vmem>> -> memref<8x128xi32, #tpu.memory_space<vmem>>
      %swap3A_142 = arith.constant 0 : i32
      %swap3A_143 = tpu.memref_slice %swap3A_141[%scan3A_129, %swap3A_142] : memref<8x128xi32, #tpu.memory_space<vmem>> -> memref<1x128xi32, #tpu.memory_space<vmem>>
      %swap3A_144 = tpu.memref_squeeze %swap3A_143 : memref<1x128xi32, #tpu.memory_space<vmem>> -> memref<128xi32, #tpu.memory_space<vmem>>
      %swap3A_145 = arith.constant 0 : index
      %swap3A_146 = tpu.vector_load %swap3A_144[%swap3A_145] {strides = array<i32>} : memref<128xi32, #tpu.memory_space<vmem>>, vector<16xi32>,
      tpu.vector_store %swap3A_144[%swap3A_145], %add3A_137 {strides = array<i32>} : memref<128xi32, #tpu.memory_space<vmem>>, vector<16xi32>,
      %mul3A_147 = arith.constant 2048 : i32
      %mul3A_148 = arith.muli %scan3A_129, %mul3A_147 : i32
      %add3A_149 = vector.broadcast %mul3A_148 : i32 to vector<16xi32>
      %add3A_150 = arith.addi %add3A_65, %add3A_149 : vector<16xi32>
      %add3A_151 = arith.constant 8 : i32
      %add3A_152 = vector.broadcast %add3A_151 : i32 to vector<16xi32>
      %add3A_153 = arith.addi %add3A_150, %add3A_152 : vector<16xi32>
      %swap3A_154 = arith.constant 1 : i32
      %swap3A_155 = arith.constant 0 : i32
      %swap3A_156 = arith.constant 0 : i32
      %swap3A_157 = tpu.memref_slice %arg6[%swap3A_154, %swap3A_155, %swap3A_156] : memref<4x8x128xi32, #tpu.memory_space<vmem>> -> memref<1x8x128xi32, #tpu.memory_space<vmem>>
      %swap3A_158 = tpu.memref_squeeze %swap3A_157 : memref<1x8x128xi32, #tpu.memory_space<vmem>> -> memref<8x128xi32, #tpu.memory_space<vmem>>
      %swap3A_159 = arith.constant 0 : i32
      %swap3A_160 = tpu.memref_slice %swap3A_158[%scan3A_129, %swap3A_159] : memref<8x128xi32, #tpu.memory_space<vmem>> -> memref<1x128xi32, #tpu.memory_space<vmem>>
      %swap3A_161 = tpu.memref_squeeze %swap3A_160 : memref<1x128xi32, #tpu.memory_space<vmem>> -> memref<128xi32, #tpu.memory_space<vmem>>
      %swap3A_162 = arith.constant 16 : index
      %swap3A_163 = tpu.vector_load %swap3A_161[%swap3A_162] {strides = array<i32>} : memref<128xi32, #tpu.memory_space<vmem>>, vector<16xi32>,
      tpu.vector_store %swap3A_161[%swap3A_162], %add3A_153 {strides = array<i32>} : memref<128xi32, #tpu.memory_space<vmem>>, vector<16xi32>,
      %mul3A_164 = arith.constant 2048 : i32
      %mul3A_165 = arith.muli %scan3A_129, %mul3A_164 : i32
      %add3A_166 = vector.broadcast %mul3A_165 : i32 to vector<16xi32>
      %add3A_167 = arith.addi %add3A_65, %add3A_166 : vector<16xi32>
      %add3A_168 = arith.constant 16 : i32
      %add3A_169 = vector.broadcast %add3A_168 : i32 to vector<16xi32>
      %add3A_170 = arith.addi %add3A_167, %add3A_169 : vector<16xi32>
      %swap3A_171 = arith.constant 1 : i32
      %swap3A_172 = arith.constant 0 : i32
      %swap3A_173 = arith.constant 0 : i32
      %swap3A_174 = tpu.memref_slice %arg6[%swap3A_171, %swap3A_172, %swap3A_173] : memref<4x8x128xi32, #tpu.memory_space<vmem>> -> memref<1x8x128xi32, #tpu.memory_space<vmem>>
      %swap3A_175 = tpu.memref_squeeze %swap3A_174 : memref<1x8x128xi32, #tpu.memory_space<vmem>> -> memref<8x128xi32, #tpu.memory_space<vmem>>
      %swap3A_176 = arith.constant 0 : i32
      %swap3A_177 = tpu.memref_slice %swap3A_175[%scan3A_129, %swap3A_176] : memref<8x128xi32, #tpu.memory_space<vmem>> -> memref<1x128xi32, #tpu.memory_space<vmem>>
      %swap3A_178 = tpu.memref_squeeze %swap3A_177 : memref<1x128xi32, #tpu.memory_space<vmem>> -> memref<128xi32, #tpu.memory_space<vmem>>
      %swap3A_179 = arith.constant 32 : index
      %swap3A_180 = tpu.vector_load %swap3A_178[%swap3A_179] {strides = array<i32>} : memref<128xi32, #tpu.memory_space<vmem>>, vector<16xi32>,
      tpu.vector_store %swap3A_178[%swap3A_179], %add3A_170 {strides = array<i32>} : memref<128xi32, #tpu.memory_space<vmem>>, vector<16xi32>,
      %mul3A_181 = arith.constant 2048 : i32
      %mul3A_182 = arith.muli %scan3A_129, %mul3A_181 : i32
      %add3A_183 = vector.broadcast %mul3A_182 : i32 to vector<16xi32>
      %add3A_184 = arith.addi %add3A_65, %add3A_183 : vector<16xi32>
      %add3A_185 = arith.constant 24 : i32
      %add3A_186 = vector.broadcast %add3A_185 : i32 to vector<16xi32>
      %add3A_187 = arith.addi %add3A_184, %add3A_186 : vector<16xi32>
      %swap3A_188 = arith.constant 1 : i32
      %swap3A_189 = arith.constant 0 : i32
      %swap3A_190 = arith.constant 0 : i32
      %swap3A_191 = tpu.memref_slice %arg6[%swap3A_188, %swap3A_189, %swap3A_190] : memref<4x8x128xi32, #tpu.memory_space<vmem>> -> memref<1x8x128xi32, #tpu.memory_space<vmem>>
      %swap3A_192 = tpu.memref_squeeze %swap3A_191 : memref<1x8x128xi32, #tpu.memory_space<vmem>> -> memref<8x128xi32, #tpu.memory_space<vmem>>
      %swap3A_193 = arith.constant 0 : i32
      %swap3A_194 = tpu.memref_slice %swap3A_192[%scan3A_129, %swap3A_193] : memref<8x128xi32, #tpu.memory_space<vmem>> -> memref<1x128xi32, #tpu.memory_space<vmem>>
      %swap3A_195 = tpu.memref_squeeze %swap3A_194 : memref<1x128xi32, #tpu.memory_space<vmem>> -> memref<128xi32, #tpu.memory_space<vmem>>
      %swap3A_196 = arith.constant 48 : index
      %swap3A_197 = tpu.vector_load %swap3A_195[%swap3A_196] {strides = array<i32>} : memref<128xi32, #tpu.memory_space<vmem>>, vector<16xi32>,
      tpu.vector_store %swap3A_195[%swap3A_196], %add3A_187 {strides = array<i32>} : memref<128xi32, #tpu.memory_space<vmem>>, vector<16xi32>,
      %mul3A_198 = arith.constant 2048 : i32
      %mul3A_199 = arith.muli %scan3A_129, %mul3A_198 : i32
      %add3A_200 = vector.broadcast %mul3A_199 : i32 to vector<16xi32>
      %add3A_201 = arith.addi %add3A_65, %add3A_200 : vector<16xi32>
      %add3A_202 = arith.constant 32 : i32
      %add3A_203 = vector.broadcast %add3A_202 : i32 to vector<16xi32>
      %add3A_204 = arith.addi %add3A_201, %add3A_203 : vector<16xi32>
      %swap3A_205 = arith.constant 1 : i32
      %swap3A_206 = arith.constant 0 : i32
      %swap3A_207 = arith.constant 0 : i32
      %swap3A_208 = tpu.memref_slice %arg6[%swap3A_205, %swap3A_206, %swap3A_207] : memref<4x8x128xi32, #tpu.memory_space<vmem>> -> memref<1x8x128xi32, #tpu.memory_space<vmem>>
      %swap3A_209 = tpu.memref_squeeze %swap3A_208 : memref<1x8x128xi32, #tpu.memory_space<vmem>> -> memref<8x128xi32, #tpu.memory_space<vmem>>
      %swap3A_210 = arith.constant 0 : i32
      %swap3A_211 = tpu.memref_slice %swap3A_209[%scan3A_129, %swap3A_210] : memref<8x128xi32, #tpu.memory_space<vmem>> -> memref<1x128xi32, #tpu.memory_space<vmem>>
      %swap3A_212 = tpu.memref_squeeze %swap3A_211 : memref<1x128xi32, #tpu.memory_space<vmem>> -> memref<128xi32, #tpu.memory_space<vmem>>
      %swap3A_213 = arith.constant 64 : index
      %swap3A_214 = tpu.vector_load %swap3A_212[%swap3A_213] {strides = array<i32>} : memref<128xi32, #tpu.memory_space<vmem>>, vector<16xi32>,
      tpu.vector_store %swap3A_212[%swap3A_213], %add3A_204 {strides = array<i32>} : memref<128xi32, #tpu.memory_space<vmem>>, vector<16xi32>,
      %mul3A_215 = arith.constant 2048 : i32
      %mul3A_216 = arith.muli %scan3A_129, %mul3A_215 : i32
      %add3A_217 = vector.broadcast %mul3A_216 : i32 to vector<16xi32>
      %add3A_218 = arith.addi %add3A_65, %add3A_217 : vector<16xi32>
      %add3A_219 = arith.constant 40 : i32
      %add3A_220 = vector.broadcast %add3A_219 : i32 to vector<16xi32>
      %add3A_221 = arith.addi %add3A_218, %add3A_220 : vector<16xi32>
      %swap3A_222 = arith.constant 1 : i32
      %swap3A_223 = arith.constant 0 : i32
      %swap3A_224 = arith.constant 0 : i32
      %swap3A_225 = tpu.memref_slice %arg6[%swap3A_222, %swap3A_223, %swap3A_224] : memref<4x8x128xi32, #tpu.memory_space<vmem>> -> memref<1x8x128xi32, #tpu.memory_space<vmem>>
      %swap3A_226 = tpu.memref_squeeze %swap3A_225 : memref<1x8x128xi32, #tpu.memory_space<vmem>> -> memref<8x128xi32, #tpu.memory_space<vmem>>
      %swap3A_227 = arith.constant 0 : i32
      %swap3A_228 = tpu.memref_slice %swap3A_226[%scan3A_129, %swap3A_227] : memref<8x128xi32, #tpu.memory_space<vmem>> -> memref<1x128xi32, #tpu.memory_space<vmem>>
      %swap3A_229 = tpu.memref_squeeze %swap3A_228 : memref<1x128xi32, #tpu.memory_space<vmem>> -> memref<128xi32, #tpu.memory_space<vmem>>
      %swap3A_230 = arith.constant 80 : index
      %swap3A_231 = tpu.vector_load %swap3A_229[%swap3A_230] {strides = array<i32>} : memref<128xi32, #tpu.memory_space<vmem>>, vector<16xi32>,
      tpu.vector_store %swap3A_229[%swap3A_230], %add3A_221 {strides = array<i32>} : memref<128xi32, #tpu.memory_space<vmem>>, vector<16xi32>,
      %mul3A_232 = arith.constant 2048 : i32
      %mul3A_233 = arith.muli %scan3A_129, %mul3A_232 : i32
      %add3A_234 = vector.broadcast %mul3A_233 : i32 to vector<16xi32>
      %add3A_235 = arith.addi %add3A_65, %add3A_234 : vector<16xi32>
      %add3A_236 = arith.constant 48 : i32
      %add3A_237 = vector.broadcast %add3A_236 : i32 to vector<16xi32>
      %add3A_238 = arith.addi %add3A_235, %add3A_237 : vector<16xi32>
      %swap3A_239 = arith.constant 1 : i32
      %swap3A_240 = arith.constant 0 : i32
      %swap3A_241 = arith.constant 0 : i32
      %swap3A_242 = tpu.memref_slice %arg6[%swap3A_239, %swap3A_240, %swap3A_241] : memref<4x8x128xi32, #tpu.memory_space<vmem>> -> memref<1x8x128xi32, #tpu.memory_space<vmem>>
      %swap3A_243 = tpu.memref_squeeze %swap3A_242 : memref<1x8x128xi32, #tpu.memory_space<vmem>> -> memref<8x128xi32, #tpu.memory_space<vmem>>
      %swap3A_244 = arith.constant 0 : i32
      %swap3A_245 = tpu.memref_slice %swap3A_243[%scan3A_129, %swap3A_244] : memref<8x128xi32, #tpu.memory_space<vmem>> -> memref<1x128xi32, #tpu.memory_space<vmem>>
      %swap3A_246 = tpu.memref_squeeze %swap3A_245 : memref<1x128xi32, #tpu.memory_space<vmem>> -> memref<128xi32, #tpu.memory_space<vmem>>
      %swap3A_247 = arith.constant 96 : index
      %swap3A_248 = tpu.vector_load %swap3A_246[%swap3A_247] {strides = array<i32>} : memref<128xi32, #tpu.memory_space<vmem>>, vector<16xi32>,
      tpu.vector_store %swap3A_246[%swap3A_247], %add3A_238 {strides = array<i32>} : memref<128xi32, #tpu.memory_space<vmem>>, vector<16xi32>,
      %mul3A_249 = arith.constant 2048 : i32
      %mul3A_250 = arith.muli %scan3A_129, %mul3A_249 : i32
      %add3A_251 = vector.broadcast %mul3A_250 : i32 to vector<16xi32>
      %add3A_252 = arith.addi %add3A_65, %add3A_251 : vector<16xi32>
      %add3A_253 = arith.constant 56 : i32
      %add3A_254 = vector.broadcast %add3A_253 : i32 to vector<16xi32>
      %add3A_255 = arith.addi %add3A_252, %add3A_254 : vector<16xi32>
      %swap3A_256 = arith.constant 1 : i32
      %swap3A_257 = arith.constant 0 : i32
      %swap3A_258 = arith.constant 0 : i32
      %swap3A_259 = tpu.memref_slice %arg6[%swap3A_256, %swap3A_257, %swap3A_258] : memref<4x8x128xi32, #tpu.memory_space<vmem>> -> memref<1x8x128xi32, #tpu.memory_space<vmem>>
      %swap3A_260 = tpu.memref_squeeze %swap3A_259 : memref<1x8x128xi32, #tpu.memory_space<vmem>> -> memref<8x128xi32, #tpu.memory_space<vmem>>
      %swap3A_261 = arith.constant 0 : i32
      %swap3A_262 = tpu.memref_slice %swap3A_260[%scan3A_129, %swap3A_261] : memref<8x128xi32, #tpu.memory_space<vmem>> -> memref<1x128xi32, #tpu.memory_space<vmem>>
      %swap3A_263 = tpu.memref_squeeze %swap3A_262 : memref<1x128xi32, #tpu.memory_space<vmem>> -> memref<128xi32, #tpu.memory_space<vmem>>
      %swap3A_264 = arith.constant 112 : index
      %swap3A_265 = tpu.vector_load %swap3A_263[%swap3A_264] {strides = array<i32>} : memref<128xi32, #tpu.memory_space<vmem>>, vector<16xi32>,
      tpu.vector_store %swap3A_263[%swap3A_264], %add3A_255 {strides = array<i32>} : memref<128xi32, #tpu.memory_space<vmem>>, vector<16xi32>,
      %scan3A_266 = arith.constant 0 : i32
      scf.yield %scan3A_266 : i32
    }
    %scan3A_72 = arith.constant 8 : i32
    %scan3A_73 = arith.constant 0 : i32
    %scan3A_74 = arith.constant 0 : i32
    %scan3A_75 = arith.constant 8 : i32
    %scan3A_76 = arith.addi %scan3A_74, %scan3A_75 : i32
    %scan3A_77 = arith.constant 1 : i32
    %scan3A_78 = scf.for %scan3A_129 = %scan3A_74 to %scan3A_76 step %scan3A_77 iter_args(%scan3A_130 = %scan3A_73) -> (i32)  : i32 {
      %mul3A_131 = arith.constant 128 : i32
      %mul3A_132 = arith.muli %scan3A_129, %mul3A_131 : i32
      %dma_start3A = arith.constant 1 : i32
      %dma_start3A_133 = arith.constant 1 : i32
      %dma_start3A_134 = arith.constant 0 : i32
      %dma_start3A_135 = arith.constant 0 : i32
      %dma_start3A_136 = tpu.memref_slice %arg7[%dma_start3A_133, %dma_start3A_134, %dma_start3A_135] : memref<4x1024x16xf32, #tpu.memory_space<vmem>> -> memref<1x1024x16xf32, #tpu.memory_space<vmem>>
      %dma_start3A_137 = tpu.memref_squeeze %dma_start3A_136 : memref<1x1024x16xf32, #tpu.memory_space<vmem>> -> memref<1024x16xf32, #tpu.memory_space<vmem>>
      %dma_start3A_138 = arith.constant 0 : i32
      %dma_start3A_139 = tpu.memref_slice %dma_start3A_137[%mul3A_132, %dma_start3A_138] : memref<1024x16xf32, #tpu.memory_space<vmem>> -> memref<128x16xf32, #tpu.memory_space<vmem>>
      %dma_start3A_140 = arith.constant 0 : i32
      %dma_start3A_141 = arith.constant 0 : i32
      %dma_start3A_142 = tpu.memref_slice %arg6[%dma_start3A, %dma_start3A_140, %dma_start3A_141] : memref<4x8x128xi32, #tpu.memory_space<vmem>> -> memref<1x8x128xi32, #tpu.memory_space<vmem>>
      %dma_start3A_143 = tpu.memref_squeeze %dma_start3A_142 : memref<1x8x128xi32, #tpu.memory_space<vmem>> -> memref<8x128xi32, #tpu.memory_space<vmem>>
      %dma_start3A_144 = arith.constant 0 : i32
      %dma_start3A_145 = tpu.memref_slice %dma_start3A_143[%scan3A_129, %dma_start3A_144] : memref<8x128xi32, #tpu.memory_space<vmem>> -> memref<1x128xi32, #tpu.memory_space<vmem>>
      %dma_start3A_146 = tpu.memref_squeeze %dma_start3A_145 : memref<1x128xi32, #tpu.memory_space<vmem>> -> memref<128xi32, #tpu.memory_space<vmem>>
      %dma_start3A_147 = arith.constant 0 : i32
      %dma_start3A_148 = arith.constant 0 : i32
      %dma_start3A_149 = tpu.memref_slice %arg2[%dma_start3A_147, %dma_start3A_148] : memref<3276800x16xf32, #tpu.memory_space<hbm>> -> memref<3276800x16xf32, #tpu.memory_space<hbm>>
      tpu.enqueue_indirect_dma source(%dma_start3A_149 : memref<3276800x16xf32, #tpu.memory_space<hbm>>) target(%dma_start3A_139 : memref<128x16xf32, #tpu.memory_space<vmem>>) offsets(%dma_start3A_146 : memref<128xi32, #tpu.memory_space<vmem>>) semaphore(%arg10 : memref<!tpu.dma_semaphore, #tpu.memory_space<semaphore_mem>>)
      %scan3A_150 = arith.constant 0 : i32
      scf.yield %scan3A_150 : i32
    }
    %scan3A_79 = arith.constant 8 : i32
    %scan3A_80 = arith.constant 0 : i32
    %scan3A_81 = arith.constant 25 : i32
    %scan3A_82 = arith.addi %scan3A_80, %scan3A_81 : i32
    %scan3A_83 = arith.constant 1 : i32
    %scan3A_84 = scf.for %scan3A_129 = %scan3A_80 to %scan3A_82 step %scan3A_83 iter_args(%scan3A_130 = %broadcast_in_dim3A_1) -> (vector<16xi32>)  : i32 {
      %get3A = arith.constant 0 : i32
      %get3A_131 = arith.constant 0 : i32
      %get3A_132 = arith.constant 0 : i32
      %get3A_133 = tpu.memref_slice %arg5[%scan3A_129, %get3A_131, %get3A_132] : memref<25x8x128xi32, #tpu.memory_space<vmem>> -> memref<1x8x128xi32, #tpu.memory_space<vmem>>
      %get3A_134 = tpu.memref_squeeze %get3A_133 : memref<1x8x128xi32, #tpu.memory_space<vmem>> -> memref<8x128xi32, #tpu.memory_space<vmem>>
      %get3A_135 = arith.constant 0 : i32
      %get3A_136 = tpu.memref_slice %get3A_134[%get3A, %get3A_135] : memref<8x128xi32, #tpu.memory_space<vmem>> -> memref<1x128xi32, #tpu.memory_space<vmem>>
      %get3A_137 = tpu.memref_squeeze %get3A_136 : memref<1x128xi32, #tpu.memory_space<vmem>> -> memref<128xi32, #tpu.memory_space<vmem>>
      %get3A_138 = arith.constant 32 : index
      %get3A_139 = tpu.vector_load %get3A_137[%get3A_138] {strides = array<i32>} : memref<128xi32, #tpu.memory_space<vmem>>, vector<16xi32>,
      %add3A_140 = arith.addi %scan3A_130, %get3A_139 : vector<16xi32>
      %get3A_141 = arith.constant 1 : i32
      %get3A_142 = arith.constant 0 : i32
      %get3A_143 = arith.constant 0 : i32
      %get3A_144 = tpu.memref_slice %arg5[%scan3A_129, %get3A_142, %get3A_143] : memref<25x8x128xi32, #tpu.memory_space<vmem>> -> memref<1x8x128xi32, #tpu.memory_space<vmem>>
      %get3A_145 = tpu.memref_squeeze %get3A_144 : memref<1x8x128xi32, #tpu.memory_space<vmem>> -> memref<8x128xi32, #tpu.memory_space<vmem>>
      %get3A_146 = arith.constant 0 : i32
      %get3A_147 = tpu.memref_slice %get3A_145[%get3A_141, %get3A_146] : memref<8x128xi32, #tpu.memory_space<vmem>> -> memref<1x128xi32, #tpu.memory_space<vmem>>
      %get3A_148 = tpu.memref_squeeze %get3A_147 : memref<1x128xi32, #tpu.memory_space<vmem>> -> memref<128xi32, #tpu.memory_space<vmem>>
      %get3A_149 = arith.constant 32 : index
      %get3A_150 = tpu.vector_load %get3A_148[%get3A_149] {strides = array<i32>} : memref<128xi32, #tpu.memory_space<vmem>>, vector<16xi32>,
      %add3A_151 = arith.addi %add3A_140, %get3A_150 : vector<16xi32>
      %get3A_152 = arith.constant 2 : i32
      %get3A_153 = arith.constant 0 : i32
      %get3A_154 = arith.constant 0 : i32
      %get3A_155 = tpu.memref_slice %arg5[%scan3A_129, %get3A_153, %get3A_154] : memref<25x8x128xi32, #tpu.memory_space<vmem>> -> memref<1x8x128xi32, #tpu.memory_space<vmem>>
      %get3A_156 = tpu.memref_squeeze %get3A_155 : memref<1x8x128xi32, #tpu.memory_space<vmem>> -> memref<8x128xi32, #tpu.memory_space<vmem>>
      %get3A_157 = arith.constant 0 : i32
      %get3A_158 = tpu.memref_slice %get3A_156[%get3A_152, %get3A_157] : memref<8x128xi32, #tpu.memory_space<vmem>> -> memref<1x128xi32, #tpu.memory_space<vmem>>
      %get3A_159 = tpu.memref_squeeze %get3A_158 : memref<1x128xi32, #tpu.memory_space<vmem>> -> memref<128xi32, #tpu.memory_space<vmem>>
      %get3A_160 = arith.constant 32 : index
      %get3A_161 = tpu.vector_load %get3A_159[%get3A_160] {strides = array<i32>} : memref<128xi32, #tpu.memory_space<vmem>>, vector<16xi32>,
      %add3A_162 = arith.addi %add3A_151, %get3A_161 : vector<16xi32>
      %get3A_163 = arith.constant 3 : i32
      %get3A_164 = arith.constant 0 : i32
      %get3A_165 = arith.constant 0 : i32
      %get3A_166 = tpu.memref_slice %arg5[%scan3A_129, %get3A_164, %get3A_165] : memref<25x8x128xi32, #tpu.memory_space<vmem>> -> memref<1x8x128xi32, #tpu.memory_space<vmem>>
      %get3A_167 = tpu.memref_squeeze %get3A_166 : memref<1x8x128xi32, #tpu.memory_space<vmem>> -> memref<8x128xi32, #tpu.memory_space<vmem>>
      %get3A_168 = arith.constant 0 : i32
      %get3A_169 = tpu.memref_slice %get3A_167[%get3A_163, %get3A_168] : memref<8x128xi32, #tpu.memory_space<vmem>> -> memref<1x128xi32, #tpu.memory_space<vmem>>
      %get3A_170 = tpu.memref_squeeze %get3A_169 : memref<1x128xi32, #tpu.memory_space<vmem>> -> memref<128xi32, #tpu.memory_space<vmem>>
      %get3A_171 = arith.constant 32 : index
      %get3A_172 = tpu.vector_load %get3A_170[%get3A_171] {strides = array<i32>} : memref<128xi32, #tpu.memory_space<vmem>>, vector<16xi32>,
      %add3A_173 = arith.addi %add3A_162, %get3A_172 : vector<16xi32>
      %get3A_174 = arith.constant 4 : i32
      %get3A_175 = arith.constant 0 : i32
      %get3A_176 = arith.constant 0 : i32
      %get3A_177 = tpu.memref_slice %arg5[%scan3A_129, %get3A_175, %get3A_176] : memref<25x8x128xi32, #tpu.memory_space<vmem>> -> memref<1x8x128xi32, #tpu.memory_space<vmem>>
      %get3A_178 = tpu.memref_squeeze %get3A_177 : memref<1x8x128xi32, #tpu.memory_space<vmem>> -> memref<8x128xi32, #tpu.memory_space<vmem>>
      %get3A_179 = arith.constant 0 : i32
      %get3A_180 = tpu.memref_slice %get3A_178[%get3A_174, %get3A_179] : memref<8x128xi32, #tpu.memory_space<vmem>> -> memref<1x128xi32, #tpu.memory_space<vmem>>
      %get3A_181 = tpu.memref_squeeze %get3A_180 : memref<1x128xi32, #tpu.memory_space<vmem>> -> memref<128xi32, #tpu.memory_space<vmem>>
      %get3A_182 = arith.constant 32 : index
      %get3A_183 = tpu.vector_load %get3A_181[%get3A_182] {strides = array<i32>} : memref<128xi32, #tpu.memory_space<vmem>>, vector<16xi32>,
      %add3A_184 = arith.addi %add3A_173, %get3A_183 : vector<16xi32>
      %get3A_185 = arith.constant 5 : i32
      %get3A_186 = arith.constant 0 : i32
      %get3A_187 = arith.constant 0 : i32
      %get3A_188 = tpu.memref_slice %arg5[%scan3A_129, %get3A_186, %get3A_187] : memref<25x8x128xi32, #tpu.memory_space<vmem>> -> memref<1x8x128xi32, #tpu.memory_space<vmem>>
      %get3A_189 = tpu.memref_squeeze %get3A_188 : memref<1x8x128xi32, #tpu.memory_space<vmem>> -> memref<8x128xi32, #tpu.memory_space<vmem>>
      %get3A_190 = arith.constant 0 : i32
      %get3A_191 = tpu.memref_slice %get3A_189[%get3A_185, %get3A_190] : memref<8x128xi32, #tpu.memory_space<vmem>> -> memref<1x128xi32, #tpu.memory_space<vmem>>
      %get3A_192 = tpu.memref_squeeze %get3A_191 : memref<1x128xi32, #tpu.memory_space<vmem>> -> memref<128xi32, #tpu.memory_space<vmem>>
      %get3A_193 = arith.constant 32 : index
      %get3A_194 = tpu.vector_load %get3A_192[%get3A_193] {strides = array<i32>} : memref<128xi32, #tpu.memory_space<vmem>>, vector<16xi32>,
      %add3A_195 = arith.addi %add3A_184, %get3A_194 : vector<16xi32>
      %get3A_196 = arith.constant 6 : i32
      %get3A_197 = arith.constant 0 : i32
      %get3A_198 = arith.constant 0 : i32
      %get3A_199 = tpu.memref_slice %arg5[%scan3A_129, %get3A_197, %get3A_198] : memref<25x8x128xi32, #tpu.memory_space<vmem>> -> memref<1x8x128xi32, #tpu.memory_space<vmem>>
      %get3A_200 = tpu.memref_squeeze %get3A_199 : memref<1x8x128xi32, #tpu.memory_space<vmem>> -> memref<8x128xi32, #tpu.memory_space<vmem>>
      %get3A_201 = arith.constant 0 : i32
      %get3A_202 = tpu.memref_slice %get3A_200[%get3A_196, %get3A_201] : memref<8x128xi32, #tpu.memory_space<vmem>> -> memref<1x128xi32, #tpu.memory_space<vmem>>
      %get3A_203 = tpu.memref_squeeze %get3A_202 : memref<1x128xi32, #tpu.memory_space<vmem>> -> memref<128xi32, #tpu.memory_space<vmem>>
      %get3A_204 = arith.constant 32 : index
      %get3A_205 = tpu.vector_load %get3A_203[%get3A_204] {strides = array<i32>} : memref<128xi32, #tpu.memory_space<vmem>>, vector<16xi32>,
      %add3A_206 = arith.addi %add3A_195, %get3A_205 : vector<16xi32>
      %get3A_207 = arith.constant 7 : i32
      %get3A_208 = arith.constant 0 : i32
      %get3A_209 = arith.constant 0 : i32
      %get3A_210 = tpu.memref_slice %arg5[%scan3A_129, %get3A_208, %get3A_209] : memref<25x8x128xi32, #tpu.memory_space<vmem>> -> memref<1x8x128xi32, #tpu.memory_space<vmem>>
      %get3A_211 = tpu.memref_squeeze %get3A_210 : memref<1x8x128xi32, #tpu.memory_space<vmem>> -> memref<8x128xi32, #tpu.memory_space<vmem>>
      %get3A_212 = arith.constant 0 : i32
      %get3A_213 = tpu.memref_slice %get3A_211[%get3A_207, %get3A_212] : memref<8x128xi32, #tpu.memory_space<vmem>> -> memref<1x128xi32, #tpu.memory_space<vmem>>
      %get3A_214 = tpu.memref_squeeze %get3A_213 : memref<1x128xi32, #tpu.memory_space<vmem>> -> memref<128xi32, #tpu.memory_space<vmem>>
      %get3A_215 = arith.constant 32 : index
      %get3A_216 = tpu.vector_load %get3A_214[%get3A_215] {strides = array<i32>} : memref<128xi32, #tpu.memory_space<vmem>>, vector<16xi32>,
      %add3A_217 = arith.addi %add3A_206, %get3A_216 : vector<16xi32>
      scf.yield %add3A_217 : vector<16xi32>
    }
    %scan3A_85 = arith.constant 25 : i32
    %min3A_86 = arith.constant 199 : i32
    %min3A_87 = vector.broadcast %min3A_86 : i32 to vector<16xi32>
    %min3A_88 = arith.minsi %scan3A_84, %min3A_87 : vector<16xi32>
    %sub3A_89 = arith.constant 1 : i32
    %sub3A_90 = vector.broadcast %sub3A_89 : i32 to vector<16xi32>
    %sub3A_91 = arith.subi %min3A_88, %sub3A_90 : vector<16xi32>
    %lt3A_92 = arith.constant 0 : i32
    %lt3A_93 = vector.broadcast %lt3A_92 : i32 to vector<16xi32>
    %lt3A_94 = arith.cmpi slt, %sub3A_91, %lt3A_93 : vector<16xi32>
    %jit3A_95 = arith.constant 199 : i32
    %broadcast_in_dim3A_96 = vector.broadcast %jit3A_95 : i32 to vector<16xi32>
    %select_n3A_97 = arith.select %lt3A_94, %broadcast_in_dim3A_96, %sub3A_91 : vector<16xi1>, vector<16xi32>
    %mul3A_98 = arith.constant 16384 : i32
    %mul3A_99 = vector.broadcast %mul3A_98 : i32 to vector<16xi32>
    %mul3A_100 = arith.muli %select_n3A_97, %mul3A_99 : vector<16xi32>
    %mul3A_101 = arith.constant 64 : i32
    %mul3A_102 = arith.muli %add3A, %mul3A_101 : i32
    %add3A_103 = vector.broadcast %mul3A_102 : i32 to vector<16xi32>
    %add3A_104 = arith.addi %mul3A_100, %add3A_103 : vector<16xi32>
    %add3A_105 = arith.constant 2 : i32
    %add3A_106 = vector.broadcast %add3A_105 : i32 to vector<16xi32>
    %add3A_107 = arith.addi %add3A_104, %add3A_106 : vector<16xi32>
    %scan3A_108 = arith.constant 0 : i32
    %scan3A_109 = arith.constant 0 : i32
    %scan3A_110 = arith.constant 8 : i32
    %scan3A_111 = arith.addi %scan3A_109, %scan3A_110 : i32
    %scan3A_112 = arith.constant 1 : i32
    %scan3A_113 = scf.for %scan3A_129 = %scan3A_109 to %scan3A_111 step %scan3A_112 iter_args(%scan3A_130 = %scan3A_108) -> (i32)  : i32 {
      %mul3A_131 = arith.constant 2048 : i32
      %mul3A_132 = arith.muli %scan3A_129, %mul3A_131 : i32
      %add3A_133 = vector.broadcast %mul3A_132 : i32 to vector<16xi32>
      %add3A_134 = arith.addi %add3A_107, %add3A_133 : vector<16xi32>
      %add3A_135 = arith.constant 0 : i32
      %add3A_136 = vector.broadcast %add3A_135 : i32 to vector<16xi32>
      %add3A_137 = arith.addi %add3A_134, %add3A_136 : vector<16xi32>
      %swap3A = arith.constant 2 : i32
      %swap3A_138 = arith.constant 0 : i32
      %swap3A_139 = arith.constant 0 : i32
      %swap3A_140 = tpu.memref_slice %arg6[%swap3A, %swap3A_138, %swap3A_139] : memref<4x8x128xi32, #tpu.memory_space<vmem>> -> memref<1x8x128xi32, #tpu.memory_space<vmem>>
      %swap3A_141 = tpu.memref_squeeze %swap3A_140 : memref<1x8x128xi32, #tpu.memory_space<vmem>> -> memref<8x128xi32, #tpu.memory_space<vmem>>
      %swap3A_142 = arith.constant 0 : i32
      %swap3A_143 = tpu.memref_slice %swap3A_141[%scan3A_129, %swap3A_142] : memref<8x128xi32, #tpu.memory_space<vmem>> -> memref<1x128xi32, #tpu.memory_space<vmem>>
      %swap3A_144 = tpu.memref_squeeze %swap3A_143 : memref<1x128xi32, #tpu.memory_space<vmem>> -> memref<128xi32, #tpu.memory_space<vmem>>
      %swap3A_145 = arith.constant 0 : index
      %swap3A_146 = tpu.vector_load %swap3A_144[%swap3A_145] {strides = array<i32>} : memref<128xi32, #tpu.memory_space<vmem>>, vector<16xi32>,
      tpu.vector_store %swap3A_144[%swap3A_145], %add3A_137 {strides = array<i32>} : memref<128xi32, #tpu.memory_space<vmem>>, vector<16xi32>,
      %mul3A_147 = arith.constant 2048 : i32
      %mul3A_148 = arith.muli %scan3A_129, %mul3A_147 : i32
      %add3A_149 = vector.broadcast %mul3A_148 : i32 to vector<16xi32>
      %add3A_150 = arith.addi %add3A_107, %add3A_149 : vector<16xi32>
      %add3A_151 = arith.constant 8 : i32
      %add3A_152 = vector.broadcast %add3A_151 : i32 to vector<16xi32>
      %add3A_153 = arith.addi %add3A_150, %add3A_152 : vector<16xi32>
      %swap3A_154 = arith.constant 2 : i32
      %swap3A_155 = arith.constant 0 : i32
      %swap3A_156 = arith.constant 0 : i32
      %swap3A_157 = tpu.memref_slice %arg6[%swap3A_154, %swap3A_155, %swap3A_156] : memref<4x8x128xi32, #tpu.memory_space<vmem>> -> memref<1x8x128xi32, #tpu.memory_space<vmem>>
      %swap3A_158 = tpu.memref_squeeze %swap3A_157 : memref<1x8x128xi32, #tpu.memory_space<vmem>> -> memref<8x128xi32, #tpu.memory_space<vmem>>
      %swap3A_159 = arith.constant 0 : i32
      %swap3A_160 = tpu.memref_slice %swap3A_158[%scan3A_129, %swap3A_159] : memref<8x128xi32, #tpu.memory_space<vmem>> -> memref<1x128xi32, #tpu.memory_space<vmem>>
      %swap3A_161 = tpu.memref_squeeze %swap3A_160 : memref<1x128xi32, #tpu.memory_space<vmem>> -> memref<128xi32, #tpu.memory_space<vmem>>
      %swap3A_162 = arith.constant 16 : index
      %swap3A_163 = tpu.vector_load %swap3A_161[%swap3A_162] {strides = array<i32>} : memref<128xi32, #tpu.memory_space<vmem>>, vector<16xi32>,
      tpu.vector_store %swap3A_161[%swap3A_162], %add3A_153 {strides = array<i32>} : memref<128xi32, #tpu.memory_space<vmem>>, vector<16xi32>,
      %mul3A_164 = arith.constant 2048 : i32
      %mul3A_165 = arith.muli %scan3A_129, %mul3A_164 : i32
      %add3A_166 = vector.broadcast %mul3A_165 : i32 to vector<16xi32>
      %add3A_167 = arith.addi %add3A_107, %add3A_166 : vector<16xi32>
      %add3A_168 = arith.constant 16 : i32
      %add3A_169 = vector.broadcast %add3A_168 : i32 to vector<16xi32>
      %add3A_170 = arith.addi %add3A_167, %add3A_169 : vector<16xi32>
      %swap3A_171 = arith.constant 2 : i32
      %swap3A_172 = arith.constant 0 : i32
      %swap3A_173 = arith.constant 0 : i32
      %swap3A_174 = tpu.memref_slice %arg6[%swap3A_171, %swap3A_172, %swap3A_173] : memref<4x8x128xi32, #tpu.memory_space<vmem>> -> memref<1x8x128xi32, #tpu.memory_space<vmem>>
      %swap3A_175 = tpu.memref_squeeze %swap3A_174 : memref<1x8x128xi32, #tpu.memory_space<vmem>> -> memref<8x128xi32, #tpu.memory_space<vmem>>
      %swap3A_176 = arith.constant 0 : i32
      %swap3A_177 = tpu.memref_slice %swap3A_175[%scan3A_129, %swap3A_176] : memref<8x128xi32, #tpu.memory_space<vmem>> -> memref<1x128xi32, #tpu.memory_space<vmem>>
      %swap3A_178 = tpu.memref_squeeze %swap3A_177 : memref<1x128xi32, #tpu.memory_space<vmem>> -> memref<128xi32, #tpu.memory_space<vmem>>
      %swap3A_179 = arith.constant 32 : index
      %swap3A_180 = tpu.vector_load %swap3A_178[%swap3A_179] {strides = array<i32>} : memref<128xi32, #tpu.memory_space<vmem>>, vector<16xi32>,
      tpu.vector_store %swap3A_178[%swap3A_179], %add3A_170 {strides = array<i32>} : memref<128xi32, #tpu.memory_space<vmem>>, vector<16xi32>,
      %mul3A_181 = arith.constant 2048 : i32
      %mul3A_182 = arith.muli %scan3A_129, %mul3A_181 : i32
      %add3A_183 = vector.broadcast %mul3A_182 : i32 to vector<16xi32>
      %add3A_184 = arith.addi %add3A_107, %add3A_183 : vector<16xi32>
      %add3A_185 = arith.constant 24 : i32
      %add3A_186 = vector.broadcast %add3A_185 : i32 to vector<16xi32>
      %add3A_187 = arith.addi %add3A_184, %add3A_186 : vector<16xi32>
      %swap3A_188 = arith.constant 2 : i32
      %swap3A_189 = arith.constant 0 : i32
      %swap3A_190 = arith.constant 0 : i32
      %swap3A_191 = tpu.memref_slice %arg6[%swap3A_188, %swap3A_189, %swap3A_190] : memref<4x8x128xi32, #tpu.memory_space<vmem>> -> memref<1x8x128xi32, #tpu.memory_space<vmem>>
      %swap3A_192 = tpu.memref_squeeze %swap3A_191 : memref<1x8x128xi32, #tpu.memory_space<vmem>> -> memref<8x128xi32, #tpu.memory_space<vmem>>
      %swap3A_193 = arith.constant 0 : i32
      %swap3A_194 = tpu.memref_slice %swap3A_192[%scan3A_129, %swap3A_193] : memref<8x128xi32, #tpu.memory_space<vmem>> -> memref<1x128xi32, #tpu.memory_space<vmem>>
      %swap3A_195 = tpu.memref_squeeze %swap3A_194 : memref<1x128xi32, #tpu.memory_space<vmem>> -> memref<128xi32, #tpu.memory_space<vmem>>
      %swap3A_196 = arith.constant 48 : index
      %swap3A_197 = tpu.vector_load %swap3A_195[%swap3A_196] {strides = array<i32>} : memref<128xi32, #tpu.memory_space<vmem>>, vector<16xi32>,
      tpu.vector_store %swap3A_195[%swap3A_196], %add3A_187 {strides = array<i32>} : memref<128xi32, #tpu.memory_space<vmem>>, vector<16xi32>,
      %mul3A_198 = arith.constant 2048 : i32
      %mul3A_199 = arith.muli %scan3A_129, %mul3A_198 : i32
      %add3A_200 = vector.broadcast %mul3A_199 : i32 to vector<16xi32>
      %add3A_201 = arith.addi %add3A_107, %add3A_200 : vector<16xi32>
      %add3A_202 = arith.constant 32 : i32
      %add3A_203 = vector.broadcast %add3A_202 : i32 to vector<16xi32>
      %add3A_204 = arith.addi %add3A_201, %add3A_203 : vector<16xi32>
      %swap3A_205 = arith.constant 2 : i32
      %swap3A_206 = arith.constant 0 : i32
      %swap3A_207 = arith.constant 0 : i32
      %swap3A_208 = tpu.memref_slice %arg6[%swap3A_205, %swap3A_206, %swap3A_207] : memref<4x8x128xi32, #tpu.memory_space<vmem>> -> memref<1x8x128xi32, #tpu.memory_space<vmem>>
      %swap3A_209 = tpu.memref_squeeze %swap3A_208 : memref<1x8x128xi32, #tpu.memory_space<vmem>> -> memref<8x128xi32, #tpu.memory_space<vmem>>
      %swap3A_210 = arith.constant 0 : i32
      %swap3A_211 = tpu.memref_slice %swap3A_209[%scan3A_129, %swap3A_210] : memref<8x128xi32, #tpu.memory_space<vmem>> -> memref<1x128xi32, #tpu.memory_space<vmem>>
      %swap3A_212 = tpu.memref_squeeze %swap3A_211 : memref<1x128xi32, #tpu.memory_space<vmem>> -> memref<128xi32, #tpu.memory_space<vmem>>
      %swap3A_213 = arith.constant 64 : index
      %swap3A_214 = tpu.vector_load %swap3A_212[%swap3A_213] {strides = array<i32>} : memref<128xi32, #tpu.memory_space<vmem>>, vector<16xi32>,
      tpu.vector_store %swap3A_212[%swap3A_213], %add3A_204 {strides = array<i32>} : memref<128xi32, #tpu.memory_space<vmem>>, vector<16xi32>,
      %mul3A_215 = arith.constant 2048 : i32
      %mul3A_216 = arith.muli %scan3A_129, %mul3A_215 : i32
      %add3A_217 = vector.broadcast %mul3A_216 : i32 to vector<16xi32>
      %add3A_218 = arith.addi %add3A_107, %add3A_217 : vector<16xi32>
      %add3A_219 = arith.constant 40 : i32
      %add3A_220 = vector.broadcast %add3A_219 : i32 to vector<16xi32>
      %add3A_221 = arith.addi %add3A_218, %add3A_220 : vector<16xi32>
      %swap3A_222 = arith.constant 2 : i32
      %swap3A_223 = arith.constant 0 : i32
      %swap3A_224 = arith.constant 0 : i32
      %swap3A_225 = tpu.memref_slice %arg6[%swap3A_222, %swap3A_223, %swap3A_224] : memref<4x8x128xi32, #tpu.memory_space<vmem>> -> memref<1x8x128xi32, #tpu.memory_space<vmem>>
      %swap3A_226 = tpu.memref_squeeze %swap3A_225 : memref<1x8x128xi32, #tpu.memory_space<vmem>> -> memref<8x128xi32, #tpu.memory_space<vmem>>
      %swap3A_227 = arith.constant 0 : i32
      %swap3A_228 = tpu.memref_slice %swap3A_226[%scan3A_129, %swap3A_227] : memref<8x128xi32, #tpu.memory_space<vmem>> -> memref<1x128xi32, #tpu.memory_space<vmem>>
      %swap3A_229 = tpu.memref_squeeze %swap3A_228 : memref<1x128xi32, #tpu.memory_space<vmem>> -> memref<128xi32, #tpu.memory_space<vmem>>
      %swap3A_230 = arith.constant 80 : index
      %swap3A_231 = tpu.vector_load %swap3A_229[%swap3A_230] {strides = array<i32>} : memref<128xi32, #tpu.memory_space<vmem>>, vector<16xi32>,
      tpu.vector_store %swap3A_229[%swap3A_230], %add3A_221 {strides = array<i32>} : memref<128xi32, #tpu.memory_space<vmem>>, vector<16xi32>,
      %mul3A_232 = arith.constant 2048 : i32
      %mul3A_233 = arith.muli %scan3A_129, %mul3A_232 : i32
      %add3A_234 = vector.broadcast %mul3A_233 : i32 to vector<16xi32>
      %add3A_235 = arith.addi %add3A_107, %add3A_234 : vector<16xi32>
      %add3A_236 = arith.constant 48 : i32
      %add3A_237 = vector.broadcast %add3A_236 : i32 to vector<16xi32>
      %add3A_238 = arith.addi %add3A_235, %add3A_237 : vector<16xi32>
      %swap3A_239 = arith.constant 2 : i32
      %swap3A_240 = arith.constant 0 : i32
      %swap3A_241 = arith.constant 0 : i32
      %swap3A_242 = tpu.memref_slice %arg6[%swap3A_239, %swap3A_240, %swap3A_241] : memref<4x8x128xi32, #tpu.memory_space<vmem>> -> memref<1x8x128xi32, #tpu.memory_space<vmem>>
      %swap3A_243 = tpu.memref_squeeze %swap3A_242 : memref<1x8x128xi32, #tpu.memory_space<vmem>> -> memref<8x128xi32, #tpu.memory_space<vmem>>
      %swap3A_244 = arith.constant 0 : i32
      %swap3A_245 = tpu.memref_slice %swap3A_243[%scan3A_129, %swap3A_244] : memref<8x128xi32, #tpu.memory_space<vmem>> -> memref<1x128xi32, #tpu.memory_space<vmem>>
      %swap3A_246 = tpu.memref_squeeze %swap3A_245 : memref<1x128xi32, #tpu.memory_space<vmem>> -> memref<128xi32, #tpu.memory_space<vmem>>
      %swap3A_247 = arith.constant 96 : index
      %swap3A_248 = tpu.vector_load %swap3A_246[%swap3A_247] {strides = array<i32>} : memref<128xi32, #tpu.memory_space<vmem>>, vector<16xi32>,
      tpu.vector_store %swap3A_246[%swap3A_247], %add3A_238 {strides = array<i32>} : memref<128xi32, #tpu.memory_space<vmem>>, vector<16xi32>,
      %mul3A_249 = arith.constant 2048 : i32
      %mul3A_250 = arith.muli %scan3A_129, %mul3A_249 : i32
      %add3A_251 = vector.broadcast %mul3A_250 : i32 to vector<16xi32>
      %add3A_252 = arith.addi %add3A_107, %add3A_251 : vector<16xi32>
      %add3A_253 = arith.constant 56 : i32
      %add3A_254 = vector.broadcast %add3A_253 : i32 to vector<16xi32>
      %add3A_255 = arith.addi %add3A_252, %add3A_254 : vector<16xi32>
      %swap3A_256 = arith.constant 2 : i32
      %swap3A_257 = arith.constant 0 : i32
      %swap3A_258 = arith.constant 0 : i32
      %swap3A_259 = tpu.memref_slice %arg6[%swap3A_256, %swap3A_257, %swap3A_258] : memref<4x8x128xi32, #tpu.memory_space<vmem>> -> memref<1x8x128xi32, #tpu.memory_space<vmem>>
      %swap3A_260 = tpu.memref_squeeze %swap3A_259 : memref<1x8x128xi32, #tpu.memory_space<vmem>> -> memref<8x128xi32, #tpu.memory_space<vmem>>
      %swap3A_261 = arith.constant 0 : i32
      %swap3A_262 = tpu.memref_slice %swap3A_260[%scan3A_129, %swap3A_261] : memref<8x128xi32, #tpu.memory_space<vmem>> -> memref<1x128xi32, #tpu.memory_space<vmem>>
      %swap3A_263 = tpu.memref_squeeze %swap3A_262 : memref<1x128xi32, #tpu.memory_space<vmem>> -> memref<128xi32, #tpu.memory_space<vmem>>
      %swap3A_264 = arith.constant 112 : index
      %swap3A_265 = tpu.vector_load %swap3A_263[%swap3A_264] {strides = array<i32>} : memref<128xi32, #tpu.memory_space<vmem>>, vector<16xi32>,
      tpu.vector_store %swap3A_263[%swap3A_264], %add3A_255 {strides = array<i32>} : memref<128xi32, #tpu.memory_space<vmem>>, vector<16xi32>,
      %scan3A_266 = arith.constant 0 : i32
      scf.yield %scan3A_266 : i32
    }
    %scan3A_114 = arith.constant 8 : i32
    %scan3A_115 = arith.constant 0 : i32
    %scan3A_116 = arith.constant 0 : i32
    %scan3A_117 = arith.constant 8 : i32
    %scan3A_118 = arith.addi %scan3A_116, %scan3A_117 : i32
    %scan3A_119 = arith.constant 1 : i32
    %scan3A_120 = scf.for %scan3A_129 = %scan3A_116 to %scan3A_118 step %scan3A_119 iter_args(%scan3A_130 = %scan3A_115) -> (i32)  : i32 {
      %mul3A_131 = arith.constant 128 : i32
      %mul3A_132 = arith.muli %scan3A_129, %mul3A_131 : i32
      %dma_start3A = arith.constant 2 : i32
      %dma_start3A_133 = arith.constant 2 : i32
      %dma_start3A_134 = arith.constant 0 : i32
      %dma_start3A_135 = arith.constant 0 : i32
      %dma_start3A_136 = tpu.memref_slice %arg7[%dma_start3A_133, %dma_start3A_134, %dma_start3A_135] : memref<4x1024x16xf32, #tpu.memory_space<vmem>> -> memref<1x1024x16xf32, #tpu.memory_space<vmem>>
      %dma_start3A_137 = tpu.memref_squeeze %dma_start3A_136 : memref<1x1024x16xf32, #tpu.memory_space<vmem>> -> memref<1024x16xf32, #tpu.memory_space<vmem>>
      %dma_start3A_138 = arith.constant 0 : i32
      %dma_start3A_139 = tpu.memref_slice %dma_start3A_137[%mul3A_132, %dma_start3A_138] : memref<1024x16xf32, #tpu.memory_space<vmem>> -> memref<128x16xf32, #tpu.memory_space<vmem>>
      %dma_start3A_140 = arith.constant 0 : i32
      %dma_start3A_141 = arith.constant 0 : i32
      %dma_start3A_142 = tpu.memref_slice %arg6[%dma_start3A, %dma_start3A_140, %dma_start3A_141] : memref<4x8x128xi32, #tpu.memory_space<vmem>> -> memref<1x8x128xi32, #tpu.memory_space<vmem>>
      %dma_start3A_143 = tpu.memref_squeeze %dma_start3A_142 : memref<1x8x128xi32, #tpu.memory_space<vmem>> -> memref<8x128xi32, #tpu.memory_space<vmem>>
      %dma_start3A_144 = arith.constant 0 : i32
      %dma_start3A_145 = tpu.memref_slice %dma_start3A_143[%scan3A_129, %dma_start3A_144] : memref<8x128xi32, #tpu.memory_space<vmem>> -> memref<1x128xi32, #tpu.memory_space<vmem>>
      %dma_start3A_146 = tpu.memref_squeeze %dma_start3A_145 : memref<1x128xi32, #tpu.memory_space<vmem>> -> memref<128xi32, #tpu.memory_space<vmem>>
      %dma_start3A_147 = arith.constant 0 : i32
      %dma_start3A_148 = arith.constant 0 : i32
      %dma_start3A_149 = tpu.memref_slice %arg2[%dma_start3A_147, %dma_start3A_148] : memref<3276800x16xf32, #tpu.memory_space<hbm>> -> memref<3276800x16xf32, #tpu.memory_space<hbm>>
      tpu.enqueue_indirect_dma source(%dma_start3A_149 : memref<3276800x16xf32, #tpu.memory_space<hbm>>) target(%dma_start3A_139 : memref<128x16xf32, #tpu.memory_space<vmem>>) offsets(%dma_start3A_146 : memref<128xi32, #tpu.memory_space<vmem>>) semaphore(%arg11 : memref<!tpu.dma_semaphore, #tpu.memory_space<semaphore_mem>>)
      %scan3A_150 = arith.constant 0 : i32
      scf.yield %scan3A_150 : i32
    }
    %scan3A_121 = arith.constant 8 : i32
    %scan3A_122 = arith.constant 0 : i32
    %scan3A_123 = arith.constant 0 : i32
    %scan3A_124 = arith.constant 8 : i32
    %scan3A_125 = arith.addi %scan3A_123, %scan3A_124 : i32
    %scan3A_126 = arith.constant 1 : i32
    %scan3A_127 = scf.for %scan3A_129 = %scan3A_123 to %scan3A_125 step %scan3A_126 iter_args(%scan3A_130 = %scan3A_122) -> (i32)  : i32 {
      %and3A = arith.constant 3 : i32
      %and3A_131 = arith.andi %scan3A_129, %and3A : i32
      %lt3A_132 = arith.constant 5 : i32
      %lt3A_133 = arith.cmpi slt, %scan3A_129, %lt3A_132 : i32
      %convert_element_type3A = arith.extui %lt3A_133 : i1 to i32
      %cond3A = arith.constant 0 : i32
      %cond3A_134 = arith.cmpi ne, %convert_element_type3A, %cond3A : i32
      scf.if %cond3A_134 {
        %add3A_162 = arith.constant 3 : i32
        %add3A_163 = arith.addi %scan3A_129, %add3A_162 : i32
        %and3A_164 = arith.constant 3 : i32
        %and3A_165 = arith.andi %add3A_163, %and3A_164 : i32
        %add3A_166 = arith.constant 3 : i32
        %add3A_167 = arith.addi %scan3A_129, %add3A_166 : i32
        %scan3A_168 = arith.constant 0 : i32
        %scan3A_169 = arith.constant 25 : i32
        %scan3A_170 = arith.addi %scan3A_168, %scan3A_169 : i32
        %scan3A_171 = arith.constant 1 : i32
        %scan3A_172 = scf.for %scan3A_222 = %scan3A_168 to %scan3A_170 step %scan3A_171 iter_args(%scan3A_223 = %broadcast_in_dim3A_1) -> (vector<16xi32>)  : i32 {
          %mul3A_224 = arith.constant 16 : i32
          %mul3A_225 = arith.muli %add3A_167, %mul3A_224 : i32
          %get3A = arith.constant 0 : i32
          %get3A_226 = arith.constant 0 : i32
          %get3A_227 = arith.constant 0 : i32
          %get3A_228 = tpu.memref_slice %arg5[%scan3A_222, %get3A_226, %get3A_227] : memref<25x8x128xi32, #tpu.memory_space<vmem>> -> memref<1x8x128xi32, #tpu.memory_space<vmem>>
          %get3A_229 = tpu.memref_squeeze %get3A_228 : memref<1x8x128xi32, #tpu.memory_space<vmem>> -> memref<8x128xi32, #tpu.memory_space<vmem>>
          %get3A_230 = arith.constant 0 : i32
          %get3A_231 = tpu.memref_slice %get3A_229[%get3A, %get3A_230] : memref<8x128xi32, #tpu.memory_space<vmem>> -> memref<1x128xi32, #tpu.memory_space<vmem>>
          %get3A_232 = tpu.memref_squeeze %get3A_231 : memref<1x128xi32, #tpu.memory_space<vmem>> -> memref<128xi32, #tpu.memory_space<vmem>>
          %get3A_233 = arith.index_cast %mul3A_225 : i32 to index
          %get3A_234 = tpu.vector_load %get3A_232[%get3A_233] {strides = array<i32>} : memref<128xi32, #tpu.memory_space<vmem>>, vector<16xi32>,
          %add3A_235 = arith.addi %scan3A_223, %get3A_234 : vector<16xi32>
          %mul3A_236 = arith.constant 16 : i32
          %mul3A_237 = arith.muli %add3A_167, %mul3A_236 : i32
          %get3A_238 = arith.constant 1 : i32
          %get3A_239 = arith.constant 0 : i32
          %get3A_240 = arith.constant 0 : i32
          %get3A_241 = tpu.memref_slice %arg5[%scan3A_222, %get3A_239, %get3A_240] : memref<25x8x128xi32, #tpu.memory_space<vmem>> -> memref<1x8x128xi32, #tpu.memory_space<vmem>>
          %get3A_242 = tpu.memref_squeeze %get3A_241 : memref<1x8x128xi32, #tpu.memory_space<vmem>> -> memref<8x128xi32, #tpu.memory_space<vmem>>
          %get3A_243 = arith.constant 0 : i32
          %get3A_244 = tpu.memref_slice %get3A_242[%get3A_238, %get3A_243] : memref<8x128xi32, #tpu.memory_space<vmem>> -> memref<1x128xi32, #tpu.memory_space<vmem>>
          %get3A_245 = tpu.memref_squeeze %get3A_244 : memref<1x128xi32, #tpu.memory_space<vmem>> -> memref<128xi32, #tpu.memory_space<vmem>>
          %get3A_246 = arith.index_cast %mul3A_237 : i32 to index
          %get3A_247 = tpu.vector_load %get3A_245[%get3A_246] {strides = array<i32>} : memref<128xi32, #tpu.memory_space<vmem>>, vector<16xi32>,
          %add3A_248 = arith.addi %add3A_235, %get3A_247 : vector<16xi32>
          %mul3A_249 = arith.constant 16 : i32
          %mul3A_250 = arith.muli %add3A_167, %mul3A_249 : i32
          %get3A_251 = arith.constant 2 : i32
          %get3A_252 = arith.constant 0 : i32
          %get3A_253 = arith.constant 0 : i32
          %get3A_254 = tpu.memref_slice %arg5[%scan3A_222, %get3A_252, %get3A_253] : memref<25x8x128xi32, #tpu.memory_space<vmem>> -> memref<1x8x128xi32, #tpu.memory_space<vmem>>
          %get3A_255 = tpu.memref_squeeze %get3A_254 : memref<1x8x128xi32, #tpu.memory_space<vmem>> -> memref<8x128xi32, #tpu.memory_space<vmem>>
          %get3A_256 = arith.constant 0 : i32
          %get3A_257 = tpu.memref_slice %get3A_255[%get3A_251, %get3A_256] : memref<8x128xi32, #tpu.memory_space<vmem>> -> memref<1x128xi32, #tpu.memory_space<vmem>>
          %get3A_258 = tpu.memref_squeeze %get3A_257 : memref<1x128xi32, #tpu.memory_space<vmem>> -> memref<128xi32, #tpu.memory_space<vmem>>
          %get3A_259 = arith.index_cast %mul3A_250 : i32 to index
          %get3A_260 = tpu.vector_load %get3A_258[%get3A_259] {strides = array<i32>} : memref<128xi32, #tpu.memory_space<vmem>>, vector<16xi32>,
          %add3A_261 = arith.addi %add3A_248, %get3A_260 : vector<16xi32>
          %mul3A_262 = arith.constant 16 : i32
          %mul3A_263 = arith.muli %add3A_167, %mul3A_262 : i32
          %get3A_264 = arith.constant 3 : i32
          %get3A_265 = arith.constant 0 : i32
          %get3A_266 = arith.constant 0 : i32
          %get3A_267 = tpu.memref_slice %arg5[%scan3A_222, %get3A_265, %get3A_266] : memref<25x8x128xi32, #tpu.memory_space<vmem>> -> memref<1x8x128xi32, #tpu.memory_space<vmem>>
          %get3A_268 = tpu.memref_squeeze %get3A_267 : memref<1x8x128xi32, #tpu.memory_space<vmem>> -> memref<8x128xi32, #tpu.memory_space<vmem>>
          %get3A_269 = arith.constant 0 : i32
          %get3A_270 = tpu.memref_slice %get3A_268[%get3A_264, %get3A_269] : memref<8x128xi32, #tpu.memory_space<vmem>> -> memref<1x128xi32, #tpu.memory_space<vmem>>
          %get3A_271 = tpu.memref_squeeze %get3A_270 : memref<1x128xi32, #tpu.memory_space<vmem>> -> memref<128xi32, #tpu.memory_space<vmem>>
          %get3A_272 = arith.index_cast %mul3A_263 : i32 to index
          %get3A_273 = tpu.vector_load %get3A_271[%get3A_272] {strides = array<i32>} : memref<128xi32, #tpu.memory_space<vmem>>, vector<16xi32>,
          %add3A_274 = arith.addi %add3A_261, %get3A_273 : vector<16xi32>
          %mul3A_275 = arith.constant 16 : i32
          %mul3A_276 = arith.muli %add3A_167, %mul3A_275 : i32
          %get3A_277 = arith.constant 4 : i32
          %get3A_278 = arith.constant 0 : i32
          %get3A_279 = arith.constant 0 : i32
          %get3A_280 = tpu.memref_slice %arg5[%scan3A_222, %get3A_278, %get3A_279] : memref<25x8x128xi32, #tpu.memory_space<vmem>> -> memref<1x8x128xi32, #tpu.memory_space<vmem>>
          %get3A_281 = tpu.memref_squeeze %get3A_280 : memref<1x8x128xi32, #tpu.memory_space<vmem>> -> memref<8x128xi32, #tpu.memory_space<vmem>>
          %get3A_282 = arith.constant 0 : i32
          %get3A_283 = tpu.memref_slice %get3A_281[%get3A_277, %get3A_282] : memref<8x128xi32, #tpu.memory_space<vmem>> -> memref<1x128xi32, #tpu.memory_space<vmem>>
          %get3A_284 = tpu.memref_squeeze %get3A_283 : memref<1x128xi32, #tpu.memory_space<vmem>> -> memref<128xi32, #tpu.memory_space<vmem>>
          %get3A_285 = arith.index_cast %mul3A_276 : i32 to index
          %get3A_286 = tpu.vector_load %get3A_284[%get3A_285] {strides = array<i32>} : memref<128xi32, #tpu.memory_space<vmem>>, vector<16xi32>,
          %add3A_287 = arith.addi %add3A_274, %get3A_286 : vector<16xi32>
          %mul3A_288 = arith.constant 16 : i32
          %mul3A_289 = arith.muli %add3A_167, %mul3A_288 : i32
          %get3A_290 = arith.constant 5 : i32
          %get3A_291 = arith.constant 0 : i32
          %get3A_292 = arith.constant 0 : i32
          %get3A_293 = tpu.memref_slice %arg5[%scan3A_222, %get3A_291, %get3A_292] : memref<25x8x128xi32, #tpu.memory_space<vmem>> -> memref<1x8x128xi32, #tpu.memory_space<vmem>>
          %get3A_294 = tpu.memref_squeeze %get3A_293 : memref<1x8x128xi32, #tpu.memory_space<vmem>> -> memref<8x128xi32, #tpu.memory_space<vmem>>
          %get3A_295 = arith.constant 0 : i32
          %get3A_296 = tpu.memref_slice %get3A_294[%get3A_290, %get3A_295] : memref<8x128xi32, #tpu.memory_space<vmem>> -> memref<1x128xi32, #tpu.memory_space<vmem>>
          %get3A_297 = tpu.memref_squeeze %get3A_296 : memref<1x128xi32, #tpu.memory_space<vmem>> -> memref<128xi32, #tpu.memory_space<vmem>>
          %get3A_298 = arith.index_cast %mul3A_289 : i32 to index
          %get3A_299 = tpu.vector_load %get3A_297[%get3A_298] {strides = array<i32>} : memref<128xi32, #tpu.memory_space<vmem>>, vector<16xi32>,
          %add3A_300 = arith.addi %add3A_287, %get3A_299 : vector<16xi32>
          %mul3A_301 = arith.constant 16 : i32
          %mul3A_302 = arith.muli %add3A_167, %mul3A_301 : i32
          %get3A_303 = arith.constant 6 : i32
          %get3A_304 = arith.constant 0 : i32
          %get3A_305 = arith.constant 0 : i32
          %get3A_306 = tpu.memref_slice %arg5[%scan3A_222, %get3A_304, %get3A_305] : memref<25x8x128xi32, #tpu.memory_space<vmem>> -> memref<1x8x128xi32, #tpu.memory_space<vmem>>
          %get3A_307 = tpu.memref_squeeze %get3A_306 : memref<1x8x128xi32, #tpu.memory_space<vmem>> -> memref<8x128xi32, #tpu.memory_space<vmem>>
          %get3A_308 = arith.constant 0 : i32
          %get3A_309 = tpu.memref_slice %get3A_307[%get3A_303, %get3A_308] : memref<8x128xi32, #tpu.memory_space<vmem>> -> memref<1x128xi32, #tpu.memory_space<vmem>>
          %get3A_310 = tpu.memref_squeeze %get3A_309 : memref<1x128xi32, #tpu.memory_space<vmem>> -> memref<128xi32, #tpu.memory_space<vmem>>
          %get3A_311 = arith.index_cast %mul3A_302 : i32 to index
          %get3A_312 = tpu.vector_load %get3A_310[%get3A_311] {strides = array<i32>} : memref<128xi32, #tpu.memory_space<vmem>>, vector<16xi32>,
          %add3A_313 = arith.addi %add3A_300, %get3A_312 : vector<16xi32>
          %mul3A_314 = arith.constant 16 : i32
          %mul3A_315 = arith.muli %add3A_167, %mul3A_314 : i32
          %get3A_316 = arith.constant 7 : i32
          %get3A_317 = arith.constant 0 : i32
          %get3A_318 = arith.constant 0 : i32
          %get3A_319 = tpu.memref_slice %arg5[%scan3A_222, %get3A_317, %get3A_318] : memref<25x8x128xi32, #tpu.memory_space<vmem>> -> memref<1x8x128xi32, #tpu.memory_space<vmem>>
          %get3A_320 = tpu.memref_squeeze %get3A_319 : memref<1x8x128xi32, #tpu.memory_space<vmem>> -> memref<8x128xi32, #tpu.memory_space<vmem>>
          %get3A_321 = arith.constant 0 : i32
          %get3A_322 = tpu.memref_slice %get3A_320[%get3A_316, %get3A_321] : memref<8x128xi32, #tpu.memory_space<vmem>> -> memref<1x128xi32, #tpu.memory_space<vmem>>
          %get3A_323 = tpu.memref_squeeze %get3A_322 : memref<1x128xi32, #tpu.memory_space<vmem>> -> memref<128xi32, #tpu.memory_space<vmem>>
          %get3A_324 = arith.index_cast %mul3A_315 : i32 to index
          %get3A_325 = tpu.vector_load %get3A_323[%get3A_324] {strides = array<i32>} : memref<128xi32, #tpu.memory_space<vmem>>, vector<16xi32>,
          %add3A_326 = arith.addi %add3A_313, %get3A_325 : vector<16xi32>
          scf.yield %add3A_326 : vector<16xi32>
        }
        %scan3A_173 = arith.constant 25 : i32
        %min3A_174 = arith.constant 199 : i32
        %min3A_175 = vector.broadcast %min3A_174 : i32 to vector<16xi32>
        %min3A_176 = arith.minsi %scan3A_172, %min3A_175 : vector<16xi32>
        %sub3A_177 = arith.constant 1 : i32
        %sub3A_178 = vector.broadcast %sub3A_177 : i32 to vector<16xi32>
        %sub3A_179 = arith.subi %min3A_176, %sub3A_178 : vector<16xi32>
        %lt3A_180 = arith.constant 0 : i32
        %lt3A_181 = vector.broadcast %lt3A_180 : i32 to vector<16xi32>
        %lt3A_182 = arith.cmpi slt, %sub3A_179, %lt3A_181 : vector<16xi32>
        %jit3A_183 = arith.constant 199 : i32
        %broadcast_in_dim3A_184 = vector.broadcast %jit3A_183 : i32 to vector<16xi32>
        %select_n3A_185 = arith.select %lt3A_182, %broadcast_in_dim3A_184, %sub3A_179 : vector<16xi1>, vector<16xi32>
        %mul3A_186 = arith.constant 16384 : i32
        %mul3A_187 = vector.broadcast %mul3A_186 : i32 to vector<16xi32>
        %mul3A_188 = arith.muli %select_n3A_185, %mul3A_187 : vector<16xi32>
        %mul3A_189 = arith.constant 64 : i32
        %mul3A_190 = arith.muli %add3A, %mul3A_189 : i32
        %add3A_191 = vector.broadcast %mul3A_190 : i32 to vector<16xi32>
        %add3A_192 = arith.addi %mul3A_188, %add3A_191 : vector<16xi32>
        %add3A_193 = vector.broadcast %add3A_167 : i32 to vector<16xi32>
        %add3A_194 = arith.addi %add3A_192, %add3A_193 : vector<16xi32>
        %scan3A_195 = arith.constant 0 : i32
        %scan3A_196 = arith.constant 0 : i32
        %scan3A_197 = arith.constant 8 : i32
        %scan3A_198 = arith.addi %scan3A_196, %scan3A_197 : i32
        %scan3A_199 = arith.constant 1 : i32
        %scan3A_200 = scf.for %scan3A_222 = %scan3A_196 to %scan3A_198 step %scan3A_199 iter_args(%scan3A_223 = %scan3A_195) -> (i32)  : i32 {
          %mul3A_224 = arith.constant 2048 : i32
          %mul3A_225 = arith.muli %scan3A_222, %mul3A_224 : i32
          %add3A_226 = vector.broadcast %mul3A_225 : i32 to vector<16xi32>
          %add3A_227 = arith.addi %add3A_194, %add3A_226 : vector<16xi32>
          %add3A_228 = arith.constant 0 : i32
          %add3A_229 = vector.broadcast %add3A_228 : i32 to vector<16xi32>
          %add3A_230 = arith.addi %add3A_227, %add3A_229 : vector<16xi32>
          %swap3A = arith.constant 0 : i32
          %swap3A_231 = arith.constant 0 : i32
          %swap3A_232 = tpu.memref_slice %arg6[%and3A_165, %swap3A, %swap3A_231] : memref<4x8x128xi32, #tpu.memory_space<vmem>> -> memref<1x8x128xi32, #tpu.memory_space<vmem>>
          %swap3A_233 = tpu.memref_squeeze %swap3A_232 : memref<1x8x128xi32, #tpu.memory_space<vmem>> -> memref<8x128xi32, #tpu.memory_space<vmem>>
          %swap3A_234 = arith.constant 0 : i32
          %swap3A_235 = tpu.memref_slice %swap3A_233[%scan3A_222, %swap3A_234] : memref<8x128xi32, #tpu.memory_space<vmem>> -> memref<1x128xi32, #tpu.memory_space<vmem>>
          %swap3A_236 = tpu.memref_squeeze %swap3A_235 : memref<1x128xi32, #tpu.memory_space<vmem>> -> memref<128xi32, #tpu.memory_space<vmem>>
          %swap3A_237 = arith.constant 0 : index
          %swap3A_238 = tpu.vector_load %swap3A_236[%swap3A_237] {strides = array<i32>} : memref<128xi32, #tpu.memory_space<vmem>>, vector<16xi32>,
          tpu.vector_store %swap3A_236[%swap3A_237], %add3A_230 {strides = array<i32>} : memref<128xi32, #tpu.memory_space<vmem>>, vector<16xi32>,
          %mul3A_239 = arith.constant 2048 : i32
          %mul3A_240 = arith.muli %scan3A_222, %mul3A_239 : i32
          %add3A_241 = vector.broadcast %mul3A_240 : i32 to vector<16xi32>
          %add3A_242 = arith.addi %add3A_194, %add3A_241 : vector<16xi32>
          %add3A_243 = arith.constant 8 : i32
          %add3A_244 = vector.broadcast %add3A_243 : i32 to vector<16xi32>
          %add3A_245 = arith.addi %add3A_242, %add3A_244 : vector<16xi32>
          %swap3A_246 = arith.constant 0 : i32
          %swap3A_247 = arith.constant 0 : i32
          %swap3A_248 = tpu.memref_slice %arg6[%and3A_165, %swap3A_246, %swap3A_247] : memref<4x8x128xi32, #tpu.memory_space<vmem>> -> memref<1x8x128xi32, #tpu.memory_space<vmem>>
          %swap3A_249 = tpu.memref_squeeze %swap3A_248 : memref<1x8x128xi32, #tpu.memory_space<vmem>> -> memref<8x128xi32, #tpu.memory_space<vmem>>
          %swap3A_250 = arith.constant 0 : i32
          %swap3A_251 = tpu.memref_slice %swap3A_249[%scan3A_222, %swap3A_250] : memref<8x128xi32, #tpu.memory_space<vmem>> -> memref<1x128xi32, #tpu.memory_space<vmem>>
          %swap3A_252 = tpu.memref_squeeze %swap3A_251 : memref<1x128xi32, #tpu.memory_space<vmem>> -> memref<128xi32, #tpu.memory_space<vmem>>
          %swap3A_253 = arith.constant 16 : index
          %swap3A_254 = tpu.vector_load %swap3A_252[%swap3A_253] {strides = array<i32>} : memref<128xi32, #tpu.memory_space<vmem>>, vector<16xi32>,
          tpu.vector_store %swap3A_252[%swap3A_253], %add3A_245 {strides = array<i32>} : memref<128xi32, #tpu.memory_space<vmem>>, vector<16xi32>,
          %mul3A_255 = arith.constant 2048 : i32
          %mul3A_256 = arith.muli %scan3A_222, %mul3A_255 : i32
          %add3A_257 = vector.broadcast %mul3A_256 : i32 to vector<16xi32>
          %add3A_258 = arith.addi %add3A_194, %add3A_257 : vector<16xi32>
          %add3A_259 = arith.constant 16 : i32
          %add3A_260 = vector.broadcast %add3A_259 : i32 to vector<16xi32>
          %add3A_261 = arith.addi %add3A_258, %add3A_260 : vector<16xi32>
          %swap3A_262 = arith.constant 0 : i32
          %swap3A_263 = arith.constant 0 : i32
          %swap3A_264 = tpu.memref_slice %arg6[%and3A_165, %swap3A_262, %swap3A_263] : memref<4x8x128xi32, #tpu.memory_space<vmem>> -> memref<1x8x128xi32, #tpu.memory_space<vmem>>
          %swap3A_265 = tpu.memref_squeeze %swap3A_264 : memref<1x8x128xi32, #tpu.memory_space<vmem>> -> memref<8x128xi32, #tpu.memory_space<vmem>>
          %swap3A_266 = arith.constant 0 : i32
          %swap3A_267 = tpu.memref_slice %swap3A_265[%scan3A_222, %swap3A_266] : memref<8x128xi32, #tpu.memory_space<vmem>> -> memref<1x128xi32, #tpu.memory_space<vmem>>
          %swap3A_268 = tpu.memref_squeeze %swap3A_267 : memref<1x128xi32, #tpu.memory_space<vmem>> -> memref<128xi32, #tpu.memory_space<vmem>>
          %swap3A_269 = arith.constant 32 : index
          %swap3A_270 = tpu.vector_load %swap3A_268[%swap3A_269] {strides = array<i32>} : memref<128xi32, #tpu.memory_space<vmem>>, vector<16xi32>,
          tpu.vector_store %swap3A_268[%swap3A_269], %add3A_261 {strides = array<i32>} : memref<128xi32, #tpu.memory_space<vmem>>, vector<16xi32>,
          %mul3A_271 = arith.constant 2048 : i32
          %mul3A_272 = arith.muli %scan3A_222, %mul3A_271 : i32
          %add3A_273 = vector.broadcast %mul3A_272 : i32 to vector<16xi32>
          %add3A_274 = arith.addi %add3A_194, %add3A_273 : vector<16xi32>
          %add3A_275 = arith.constant 24 : i32
          %add3A_276 = vector.broadcast %add3A_275 : i32 to vector<16xi32>
          %add3A_277 = arith.addi %add3A_274, %add3A_276 : vector<16xi32>
          %swap3A_278 = arith.constant 0 : i32
          %swap3A_279 = arith.constant 0 : i32
          %swap3A_280 = tpu.memref_slice %arg6[%and3A_165, %swap3A_278, %swap3A_279] : memref<4x8x128xi32, #tpu.memory_space<vmem>> -> memref<1x8x128xi32, #tpu.memory_space<vmem>>
          %swap3A_281 = tpu.memref_squeeze %swap3A_280 : memref<1x8x128xi32, #tpu.memory_space<vmem>> -> memref<8x128xi32, #tpu.memory_space<vmem>>
          %swap3A_282 = arith.constant 0 : i32
          %swap3A_283 = tpu.memref_slice %swap3A_281[%scan3A_222, %swap3A_282] : memref<8x128xi32, #tpu.memory_space<vmem>> -> memref<1x128xi32, #tpu.memory_space<vmem>>
          %swap3A_284 = tpu.memref_squeeze %swap3A_283 : memref<1x128xi32, #tpu.memory_space<vmem>> -> memref<128xi32, #tpu.memory_space<vmem>>
          %swap3A_285 = arith.constant 48 : index
          %swap3A_286 = tpu.vector_load %swap3A_284[%swap3A_285] {strides = array<i32>} : memref<128xi32, #tpu.memory_space<vmem>>, vector<16xi32>,
          tpu.vector_store %swap3A_284[%swap3A_285], %add3A_277 {strides = array<i32>} : memref<128xi32, #tpu.memory_space<vmem>>, vector<16xi32>,
          %mul3A_287 = arith.constant 2048 : i32
          %mul3A_288 = arith.muli %scan3A_222, %mul3A_287 : i32
          %add3A_289 = vector.broadcast %mul3A_288 : i32 to vector<16xi32>
          %add3A_290 = arith.addi %add3A_194, %add3A_289 : vector<16xi32>
          %add3A_291 = arith.constant 32 : i32
          %add3A_292 = vector.broadcast %add3A_291 : i32 to vector<16xi32>
          %add3A_293 = arith.addi %add3A_290, %add3A_292 : vector<16xi32>
          %swap3A_294 = arith.constant 0 : i32
          %swap3A_295 = arith.constant 0 : i32
          %swap3A_296 = tpu.memref_slice %arg6[%and3A_165, %swap3A_294, %swap3A_295] : memref<4x8x128xi32, #tpu.memory_space<vmem>> -> memref<1x8x128xi32, #tpu.memory_space<vmem>>
          %swap3A_297 = tpu.memref_squeeze %swap3A_296 : memref<1x8x128xi32, #tpu.memory_space<vmem>> -> memref<8x128xi32, #tpu.memory_space<vmem>>
          %swap3A_298 = arith.constant 0 : i32
          %swap3A_299 = tpu.memref_slice %swap3A_297[%scan3A_222, %swap3A_298] : memref<8x128xi32, #tpu.memory_space<vmem>> -> memref<1x128xi32, #tpu.memory_space<vmem>>
          %swap3A_300 = tpu.memref_squeeze %swap3A_299 : memref<1x128xi32, #tpu.memory_space<vmem>> -> memref<128xi32, #tpu.memory_space<vmem>>
          %swap3A_301 = arith.constant 64 : index
          %swap3A_302 = tpu.vector_load %swap3A_300[%swap3A_301] {strides = array<i32>} : memref<128xi32, #tpu.memory_space<vmem>>, vector<16xi32>,
          tpu.vector_store %swap3A_300[%swap3A_301], %add3A_293 {strides = array<i32>} : memref<128xi32, #tpu.memory_space<vmem>>, vector<16xi32>,
          %mul3A_303 = arith.constant 2048 : i32
          %mul3A_304 = arith.muli %scan3A_222, %mul3A_303 : i32
          %add3A_305 = vector.broadcast %mul3A_304 : i32 to vector<16xi32>
          %add3A_306 = arith.addi %add3A_194, %add3A_305 : vector<16xi32>
          %add3A_307 = arith.constant 40 : i32
          %add3A_308 = vector.broadcast %add3A_307 : i32 to vector<16xi32>
          %add3A_309 = arith.addi %add3A_306, %add3A_308 : vector<16xi32>
          %swap3A_310 = arith.constant 0 : i32
          %swap3A_311 = arith.constant 0 : i32
          %swap3A_312 = tpu.memref_slice %arg6[%and3A_165, %swap3A_310, %swap3A_311] : memref<4x8x128xi32, #tpu.memory_space<vmem>> -> memref<1x8x128xi32, #tpu.memory_space<vmem>>
          %swap3A_313 = tpu.memref_squeeze %swap3A_312 : memref<1x8x128xi32, #tpu.memory_space<vmem>> -> memref<8x128xi32, #tpu.memory_space<vmem>>
          %swap3A_314 = arith.constant 0 : i32
          %swap3A_315 = tpu.memref_slice %swap3A_313[%scan3A_222, %swap3A_314] : memref<8x128xi32, #tpu.memory_space<vmem>> -> memref<1x128xi32, #tpu.memory_space<vmem>>
          %swap3A_316 = tpu.memref_squeeze %swap3A_315 : memref<1x128xi32, #tpu.memory_space<vmem>> -> memref<128xi32, #tpu.memory_space<vmem>>
          %swap3A_317 = arith.constant 80 : index
          %swap3A_318 = tpu.vector_load %swap3A_316[%swap3A_317] {strides = array<i32>} : memref<128xi32, #tpu.memory_space<vmem>>, vector<16xi32>,
          tpu.vector_store %swap3A_316[%swap3A_317], %add3A_309 {strides = array<i32>} : memref<128xi32, #tpu.memory_space<vmem>>, vector<16xi32>,
          %mul3A_319 = arith.constant 2048 : i32
          %mul3A_320 = arith.muli %scan3A_222, %mul3A_319 : i32
          %add3A_321 = vector.broadcast %mul3A_320 : i32 to vector<16xi32>
          %add3A_322 = arith.addi %add3A_194, %add3A_321 : vector<16xi32>
          %add3A_323 = arith.constant 48 : i32
          %add3A_324 = vector.broadcast %add3A_323 : i32 to vector<16xi32>
          %add3A_325 = arith.addi %add3A_322, %add3A_324 : vector<16xi32>
          %swap3A_326 = arith.constant 0 : i32
          %swap3A_327 = arith.constant 0 : i32
          %swap3A_328 = tpu.memref_slice %arg6[%and3A_165, %swap3A_326, %swap3A_327] : memref<4x8x128xi32, #tpu.memory_space<vmem>> -> memref<1x8x128xi32, #tpu.memory_space<vmem>>
          %swap3A_329 = tpu.memref_squeeze %swap3A_328 : memref<1x8x128xi32, #tpu.memory_space<vmem>> -> memref<8x128xi32, #tpu.memory_space<vmem>>
          %swap3A_330 = arith.constant 0 : i32
          %swap3A_331 = tpu.memref_slice %swap3A_329[%scan3A_222, %swap3A_330] : memref<8x128xi32, #tpu.memory_space<vmem>> -> memref<1x128xi32, #tpu.memory_space<vmem>>
          %swap3A_332 = tpu.memref_squeeze %swap3A_331 : memref<1x128xi32, #tpu.memory_space<vmem>> -> memref<128xi32, #tpu.memory_space<vmem>>
          %swap3A_333 = arith.constant 96 : index
          %swap3A_334 = tpu.vector_load %swap3A_332[%swap3A_333] {strides = array<i32>} : memref<128xi32, #tpu.memory_space<vmem>>, vector<16xi32>,
          tpu.vector_store %swap3A_332[%swap3A_333], %add3A_325 {strides = array<i32>} : memref<128xi32, #tpu.memory_space<vmem>>, vector<16xi32>,
          %mul3A_335 = arith.constant 2048 : i32
          %mul3A_336 = arith.muli %scan3A_222, %mul3A_335 : i32
          %add3A_337 = vector.broadcast %mul3A_336 : i32 to vector<16xi32>
          %add3A_338 = arith.addi %add3A_194, %add3A_337 : vector<16xi32>
          %add3A_339 = arith.constant 56 : i32
          %add3A_340 = vector.broadcast %add3A_339 : i32 to vector<16xi32>
          %add3A_341 = arith.addi %add3A_338, %add3A_340 : vector<16xi32>
          %swap3A_342 = arith.constant 0 : i32
          %swap3A_343 = arith.constant 0 : i32
          %swap3A_344 = tpu.memref_slice %arg6[%and3A_165, %swap3A_342, %swap3A_343] : memref<4x8x128xi32, #tpu.memory_space<vmem>> -> memref<1x8x128xi32, #tpu.memory_space<vmem>>
          %swap3A_345 = tpu.memref_squeeze %swap3A_344 : memref<1x8x128xi32, #tpu.memory_space<vmem>> -> memref<8x128xi32, #tpu.memory_space<vmem>>
          %swap3A_346 = arith.constant 0 : i32
          %swap3A_347 = tpu.memref_slice %swap3A_345[%scan3A_222, %swap3A_346] : memref<8x128xi32, #tpu.memory_space<vmem>> -> memref<1x128xi32, #tpu.memory_space<vmem>>
          %swap3A_348 = tpu.memref_squeeze %swap3A_347 : memref<1x128xi32, #tpu.memory_space<vmem>> -> memref<128xi32, #tpu.memory_space<vmem>>
          %swap3A_349 = arith.constant 112 : index
          %swap3A_350 = tpu.vector_load %swap3A_348[%swap3A_349] {strides = array<i32>} : memref<128xi32, #tpu.memory_space<vmem>>, vector<16xi32>,
          tpu.vector_store %swap3A_348[%swap3A_349], %add3A_341 {strides = array<i32>} : memref<128xi32, #tpu.memory_space<vmem>>, vector<16xi32>,
          %scan3A_351 = arith.constant 0 : i32
          scf.yield %scan3A_351 : i32
        }
        %scan3A_201 = arith.constant 8 : i32
        %eq3A_202 = arith.constant 0 : i32
        %eq3A_203 = arith.cmpi eq, %and3A_165, %eq3A_202 : i32
        %convert_element_type3A_204 = arith.extui %eq3A_203 : i1 to i32
        %cond3A_205 = arith.constant 0 : i32
        %cond3A_206 = arith.cmpi ne, %convert_element_type3A_204, %cond3A_205 : i32
        scf.if %cond3A_206 {
          %scan3A_222 = arith.constant 0 : i32
          %scan3A_223 = arith.constant 0 : i32
          %scan3A_224 = arith.constant 8 : i32
          %scan3A_225 = arith.addi %scan3A_223, %scan3A_224 : i32
          %scan3A_226 = arith.constant 1 : i32
          %scan3A_227 = scf.for %scan3A_229 = %scan3A_223 to %scan3A_225 step %scan3A_226 iter_args(%scan3A_230 = %scan3A_222) -> (i32)  : i32 {
            %mul3A_231 = arith.constant 128 : i32
            %mul3A_232 = arith.muli %scan3A_229, %mul3A_231 : i32
            %dma_start3A = arith.constant 0 : i32
            %dma_start3A_233 = arith.constant 0 : i32
            %dma_start3A_234 = arith.constant 0 : i32
            %dma_start3A_235 = arith.constant 0 : i32
            %dma_start3A_236 = tpu.memref_slice %arg7[%dma_start3A_233, %dma_start3A_234, %dma_start3A_235] : memref<4x1024x16xf32, #tpu.memory_space<vmem>> -> memref<1x1024x16xf32, #tpu.memory_space<vmem>>
            %dma_start3A_237 = tpu.memref_squeeze %dma_start3A_236 : memref<1x1024x16xf32, #tpu.memory_space<vmem>> -> memref<1024x16xf32, #tpu.memory_space<vmem>>
            %dma_start3A_238 = arith.constant 0 : i32
            %dma_start3A_239 = tpu.memref_slice %dma_start3A_237[%mul3A_232, %dma_start3A_238] : memref<1024x16xf32, #tpu.memory_space<vmem>> -> memref<128x16xf32, #tpu.memory_space<vmem>>
            %dma_start3A_240 = arith.constant 0 : i32
            %dma_start3A_241 = arith.constant 0 : i32
            %dma_start3A_242 = tpu.memref_slice %arg6[%dma_start3A, %dma_start3A_240, %dma_start3A_241] : memref<4x8x128xi32, #tpu.memory_space<vmem>> -> memref<1x8x128xi32, #tpu.memory_space<vmem>>
            %dma_start3A_243 = tpu.memref_squeeze %dma_start3A_242 : memref<1x8x128xi32, #tpu.memory_space<vmem>> -> memref<8x128xi32, #tpu.memory_space<vmem>>
            %dma_start3A_244 = arith.constant 0 : i32
            %dma_start3A_245 = tpu.memref_slice %dma_start3A_243[%scan3A_229, %dma_start3A_244] : memref<8x128xi32, #tpu.memory_space<vmem>> -> memref<1x128xi32, #tpu.memory_space<vmem>>
            %dma_start3A_246 = tpu.memref_squeeze %dma_start3A_245 : memref<1x128xi32, #tpu.memory_space<vmem>> -> memref<128xi32, #tpu.memory_space<vmem>>
            %dma_start3A_247 = arith.constant 0 : i32
            %dma_start3A_248 = arith.constant 0 : i32
            %dma_start3A_249 = tpu.memref_slice %arg2[%dma_start3A_247, %dma_start3A_248] : memref<3276800x16xf32, #tpu.memory_space<hbm>> -> memref<3276800x16xf32, #tpu.memory_space<hbm>>
            tpu.enqueue_indirect_dma source(%dma_start3A_249 : memref<3276800x16xf32, #tpu.memory_space<hbm>>) target(%dma_start3A_239 : memref<128x16xf32, #tpu.memory_space<vmem>>) offsets(%dma_start3A_246 : memref<128xi32, #tpu.memory_space<vmem>>) semaphore(%arg9 : memref<!tpu.dma_semaphore, #tpu.memory_space<semaphore_mem>>)
            %scan3A_250 = arith.constant 0 : i32
            scf.yield %scan3A_250 : i32
          }
          %scan3A_228 = arith.constant 8 : i32
        } else {
        }
        %eq3A_207 = arith.constant 1 : i32
        %eq3A_208 = arith.cmpi eq, %and3A_165, %eq3A_207 : i32
        %convert_element_type3A_209 = arith.extui %eq3A_208 : i1 to i32
        %cond3A_210 = arith.constant 0 : i32
        %cond3A_211 = arith.cmpi ne, %convert_element_type3A_209, %cond3A_210 : i32
        scf.if %cond3A_211 {
          %scan3A_222 = arith.constant 0 : i32
          %scan3A_223 = arith.constant 0 : i32
          %scan3A_224 = arith.constant 8 : i32
          %scan3A_225 = arith.addi %scan3A_223, %scan3A_224 : i32
          %scan3A_226 = arith.constant 1 : i32
          %scan3A_227 = scf.for %scan3A_229 = %scan3A_223 to %scan3A_225 step %scan3A_226 iter_args(%scan3A_230 = %scan3A_222) -> (i32)  : i32 {
            %mul3A_231 = arith.constant 128 : i32
            %mul3A_232 = arith.muli %scan3A_229, %mul3A_231 : i32
            %dma_start3A = arith.constant 1 : i32
            %dma_start3A_233 = arith.constant 1 : i32
            %dma_start3A_234 = arith.constant 0 : i32
            %dma_start3A_235 = arith.constant 0 : i32
            %dma_start3A_236 = tpu.memref_slice %arg7[%dma_start3A_233, %dma_start3A_234, %dma_start3A_235] : memref<4x1024x16xf32, #tpu.memory_space<vmem>> -> memref<1x1024x16xf32, #tpu.memory_space<vmem>>
            %dma_start3A_237 = tpu.memref_squeeze %dma_start3A_236 : memref<1x1024x16xf32, #tpu.memory_space<vmem>> -> memref<1024x16xf32, #tpu.memory_space<vmem>>
            %dma_start3A_238 = arith.constant 0 : i32
            %dma_start3A_239 = tpu.memref_slice %dma_start3A_237[%mul3A_232, %dma_start3A_238] : memref<1024x16xf32, #tpu.memory_space<vmem>> -> memref<128x16xf32, #tpu.memory_space<vmem>>
            %dma_start3A_240 = arith.constant 0 : i32
            %dma_start3A_241 = arith.constant 0 : i32
            %dma_start3A_242 = tpu.memref_slice %arg6[%dma_start3A, %dma_start3A_240, %dma_start3A_241] : memref<4x8x128xi32, #tpu.memory_space<vmem>> -> memref<1x8x128xi32, #tpu.memory_space<vmem>>
            %dma_start3A_243 = tpu.memref_squeeze %dma_start3A_242 : memref<1x8x128xi32, #tpu.memory_space<vmem>> -> memref<8x128xi32, #tpu.memory_space<vmem>>
            %dma_start3A_244 = arith.constant 0 : i32
            %dma_start3A_245 = tpu.memref_slice %dma_start3A_243[%scan3A_229, %dma_start3A_244] : memref<8x128xi32, #tpu.memory_space<vmem>> -> memref<1x128xi32, #tpu.memory_space<vmem>>
            %dma_start3A_246 = tpu.memref_squeeze %dma_start3A_245 : memref<1x128xi32, #tpu.memory_space<vmem>> -> memref<128xi32, #tpu.memory_space<vmem>>
            %dma_start3A_247 = arith.constant 0 : i32
            %dma_start3A_248 = arith.constant 0 : i32
            %dma_start3A_249 = tpu.memref_slice %arg2[%dma_start3A_247, %dma_start3A_248] : memref<3276800x16xf32, #tpu.memory_space<hbm>> -> memref<3276800x16xf32, #tpu.memory_space<hbm>>
            tpu.enqueue_indirect_dma source(%dma_start3A_249 : memref<3276800x16xf32, #tpu.memory_space<hbm>>) target(%dma_start3A_239 : memref<128x16xf32, #tpu.memory_space<vmem>>) offsets(%dma_start3A_246 : memref<128xi32, #tpu.memory_space<vmem>>) semaphore(%arg10 : memref<!tpu.dma_semaphore, #tpu.memory_space<semaphore_mem>>)
            %scan3A_250 = arith.constant 0 : i32
            scf.yield %scan3A_250 : i32
          }
          %scan3A_228 = arith.constant 8 : i32
        } else {
        }
        %eq3A_212 = arith.constant 2 : i32
        %eq3A_213 = arith.cmpi eq, %and3A_165, %eq3A_212 : i32
        %convert_element_type3A_214 = arith.extui %eq3A_213 : i1 to i32
        %cond3A_215 = arith.constant 0 : i32
        %cond3A_216 = arith.cmpi ne, %convert_element_type3A_214, %cond3A_215 : i32
        scf.if %cond3A_216 {
          %scan3A_222 = arith.constant 0 : i32
          %scan3A_223 = arith.constant 0 : i32
          %scan3A_224 = arith.constant 8 : i32
          %scan3A_225 = arith.addi %scan3A_223, %scan3A_224 : i32
          %scan3A_226 = arith.constant 1 : i32
          %scan3A_227 = scf.for %scan3A_229 = %scan3A_223 to %scan3A_225 step %scan3A_226 iter_args(%scan3A_230 = %scan3A_222) -> (i32)  : i32 {
            %mul3A_231 = arith.constant 128 : i32
            %mul3A_232 = arith.muli %scan3A_229, %mul3A_231 : i32
            %dma_start3A = arith.constant 2 : i32
            %dma_start3A_233 = arith.constant 2 : i32
            %dma_start3A_234 = arith.constant 0 : i32
            %dma_start3A_235 = arith.constant 0 : i32
            %dma_start3A_236 = tpu.memref_slice %arg7[%dma_start3A_233, %dma_start3A_234, %dma_start3A_235] : memref<4x1024x16xf32, #tpu.memory_space<vmem>> -> memref<1x1024x16xf32, #tpu.memory_space<vmem>>
            %dma_start3A_237 = tpu.memref_squeeze %dma_start3A_236 : memref<1x1024x16xf32, #tpu.memory_space<vmem>> -> memref<1024x16xf32, #tpu.memory_space<vmem>>
            %dma_start3A_238 = arith.constant 0 : i32
            %dma_start3A_239 = tpu.memref_slice %dma_start3A_237[%mul3A_232, %dma_start3A_238] : memref<1024x16xf32, #tpu.memory_space<vmem>> -> memref<128x16xf32, #tpu.memory_space<vmem>>
            %dma_start3A_240 = arith.constant 0 : i32
            %dma_start3A_241 = arith.constant 0 : i32
            %dma_start3A_242 = tpu.memref_slice %arg6[%dma_start3A, %dma_start3A_240, %dma_start3A_241] : memref<4x8x128xi32, #tpu.memory_space<vmem>> -> memref<1x8x128xi32, #tpu.memory_space<vmem>>
            %dma_start3A_243 = tpu.memref_squeeze %dma_start3A_242 : memref<1x8x128xi32, #tpu.memory_space<vmem>> -> memref<8x128xi32, #tpu.memory_space<vmem>>
            %dma_start3A_244 = arith.constant 0 : i32
            %dma_start3A_245 = tpu.memref_slice %dma_start3A_243[%scan3A_229, %dma_start3A_244] : memref<8x128xi32, #tpu.memory_space<vmem>> -> memref<1x128xi32, #tpu.memory_space<vmem>>
            %dma_start3A_246 = tpu.memref_squeeze %dma_start3A_245 : memref<1x128xi32, #tpu.memory_space<vmem>> -> memref<128xi32, #tpu.memory_space<vmem>>
            %dma_start3A_247 = arith.constant 0 : i32
            %dma_start3A_248 = arith.constant 0 : i32
            %dma_start3A_249 = tpu.memref_slice %arg2[%dma_start3A_247, %dma_start3A_248] : memref<3276800x16xf32, #tpu.memory_space<hbm>> -> memref<3276800x16xf32, #tpu.memory_space<hbm>>
            tpu.enqueue_indirect_dma source(%dma_start3A_249 : memref<3276800x16xf32, #tpu.memory_space<hbm>>) target(%dma_start3A_239 : memref<128x16xf32, #tpu.memory_space<vmem>>) offsets(%dma_start3A_246 : memref<128xi32, #tpu.memory_space<vmem>>) semaphore(%arg11 : memref<!tpu.dma_semaphore, #tpu.memory_space<semaphore_mem>>)
            %scan3A_250 = arith.constant 0 : i32
            scf.yield %scan3A_250 : i32
          }
          %scan3A_228 = arith.constant 8 : i32
        } else {
        }
        %eq3A_217 = arith.constant 3 : i32
        %eq3A_218 = arith.cmpi eq, %and3A_165, %eq3A_217 : i32
        %convert_element_type3A_219 = arith.extui %eq3A_218 : i1 to i32
        %cond3A_220 = arith.constant 0 : i32
        %cond3A_221 = arith.cmpi ne, %convert_element_type3A_219, %cond3A_220 : i32
        scf.if %cond3A_221 {
          %scan3A_222 = arith.constant 0 : i32
          %scan3A_223 = arith.constant 0 : i32
          %scan3A_224 = arith.constant 8 : i32
          %scan3A_225 = arith.addi %scan3A_223, %scan3A_224 : i32
          %scan3A_226 = arith.constant 1 : i32
          %scan3A_227 = scf.for %scan3A_229 = %scan3A_223 to %scan3A_225 step %scan3A_226 iter_args(%scan3A_230 = %scan3A_222) -> (i32)  : i32 {
            %mul3A_231 = arith.constant 128 : i32
            %mul3A_232 = arith.muli %scan3A_229, %mul3A_231 : i32
            %dma_start3A = arith.constant 3 : i32
            %dma_start3A_233 = arith.constant 3 : i32
            %dma_start3A_234 = arith.constant 0 : i32
            %dma_start3A_235 = arith.constant 0 : i32
            %dma_start3A_236 = tpu.memref_slice %arg7[%dma_start3A_233, %dma_start3A_234, %dma_start3A_235] : memref<4x1024x16xf32, #tpu.memory_space<vmem>> -> memref<1x1024x16xf32, #tpu.memory_space<vmem>>
            %dma_start3A_237 = tpu.memref_squeeze %dma_start3A_236 : memref<1x1024x16xf32, #tpu.memory_space<vmem>> -> memref<1024x16xf32, #tpu.memory_space<vmem>>
            %dma_start3A_238 = arith.constant 0 : i32
            %dma_start3A_239 = tpu.memref_slice %dma_start3A_237[%mul3A_232, %dma_start3A_238] : memref<1024x16xf32, #tpu.memory_space<vmem>> -> memref<128x16xf32, #tpu.memory_space<vmem>>
            %dma_start3A_240 = arith.constant 0 : i32
            %dma_start3A_241 = arith.constant 0 : i32
            %dma_start3A_242 = tpu.memref_slice %arg6[%dma_start3A, %dma_start3A_240, %dma_start3A_241] : memref<4x8x128xi32, #tpu.memory_space<vmem>> -> memref<1x8x128xi32, #tpu.memory_space<vmem>>
            %dma_start3A_243 = tpu.memref_squeeze %dma_start3A_242 : memref<1x8x128xi32, #tpu.memory_space<vmem>> -> memref<8x128xi32, #tpu.memory_space<vmem>>
            %dma_start3A_244 = arith.constant 0 : i32
            %dma_start3A_245 = tpu.memref_slice %dma_start3A_243[%scan3A_229, %dma_start3A_244] : memref<8x128xi32, #tpu.memory_space<vmem>> -> memref<1x128xi32, #tpu.memory_space<vmem>>
            %dma_start3A_246 = tpu.memref_squeeze %dma_start3A_245 : memref<1x128xi32, #tpu.memory_space<vmem>> -> memref<128xi32, #tpu.memory_space<vmem>>
            %dma_start3A_247 = arith.constant 0 : i32
            %dma_start3A_248 = arith.constant 0 : i32
            %dma_start3A_249 = tpu.memref_slice %arg2[%dma_start3A_247, %dma_start3A_248] : memref<3276800x16xf32, #tpu.memory_space<hbm>> -> memref<3276800x16xf32, #tpu.memory_space<hbm>>
            tpu.enqueue_indirect_dma source(%dma_start3A_249 : memref<3276800x16xf32, #tpu.memory_space<hbm>>) target(%dma_start3A_239 : memref<128x16xf32, #tpu.memory_space<vmem>>) offsets(%dma_start3A_246 : memref<128xi32, #tpu.memory_space<vmem>>) semaphore(%arg12 : memref<!tpu.dma_semaphore, #tpu.memory_space<semaphore_mem>>)
            %scan3A_250 = arith.constant 0 : i32
            scf.yield %scan3A_250 : i32
          }
          %scan3A_228 = arith.constant 8 : i32
        } else {
        }
      } else {
      }
      %eq3A = arith.constant 0 : i32
      %eq3A_135 = arith.cmpi eq, %and3A_131, %eq3A : i32
      %convert_element_type3A_136 = arith.extui %eq3A_135 : i1 to i32
      %cond3A_137 = arith.constant 0 : i32
      %cond3A_138 = arith.cmpi ne, %convert_element_type3A_136, %cond3A_137 : i32
      scf.if %cond3A_138 {
        %scan3A_162 = arith.constant 0 : i32
        %scan3A_163 = arith.constant 0 : i32
        %scan3A_164 = arith.constant 8 : i32
        %scan3A_165 = arith.addi %scan3A_163, %scan3A_164 : i32
        %scan3A_166 = arith.constant 1 : i32
        %scan3A_167 = scf.for %scan3A_169 = %scan3A_163 to %scan3A_165 step %scan3A_166 iter_args(%scan3A_170 = %scan3A_162) -> (i32)  : i32 {
          %mul3A_171 = arith.constant 128 : i32
          %mul3A_172 = arith.muli %scan3A_169, %mul3A_171 : i32
          %dma_wait3A = arith.constant 0 : i32
          %dma_wait3A_173 = arith.constant 0 : i32
          %dma_wait3A_174 = arith.constant 0 : i32
          %dma_wait3A_175 = arith.constant 0 : i32
          %dma_wait3A_176 = tpu.memref_slice %arg7[%dma_wait3A_173, %dma_wait3A_174, %dma_wait3A_175] : memref<4x1024x16xf32, #tpu.memory_space<vmem>> -> memref<1x1024x16xf32, #tpu.memory_space<vmem>>
          %dma_wait3A_177 = tpu.memref_squeeze %dma_wait3A_176 : memref<1x1024x16xf32, #tpu.memory_space<vmem>> -> memref<1024x16xf32, #tpu.memory_space<vmem>>
          %dma_wait3A_178 = arith.constant 0 : i32
          %dma_wait3A_179 = tpu.memref_slice %dma_wait3A_177[%mul3A_172, %dma_wait3A_178] : memref<1024x16xf32, #tpu.memory_space<vmem>> -> memref<128x16xf32, #tpu.memory_space<vmem>>
          %dma_wait3A_180 = arith.constant 0 : i32
          %dma_wait3A_181 = arith.constant 0 : i32
          %dma_wait3A_182 = tpu.memref_slice %arg6[%dma_wait3A, %dma_wait3A_180, %dma_wait3A_181] : memref<4x8x128xi32, #tpu.memory_space<vmem>> -> memref<1x8x128xi32, #tpu.memory_space<vmem>>
          %dma_wait3A_183 = tpu.memref_squeeze %dma_wait3A_182 : memref<1x8x128xi32, #tpu.memory_space<vmem>> -> memref<8x128xi32, #tpu.memory_space<vmem>>
          %dma_wait3A_184 = arith.constant 0 : i32
          %dma_wait3A_185 = tpu.memref_slice %dma_wait3A_183[%scan3A_169, %dma_wait3A_184] : memref<8x128xi32, #tpu.memory_space<vmem>> -> memref<1x128xi32, #tpu.memory_space<vmem>>
          %dma_wait3A_186 = tpu.memref_squeeze %dma_wait3A_185 : memref<1x128xi32, #tpu.memory_space<vmem>> -> memref<128xi32, #tpu.memory_space<vmem>>
          %dma_wait3A_187 = arith.constant 0 : i32
          %dma_wait3A_188 = arith.constant 0 : i32
          %dma_wait3A_189 = tpu.memref_slice %arg2[%dma_wait3A_187, %dma_wait3A_188] : memref<3276800x16xf32, #tpu.memory_space<hbm>> -> memref<3276800x16xf32, #tpu.memory_space<hbm>>
          tpu.wait_indirect_dma semaphore(%arg9 : memref<!tpu.dma_semaphore, #tpu.memory_space<semaphore_mem>>) src(%dma_wait3A_189 : memref<3276800x16xf32, #tpu.memory_space<hbm>>) dst(%dma_wait3A_179 : memref<128x16xf32, #tpu.memory_space<vmem>>)
          %scan3A_190 = arith.constant 0 : i32
          scf.yield %scan3A_190 : i32
        }
        %scan3A_168 = arith.constant 8 : i32
      } else {
      }
      %eq3A_139 = arith.constant 1 : i32
      %eq3A_140 = arith.cmpi eq, %and3A_131, %eq3A_139 : i32
      %convert_element_type3A_141 = arith.extui %eq3A_140 : i1 to i32
      %cond3A_142 = arith.constant 0 : i32
      %cond3A_143 = arith.cmpi ne, %convert_element_type3A_141, %cond3A_142 : i32
      scf.if %cond3A_143 {
        %scan3A_162 = arith.constant 0 : i32
        %scan3A_163 = arith.constant 0 : i32
        %scan3A_164 = arith.constant 8 : i32
        %scan3A_165 = arith.addi %scan3A_163, %scan3A_164 : i32
        %scan3A_166 = arith.constant 1 : i32
        %scan3A_167 = scf.for %scan3A_169 = %scan3A_163 to %scan3A_165 step %scan3A_166 iter_args(%scan3A_170 = %scan3A_162) -> (i32)  : i32 {
          %mul3A_171 = arith.constant 128 : i32
          %mul3A_172 = arith.muli %scan3A_169, %mul3A_171 : i32
          %dma_wait3A = arith.constant 1 : i32
          %dma_wait3A_173 = arith.constant 1 : i32
          %dma_wait3A_174 = arith.constant 0 : i32
          %dma_wait3A_175 = arith.constant 0 : i32
          %dma_wait3A_176 = tpu.memref_slice %arg7[%dma_wait3A_173, %dma_wait3A_174, %dma_wait3A_175] : memref<4x1024x16xf32, #tpu.memory_space<vmem>> -> memref<1x1024x16xf32, #tpu.memory_space<vmem>>
          %dma_wait3A_177 = tpu.memref_squeeze %dma_wait3A_176 : memref<1x1024x16xf32, #tpu.memory_space<vmem>> -> memref<1024x16xf32, #tpu.memory_space<vmem>>
          %dma_wait3A_178 = arith.constant 0 : i32
          %dma_wait3A_179 = tpu.memref_slice %dma_wait3A_177[%mul3A_172, %dma_wait3A_178] : memref<1024x16xf32, #tpu.memory_space<vmem>> -> memref<128x16xf32, #tpu.memory_space<vmem>>
          %dma_wait3A_180 = arith.constant 0 : i32
          %dma_wait3A_181 = arith.constant 0 : i32
          %dma_wait3A_182 = tpu.memref_slice %arg6[%dma_wait3A, %dma_wait3A_180, %dma_wait3A_181] : memref<4x8x128xi32, #tpu.memory_space<vmem>> -> memref<1x8x128xi32, #tpu.memory_space<vmem>>
          %dma_wait3A_183 = tpu.memref_squeeze %dma_wait3A_182 : memref<1x8x128xi32, #tpu.memory_space<vmem>> -> memref<8x128xi32, #tpu.memory_space<vmem>>
          %dma_wait3A_184 = arith.constant 0 : i32
          %dma_wait3A_185 = tpu.memref_slice %dma_wait3A_183[%scan3A_169, %dma_wait3A_184] : memref<8x128xi32, #tpu.memory_space<vmem>> -> memref<1x128xi32, #tpu.memory_space<vmem>>
          %dma_wait3A_186 = tpu.memref_squeeze %dma_wait3A_185 : memref<1x128xi32, #tpu.memory_space<vmem>> -> memref<128xi32, #tpu.memory_space<vmem>>
          %dma_wait3A_187 = arith.constant 0 : i32
          %dma_wait3A_188 = arith.constant 0 : i32
          %dma_wait3A_189 = tpu.memref_slice %arg2[%dma_wait3A_187, %dma_wait3A_188] : memref<3276800x16xf32, #tpu.memory_space<hbm>> -> memref<3276800x16xf32, #tpu.memory_space<hbm>>
          tpu.wait_indirect_dma semaphore(%arg10 : memref<!tpu.dma_semaphore, #tpu.memory_space<semaphore_mem>>) src(%dma_wait3A_189 : memref<3276800x16xf32, #tpu.memory_space<hbm>>) dst(%dma_wait3A_179 : memref<128x16xf32, #tpu.memory_space<vmem>>)
          %scan3A_190 = arith.constant 0 : i32
          scf.yield %scan3A_190 : i32
        }
        %scan3A_168 = arith.constant 8 : i32
      } else {
      }
      %eq3A_144 = arith.constant 2 : i32
      %eq3A_145 = arith.cmpi eq, %and3A_131, %eq3A_144 : i32
      %convert_element_type3A_146 = arith.extui %eq3A_145 : i1 to i32
      %cond3A_147 = arith.constant 0 : i32
      %cond3A_148 = arith.cmpi ne, %convert_element_type3A_146, %cond3A_147 : i32
      scf.if %cond3A_148 {
        %scan3A_162 = arith.constant 0 : i32
        %scan3A_163 = arith.constant 0 : i32
        %scan3A_164 = arith.constant 8 : i32
        %scan3A_165 = arith.addi %scan3A_163, %scan3A_164 : i32
        %scan3A_166 = arith.constant 1 : i32
        %scan3A_167 = scf.for %scan3A_169 = %scan3A_163 to %scan3A_165 step %scan3A_166 iter_args(%scan3A_170 = %scan3A_162) -> (i32)  : i32 {
          %mul3A_171 = arith.constant 128 : i32
          %mul3A_172 = arith.muli %scan3A_169, %mul3A_171 : i32
          %dma_wait3A = arith.constant 2 : i32
          %dma_wait3A_173 = arith.constant 2 : i32
          %dma_wait3A_174 = arith.constant 0 : i32
          %dma_wait3A_175 = arith.constant 0 : i32
          %dma_wait3A_176 = tpu.memref_slice %arg7[%dma_wait3A_173, %dma_wait3A_174, %dma_wait3A_175] : memref<4x1024x16xf32, #tpu.memory_space<vmem>> -> memref<1x1024x16xf32, #tpu.memory_space<vmem>>
          %dma_wait3A_177 = tpu.memref_squeeze %dma_wait3A_176 : memref<1x1024x16xf32, #tpu.memory_space<vmem>> -> memref<1024x16xf32, #tpu.memory_space<vmem>>
          %dma_wait3A_178 = arith.constant 0 : i32
          %dma_wait3A_179 = tpu.memref_slice %dma_wait3A_177[%mul3A_172, %dma_wait3A_178] : memref<1024x16xf32, #tpu.memory_space<vmem>> -> memref<128x16xf32, #tpu.memory_space<vmem>>
          %dma_wait3A_180 = arith.constant 0 : i32
          %dma_wait3A_181 = arith.constant 0 : i32
          %dma_wait3A_182 = tpu.memref_slice %arg6[%dma_wait3A, %dma_wait3A_180, %dma_wait3A_181] : memref<4x8x128xi32, #tpu.memory_space<vmem>> -> memref<1x8x128xi32, #tpu.memory_space<vmem>>
          %dma_wait3A_183 = tpu.memref_squeeze %dma_wait3A_182 : memref<1x8x128xi32, #tpu.memory_space<vmem>> -> memref<8x128xi32, #tpu.memory_space<vmem>>
          %dma_wait3A_184 = arith.constant 0 : i32
          %dma_wait3A_185 = tpu.memref_slice %dma_wait3A_183[%scan3A_169, %dma_wait3A_184] : memref<8x128xi32, #tpu.memory_space<vmem>> -> memref<1x128xi32, #tpu.memory_space<vmem>>
          %dma_wait3A_186 = tpu.memref_squeeze %dma_wait3A_185 : memref<1x128xi32, #tpu.memory_space<vmem>> -> memref<128xi32, #tpu.memory_space<vmem>>
          %dma_wait3A_187 = arith.constant 0 : i32
          %dma_wait3A_188 = arith.constant 0 : i32
          %dma_wait3A_189 = tpu.memref_slice %arg2[%dma_wait3A_187, %dma_wait3A_188] : memref<3276800x16xf32, #tpu.memory_space<hbm>> -> memref<3276800x16xf32, #tpu.memory_space<hbm>>
          tpu.wait_indirect_dma semaphore(%arg11 : memref<!tpu.dma_semaphore, #tpu.memory_space<semaphore_mem>>) src(%dma_wait3A_189 : memref<3276800x16xf32, #tpu.memory_space<hbm>>) dst(%dma_wait3A_179 : memref<128x16xf32, #tpu.memory_space<vmem>>)
          %scan3A_190 = arith.constant 0 : i32
          scf.yield %scan3A_190 : i32
        }
        %scan3A_168 = arith.constant 8 : i32
      } else {
      }
      %eq3A_149 = arith.constant 3 : i32
      %eq3A_150 = arith.cmpi eq, %and3A_131, %eq3A_149 : i32
      %convert_element_type3A_151 = arith.extui %eq3A_150 : i1 to i32
      %cond3A_152 = arith.constant 0 : i32
      %cond3A_153 = arith.cmpi ne, %convert_element_type3A_151, %cond3A_152 : i32
      scf.if %cond3A_153 {
        %scan3A_162 = arith.constant 0 : i32
        %scan3A_163 = arith.constant 0 : i32
        %scan3A_164 = arith.constant 8 : i32
        %scan3A_165 = arith.addi %scan3A_163, %scan3A_164 : i32
        %scan3A_166 = arith.constant 1 : i32
        %scan3A_167 = scf.for %scan3A_169 = %scan3A_163 to %scan3A_165 step %scan3A_166 iter_args(%scan3A_170 = %scan3A_162) -> (i32)  : i32 {
          %mul3A_171 = arith.constant 128 : i32
          %mul3A_172 = arith.muli %scan3A_169, %mul3A_171 : i32
          %dma_wait3A = arith.constant 3 : i32
          %dma_wait3A_173 = arith.constant 3 : i32
          %dma_wait3A_174 = arith.constant 0 : i32
          %dma_wait3A_175 = arith.constant 0 : i32
          %dma_wait3A_176 = tpu.memref_slice %arg7[%dma_wait3A_173, %dma_wait3A_174, %dma_wait3A_175] : memref<4x1024x16xf32, #tpu.memory_space<vmem>> -> memref<1x1024x16xf32, #tpu.memory_space<vmem>>
          %dma_wait3A_177 = tpu.memref_squeeze %dma_wait3A_176 : memref<1x1024x16xf32, #tpu.memory_space<vmem>> -> memref<1024x16xf32, #tpu.memory_space<vmem>>
          %dma_wait3A_178 = arith.constant 0 : i32
          %dma_wait3A_179 = tpu.memref_slice %dma_wait3A_177[%mul3A_172, %dma_wait3A_178] : memref<1024x16xf32, #tpu.memory_space<vmem>> -> memref<128x16xf32, #tpu.memory_space<vmem>>
          %dma_wait3A_180 = arith.constant 0 : i32
          %dma_wait3A_181 = arith.constant 0 : i32
          %dma_wait3A_182 = tpu.memref_slice %arg6[%dma_wait3A, %dma_wait3A_180, %dma_wait3A_181] : memref<4x8x128xi32, #tpu.memory_space<vmem>> -> memref<1x8x128xi32, #tpu.memory_space<vmem>>
          %dma_wait3A_183 = tpu.memref_squeeze %dma_wait3A_182 : memref<1x8x128xi32, #tpu.memory_space<vmem>> -> memref<8x128xi32, #tpu.memory_space<vmem>>
          %dma_wait3A_184 = arith.constant 0 : i32
          %dma_wait3A_185 = tpu.memref_slice %dma_wait3A_183[%scan3A_169, %dma_wait3A_184] : memref<8x128xi32, #tpu.memory_space<vmem>> -> memref<1x128xi32, #tpu.memory_space<vmem>>
          %dma_wait3A_186 = tpu.memref_squeeze %dma_wait3A_185 : memref<1x128xi32, #tpu.memory_space<vmem>> -> memref<128xi32, #tpu.memory_space<vmem>>
          %dma_wait3A_187 = arith.constant 0 : i32
          %dma_wait3A_188 = arith.constant 0 : i32
          %dma_wait3A_189 = tpu.memref_slice %arg2[%dma_wait3A_187, %dma_wait3A_188] : memref<3276800x16xf32, #tpu.memory_space<hbm>> -> memref<3276800x16xf32, #tpu.memory_space<hbm>>
          tpu.wait_indirect_dma semaphore(%arg12 : memref<!tpu.dma_semaphore, #tpu.memory_space<semaphore_mem>>) src(%dma_wait3A_189 : memref<3276800x16xf32, #tpu.memory_space<hbm>>) dst(%dma_wait3A_179 : memref<128x16xf32, #tpu.memory_space<vmem>>)
          %scan3A_190 = arith.constant 0 : i32
          scf.yield %scan3A_190 : i32
        }
        %scan3A_168 = arith.constant 8 : i32
      } else {
      }
      %scan3A_154 = arith.constant 0 : i32
      %scan3A_155 = arith.constant 0 : i32
      %scan3A_156 = arith.constant 8 : i32
      %scan3A_157 = arith.addi %scan3A_155, %scan3A_156 : i32
      %scan3A_158 = arith.constant 1 : i32
      %scan3A_159 = scf.for %scan3A_162 = %scan3A_155 to %scan3A_157 step %scan3A_158 iter_args(%scan3A_163 = %scan3A_154) -> (i32)  : i32 {
        %mul3A_164 = arith.constant 128 : i32
        %mul3A_165 = arith.muli %scan3A_162, %mul3A_164 : i32
        %add3A_166 = arith.constant 0 : i32
        %add3A_167 = arith.addi %mul3A_165, %add3A_166 : i32
        %add3A_168 = vector.broadcast %add3A_167 : i32 to vector<16xi32>
        %add3A_169 = arith.addi %add3A_168, %iota3A : vector<16xi32>
        %gather3A = arith.constant 0 : i32
        %gather3A_170 = arith.constant 0 : i32
        %gather3A_171 = tpu.memref_slice %arg7[%and3A_131, %gather3A, %gather3A_170] : memref<4x1024x16xf32, #tpu.memory_space<vmem>> -> memref<1x1024x16xf32, #tpu.memory_space<vmem>>
        %gather3A_172 = tpu.memref_squeeze %gather3A_171 : memref<1x1024x16xf32, #tpu.memory_space<vmem>> -> memref<1024x16xf32, #tpu.memory_space<vmem>>
        %gather3A_173 = tpu.vector_load_idx %gather3A_172[%add3A_169, %iota3A] : memref<1024x16xf32, #tpu.memory_space<vmem>>[vector<16xi32>, vector<16xi32>], vector<16xf32>,
        %mul3A_174 = arith.constant 16 : i32
        %mul3A_175 = arith.muli %scan3A_129, %mul3A_174 : i32
        %swap3A = arith.constant 0 : i32
        %swap3A_176 = arith.constant 0 : i32
        %swap3A_177 = arith.constant 0 : i32
        %swap3A_178 = arith.constant 0 : i32
        %swap3A_179 = arith.constant 0 : i32
        %swap3A_180 = tpu.memref_slice %arg8[%scan3A_162, %swap3A_177, %swap3A_178, %swap3A_179] : memref<8x1x8x128xf32, #tpu.memory_space<vmem>> -> memref<1x1x8x128xf32, #tpu.memory_space<vmem>>
        %swap3A_181 = tpu.memref_squeeze %swap3A_180 : memref<1x1x8x128xf32, #tpu.memory_space<vmem>> -> memref<1x8x128xf32, #tpu.memory_space<vmem>>
        %swap3A_182 = arith.constant 0 : i32
        %swap3A_183 = arith.constant 0 : i32
        %swap3A_184 = tpu.memref_slice %swap3A_181[%swap3A, %swap3A_182, %swap3A_183] : memref<1x8x128xf32, #tpu.memory_space<vmem>> -> memref<1x8x128xf32, #tpu.memory_space<vmem>>
        %swap3A_185 = tpu.memref_squeeze %swap3A_184 : memref<1x8x128xf32, #tpu.memory_space<vmem>> -> memref<8x128xf32, #tpu.memory_space<vmem>>
        %swap3A_186 = arith.constant 0 : i32
        %swap3A_187 = tpu.memref_slice %swap3A_185[%swap3A_176, %swap3A_186] : memref<8x128xf32, #tpu.memory_space<vmem>> -> memref<1x128xf32, #tpu.memory_space<vmem>>
        %swap3A_188 = tpu.memref_squeeze %swap3A_187 : memref<1x128xf32, #tpu.memory_space<vmem>> -> memref<128xf32, #tpu.memory_space<vmem>>
        %swap3A_189 = arith.index_cast %mul3A_175 : i32 to index
        %swap3A_190 = tpu.vector_load %swap3A_188[%swap3A_189] {strides = array<i32>} : memref<128xf32, #tpu.memory_space<vmem>>, vector<16xf32>,
        tpu.vector_store %swap3A_188[%swap3A_189], %gather3A_173 {strides = array<i32>} : memref<128xf32, #tpu.memory_space<vmem>>, vector<16xf32>,
        %mul3A_191 = arith.constant 128 : i32
        %mul3A_192 = arith.muli %scan3A_162, %mul3A_191 : i32
        %add3A_193 = arith.constant 16 : i32
        %add3A_194 = arith.addi %mul3A_192, %add3A_193 : i32
        %add3A_195 = vector.broadcast %add3A_194 : i32 to vector<16xi32>
        %add3A_196 = arith.addi %add3A_195, %iota3A : vector<16xi32>
        %gather3A_197 = arith.constant 0 : i32
        %gather3A_198 = arith.constant 0 : i32
        %gather3A_199 = tpu.memref_slice %arg7[%and3A_131, %gather3A_197, %gather3A_198] : memref<4x1024x16xf32, #tpu.memory_space<vmem>> -> memref<1x1024x16xf32, #tpu.memory_space<vmem>>
        %gather3A_200 = tpu.memref_squeeze %gather3A_199 : memref<1x1024x16xf32, #tpu.memory_space<vmem>> -> memref<1024x16xf32, #tpu.memory_space<vmem>>
        %gather3A_201 = tpu.vector_load_idx %gather3A_200[%add3A_196, %iota3A] : memref<1024x16xf32, #tpu.memory_space<vmem>>[vector<16xi32>, vector<16xi32>], vector<16xf32>,
        %mul3A_202 = arith.constant 16 : i32
        %mul3A_203 = arith.muli %scan3A_129, %mul3A_202 : i32
        %swap3A_204 = arith.constant 0 : i32
        %swap3A_205 = arith.constant 1 : i32
        %swap3A_206 = arith.constant 0 : i32
        %swap3A_207 = arith.constant 0 : i32
        %swap3A_208 = arith.constant 0 : i32
        %swap3A_209 = tpu.memref_slice %arg8[%scan3A_162, %swap3A_206, %swap3A_207, %swap3A_208] : memref<8x1x8x128xf32, #tpu.memory_space<vmem>> -> memref<1x1x8x128xf32, #tpu.memory_space<vmem>>
        %swap3A_210 = tpu.memref_squeeze %swap3A_209 : memref<1x1x8x128xf32, #tpu.memory_space<vmem>> -> memref<1x8x128xf32, #tpu.memory_space<vmem>>
        %swap3A_211 = arith.constant 0 : i32
        %swap3A_212 = arith.constant 0 : i32
        %swap3A_213 = tpu.memref_slice %swap3A_210[%swap3A_204, %swap3A_211, %swap3A_212] : memref<1x8x128xf32, #tpu.memory_space<vmem>> -> memref<1x8x128xf32, #tpu.memory_space<vmem>>
        %swap3A_214 = tpu.memref_squeeze %swap3A_213 : memref<1x8x128xf32, #tpu.memory_space<vmem>> -> memref<8x128xf32, #tpu.memory_space<vmem>>
        %swap3A_215 = arith.constant 0 : i32
        %swap3A_216 = tpu.memref_slice %swap3A_214[%swap3A_205, %swap3A_215] : memref<8x128xf32, #tpu.memory_space<vmem>> -> memref<1x128xf32, #tpu.memory_space<vmem>>
        %swap3A_217 = tpu.memref_squeeze %swap3A_216 : memref<1x128xf32, #tpu.memory_space<vmem>> -> memref<128xf32, #tpu.memory_space<vmem>>
        %swap3A_218 = arith.index_cast %mul3A_203 : i32 to index
        %swap3A_219 = tpu.vector_load %swap3A_217[%swap3A_218] {strides = array<i32>} : memref<128xf32, #tpu.memory_space<vmem>>, vector<16xf32>,
        tpu.vector_store %swap3A_217[%swap3A_218], %gather3A_201 {strides = array<i32>} : memref<128xf32, #tpu.memory_space<vmem>>, vector<16xf32>,
        %mul3A_220 = arith.constant 128 : i32
        %mul3A_221 = arith.muli %scan3A_162, %mul3A_220 : i32
        %add3A_222 = arith.constant 32 : i32
        %add3A_223 = arith.addi %mul3A_221, %add3A_222 : i32
        %add3A_224 = vector.broadcast %add3A_223 : i32 to vector<16xi32>
        %add3A_225 = arith.addi %add3A_224, %iota3A : vector<16xi32>
        %gather3A_226 = arith.constant 0 : i32
        %gather3A_227 = arith.constant 0 : i32
        %gather3A_228 = tpu.memref_slice %arg7[%and3A_131, %gather3A_226, %gather3A_227] : memref<4x1024x16xf32, #tpu.memory_space<vmem>> -> memref<1x1024x16xf32, #tpu.memory_space<vmem>>
        %gather3A_229 = tpu.memref_squeeze %gather3A_228 : memref<1x1024x16xf32, #tpu.memory_space<vmem>> -> memref<1024x16xf32, #tpu.memory_space<vmem>>
        %gather3A_230 = tpu.vector_load_idx %gather3A_229[%add3A_225, %iota3A] : memref<1024x16xf32, #tpu.memory_space<vmem>>[vector<16xi32>, vector<16xi32>], vector<16xf32>,
        %mul3A_231 = arith.constant 16 : i32
        %mul3A_232 = arith.muli %scan3A_129, %mul3A_231 : i32
        %swap3A_233 = arith.constant 0 : i32
        %swap3A_234 = arith.constant 2 : i32
        %swap3A_235 = arith.constant 0 : i32
        %swap3A_236 = arith.constant 0 : i32
        %swap3A_237 = arith.constant 0 : i32
        %swap3A_238 = tpu.memref_slice %arg8[%scan3A_162, %swap3A_235, %swap3A_236, %swap3A_237] : memref<8x1x8x128xf32, #tpu.memory_space<vmem>> -> memref<1x1x8x128xf32, #tpu.memory_space<vmem>>
        %swap3A_239 = tpu.memref_squeeze %swap3A_238 : memref<1x1x8x128xf32, #tpu.memory_space<vmem>> -> memref<1x8x128xf32, #tpu.memory_space<vmem>>
        %swap3A_240 = arith.constant 0 : i32
        %swap3A_241 = arith.constant 0 : i32
        %swap3A_242 = tpu.memref_slice %swap3A_239[%swap3A_233, %swap3A_240, %swap3A_241] : memref<1x8x128xf32, #tpu.memory_space<vmem>> -> memref<1x8x128xf32, #tpu.memory_space<vmem>>
        %swap3A_243 = tpu.memref_squeeze %swap3A_242 : memref<1x8x128xf32, #tpu.memory_space<vmem>> -> memref<8x128xf32, #tpu.memory_space<vmem>>
        %swap3A_244 = arith.constant 0 : i32
        %swap3A_245 = tpu.memref_slice %swap3A_243[%swap3A_234, %swap3A_244] : memref<8x128xf32, #tpu.memory_space<vmem>> -> memref<1x128xf32, #tpu.memory_space<vmem>>
        %swap3A_246 = tpu.memref_squeeze %swap3A_245 : memref<1x128xf32, #tpu.memory_space<vmem>> -> memref<128xf32, #tpu.memory_space<vmem>>
        %swap3A_247 = arith.index_cast %mul3A_232 : i32 to index
        %swap3A_248 = tpu.vector_load %swap3A_246[%swap3A_247] {strides = array<i32>} : memref<128xf32, #tpu.memory_space<vmem>>, vector<16xf32>,
        tpu.vector_store %swap3A_246[%swap3A_247], %gather3A_230 {strides = array<i32>} : memref<128xf32, #tpu.memory_space<vmem>>, vector<16xf32>,
        %mul3A_249 = arith.constant 128 : i32
        %mul3A_250 = arith.muli %scan3A_162, %mul3A_249 : i32
        %add3A_251 = arith.constant 48 : i32
        %add3A_252 = arith.addi %mul3A_250, %add3A_251 : i32
        %add3A_253 = vector.broadcast %add3A_252 : i32 to vector<16xi32>
        %add3A_254 = arith.addi %add3A_253, %iota3A : vector<16xi32>
        %gather3A_255 = arith.constant 0 : i32
        %gather3A_256 = arith.constant 0 : i32
        %gather3A_257 = tpu.memref_slice %arg7[%and3A_131, %gather3A_255, %gather3A_256] : memref<4x1024x16xf32, #tpu.memory_space<vmem>> -> memref<1x1024x16xf32, #tpu.memory_space<vmem>>
        %gather3A_258 = tpu.memref_squeeze %gather3A_257 : memref<1x1024x16xf32, #tpu.memory_space<vmem>> -> memref<1024x16xf32, #tpu.memory_space<vmem>>
        %gather3A_259 = tpu.vector_load_idx %gather3A_258[%add3A_254, %iota3A] : memref<1024x16xf32, #tpu.memory_space<vmem>>[vector<16xi32>, vector<16xi32>], vector<16xf32>,
        %mul3A_260 = arith.constant 16 : i32
        %mul3A_261 = arith.muli %scan3A_129, %mul3A_260 : i32
        %swap3A_262 = arith.constant 0 : i32
        %swap3A_263 = arith.constant 3 : i32
        %swap3A_264 = arith.constant 0 : i32
        %swap3A_265 = arith.constant 0 : i32
        %swap3A_266 = arith.constant 0 : i32
        %swap3A_267 = tpu.memref_slice %arg8[%scan3A_162, %swap3A_264, %swap3A_265, %swap3A_266] : memref<8x1x8x128xf32, #tpu.memory_space<vmem>> -> memref<1x1x8x128xf32, #tpu.memory_space<vmem>>
        %swap3A_268 = tpu.memref_squeeze %swap3A_267 : memref<1x1x8x128xf32, #tpu.memory_space<vmem>> -> memref<1x8x128xf32, #tpu.memory_space<vmem>>
        %swap3A_269 = arith.constant 0 : i32
        %swap3A_270 = arith.constant 0 : i32
        %swap3A_271 = tpu.memref_slice %swap3A_268[%swap3A_262, %swap3A_269, %swap3A_270] : memref<1x8x128xf32, #tpu.memory_space<vmem>> -> memref<1x8x128xf32, #tpu.memory_space<vmem>>
        %swap3A_272 = tpu.memref_squeeze %swap3A_271 : memref<1x8x128xf32, #tpu.memory_space<vmem>> -> memref<8x128xf32, #tpu.memory_space<vmem>>
        %swap3A_273 = arith.constant 0 : i32
        %swap3A_274 = tpu.memref_slice %swap3A_272[%swap3A_263, %swap3A_273] : memref<8x128xf32, #tpu.memory_space<vmem>> -> memref<1x128xf32, #tpu.memory_space<vmem>>
        %swap3A_275 = tpu.memref_squeeze %swap3A_274 : memref<1x128xf32, #tpu.memory_space<vmem>> -> memref<128xf32, #tpu.memory_space<vmem>>
        %swap3A_276 = arith.index_cast %mul3A_261 : i32 to index
        %swap3A_277 = tpu.vector_load %swap3A_275[%swap3A_276] {strides = array<i32>} : memref<128xf32, #tpu.memory_space<vmem>>, vector<16xf32>,
        tpu.vector_store %swap3A_275[%swap3A_276], %gather3A_259 {strides = array<i32>} : memref<128xf32, #tpu.memory_space<vmem>>, vector<16xf32>,
        %mul3A_278 = arith.constant 128 : i32
        %mul3A_279 = arith.muli %scan3A_162, %mul3A_278 : i32
        %add3A_280 = arith.constant 64 : i32
        %add3A_281 = arith.addi %mul3A_279, %add3A_280 : i32
        %add3A_282 = vector.broadcast %add3A_281 : i32 to vector<16xi32>
        %add3A_283 = arith.addi %add3A_282, %iota3A : vector<16xi32>
        %gather3A_284 = arith.constant 0 : i32
        %gather3A_285 = arith.constant 0 : i32
        %gather3A_286 = tpu.memref_slice %arg7[%and3A_131, %gather3A_284, %gather3A_285] : memref<4x1024x16xf32, #tpu.memory_space<vmem>> -> memref<1x1024x16xf32, #tpu.memory_space<vmem>>
        %gather3A_287 = tpu.memref_squeeze %gather3A_286 : memref<1x1024x16xf32, #tpu.memory_space<vmem>> -> memref<1024x16xf32, #tpu.memory_space<vmem>>
        %gather3A_288 = tpu.vector_load_idx %gather3A_287[%add3A_283, %iota3A] : memref<1024x16xf32, #tpu.memory_space<vmem>>[vector<16xi32>, vector<16xi32>], vector<16xf32>,
        %mul3A_289 = arith.constant 16 : i32
        %mul3A_290 = arith.muli %scan3A_129, %mul3A_289 : i32
        %swap3A_291 = arith.constant 0 : i32
        %swap3A_292 = arith.constant 4 : i32
        %swap3A_293 = arith.constant 0 : i32
        %swap3A_294 = arith.constant 0 : i32
        %swap3A_295 = arith.constant 0 : i32
        %swap3A_296 = tpu.memref_slice %arg8[%scan3A_162, %swap3A_293, %swap3A_294, %swap3A_295] : memref<8x1x8x128xf32, #tpu.memory_space<vmem>> -> memref<1x1x8x128xf32, #tpu.memory_space<vmem>>
        %swap3A_297 = tpu.memref_squeeze %swap3A_296 : memref<1x1x8x128xf32, #tpu.memory_space<vmem>> -> memref<1x8x128xf32, #tpu.memory_space<vmem>>
        %swap3A_298 = arith.constant 0 : i32
        %swap3A_299 = arith.constant 0 : i32
        %swap3A_300 = tpu.memref_slice %swap3A_297[%swap3A_291, %swap3A_298, %swap3A_299] : memref<1x8x128xf32, #tpu.memory_space<vmem>> -> memref<1x8x128xf32, #tpu.memory_space<vmem>>
        %swap3A_301 = tpu.memref_squeeze %swap3A_300 : memref<1x8x128xf32, #tpu.memory_space<vmem>> -> memref<8x128xf32, #tpu.memory_space<vmem>>
        %swap3A_302 = arith.constant 0 : i32
        %swap3A_303 = tpu.memref_slice %swap3A_301[%swap3A_292, %swap3A_302] : memref<8x128xf32, #tpu.memory_space<vmem>> -> memref<1x128xf32, #tpu.memory_space<vmem>>
        %swap3A_304 = tpu.memref_squeeze %swap3A_303 : memref<1x128xf32, #tpu.memory_space<vmem>> -> memref<128xf32, #tpu.memory_space<vmem>>
        %swap3A_305 = arith.index_cast %mul3A_290 : i32 to index
        %swap3A_306 = tpu.vector_load %swap3A_304[%swap3A_305] {strides = array<i32>} : memref<128xf32, #tpu.memory_space<vmem>>, vector<16xf32>,
        tpu.vector_store %swap3A_304[%swap3A_305], %gather3A_288 {strides = array<i32>} : memref<128xf32, #tpu.memory_space<vmem>>, vector<16xf32>,
        %mul3A_307 = arith.constant 128 : i32
        %mul3A_308 = arith.muli %scan3A_162, %mul3A_307 : i32
        %add3A_309 = arith.constant 80 : i32
        %add3A_310 = arith.addi %mul3A_308, %add3A_309 : i32
        %add3A_311 = vector.broadcast %add3A_310 : i32 to vector<16xi32>
        %add3A_312 = arith.addi %add3A_311, %iota3A : vector<16xi32>
        %gather3A_313 = arith.constant 0 : i32
        %gather3A_314 = arith.constant 0 : i32
        %gather3A_315 = tpu.memref_slice %arg7[%and3A_131, %gather3A_313, %gather3A_314] : memref<4x1024x16xf32, #tpu.memory_space<vmem>> -> memref<1x1024x16xf32, #tpu.memory_space<vmem>>
        %gather3A_316 = tpu.memref_squeeze %gather3A_315 : memref<1x1024x16xf32, #tpu.memory_space<vmem>> -> memref<1024x16xf32, #tpu.memory_space<vmem>>
        %gather3A_317 = tpu.vector_load_idx %gather3A_316[%add3A_312, %iota3A] : memref<1024x16xf32, #tpu.memory_space<vmem>>[vector<16xi32>, vector<16xi32>], vector<16xf32>,
        %mul3A_318 = arith.constant 16 : i32
        %mul3A_319 = arith.muli %scan3A_129, %mul3A_318 : i32
        %swap3A_320 = arith.constant 0 : i32
        %swap3A_321 = arith.constant 5 : i32
        %swap3A_322 = arith.constant 0 : i32
        %swap3A_323 = arith.constant 0 : i32
        %swap3A_324 = arith.constant 0 : i32
        %swap3A_325 = tpu.memref_slice %arg8[%scan3A_162, %swap3A_322, %swap3A_323, %swap3A_324] : memref<8x1x8x128xf32, #tpu.memory_space<vmem>> -> memref<1x1x8x128xf32, #tpu.memory_space<vmem>>
        %swap3A_326 = tpu.memref_squeeze %swap3A_325 : memref<1x1x8x128xf32, #tpu.memory_space<vmem>> -> memref<1x8x128xf32, #tpu.memory_space<vmem>>
        %swap3A_327 = arith.constant 0 : i32
        %swap3A_328 = arith.constant 0 : i32
        %swap3A_329 = tpu.memref_slice %swap3A_326[%swap3A_320, %swap3A_327, %swap3A_328] : memref<1x8x128xf32, #tpu.memory_space<vmem>> -> memref<1x8x128xf32, #tpu.memory_space<vmem>>
        %swap3A_330 = tpu.memref_squeeze %swap3A_329 : memref<1x8x128xf32, #tpu.memory_space<vmem>> -> memref<8x128xf32, #tpu.memory_space<vmem>>
        %swap3A_331 = arith.constant 0 : i32
        %swap3A_332 = tpu.memref_slice %swap3A_330[%swap3A_321, %swap3A_331] : memref<8x128xf32, #tpu.memory_space<vmem>> -> memref<1x128xf32, #tpu.memory_space<vmem>>
        %swap3A_333 = tpu.memref_squeeze %swap3A_332 : memref<1x128xf32, #tpu.memory_space<vmem>> -> memref<128xf32, #tpu.memory_space<vmem>>
        %swap3A_334 = arith.index_cast %mul3A_319 : i32 to index
        %swap3A_335 = tpu.vector_load %swap3A_333[%swap3A_334] {strides = array<i32>} : memref<128xf32, #tpu.memory_space<vmem>>, vector<16xf32>,
        tpu.vector_store %swap3A_333[%swap3A_334], %gather3A_317 {strides = array<i32>} : memref<128xf32, #tpu.memory_space<vmem>>, vector<16xf32>,
        %mul3A_336 = arith.constant 128 : i32
        %mul3A_337 = arith.muli %scan3A_162, %mul3A_336 : i32
        %add3A_338 = arith.constant 96 : i32
        %add3A_339 = arith.addi %mul3A_337, %add3A_338 : i32
        %add3A_340 = vector.broadcast %add3A_339 : i32 to vector<16xi32>
        %add3A_341 = arith.addi %add3A_340, %iota3A : vector<16xi32>
        %gather3A_342 = arith.constant 0 : i32
        %gather3A_343 = arith.constant 0 : i32
        %gather3A_344 = tpu.memref_slice %arg7[%and3A_131, %gather3A_342, %gather3A_343] : memref<4x1024x16xf32, #tpu.memory_space<vmem>> -> memref<1x1024x16xf32, #tpu.memory_space<vmem>>
        %gather3A_345 = tpu.memref_squeeze %gather3A_344 : memref<1x1024x16xf32, #tpu.memory_space<vmem>> -> memref<1024x16xf32, #tpu.memory_space<vmem>>
        %gather3A_346 = tpu.vector_load_idx %gather3A_345[%add3A_341, %iota3A] : memref<1024x16xf32, #tpu.memory_space<vmem>>[vector<16xi32>, vector<16xi32>], vector<16xf32>,
        %mul3A_347 = arith.constant 16 : i32
        %mul3A_348 = arith.muli %scan3A_129, %mul3A_347 : i32
        %swap3A_349 = arith.constant 0 : i32
        %swap3A_350 = arith.constant 6 : i32
        %swap3A_351 = arith.constant 0 : i32
        %swap3A_352 = arith.constant 0 : i32
        %swap3A_353 = arith.constant 0 : i32
        %swap3A_354 = tpu.memref_slice %arg8[%scan3A_162, %swap3A_351, %swap3A_352, %swap3A_353] : memref<8x1x8x128xf32, #tpu.memory_space<vmem>> -> memref<1x1x8x128xf32, #tpu.memory_space<vmem>>
        %swap3A_355 = tpu.memref_squeeze %swap3A_354 : memref<1x1x8x128xf32, #tpu.memory_space<vmem>> -> memref<1x8x128xf32, #tpu.memory_space<vmem>>
        %swap3A_356 = arith.constant 0 : i32
        %swap3A_357 = arith.constant 0 : i32
        %swap3A_358 = tpu.memref_slice %swap3A_355[%swap3A_349, %swap3A_356, %swap3A_357] : memref<1x8x128xf32, #tpu.memory_space<vmem>> -> memref<1x8x128xf32, #tpu.memory_space<vmem>>
        %swap3A_359 = tpu.memref_squeeze %swap3A_358 : memref<1x8x128xf32, #tpu.memory_space<vmem>> -> memref<8x128xf32, #tpu.memory_space<vmem>>
        %swap3A_360 = arith.constant 0 : i32
        %swap3A_361 = tpu.memref_slice %swap3A_359[%swap3A_350, %swap3A_360] : memref<8x128xf32, #tpu.memory_space<vmem>> -> memref<1x128xf32, #tpu.memory_space<vmem>>
        %swap3A_362 = tpu.memref_squeeze %swap3A_361 : memref<1x128xf32, #tpu.memory_space<vmem>> -> memref<128xf32, #tpu.memory_space<vmem>>
        %swap3A_363 = arith.index_cast %mul3A_348 : i32 to index
        %swap3A_364 = tpu.vector_load %swap3A_362[%swap3A_363] {strides = array<i32>} : memref<128xf32, #tpu.memory_space<vmem>>, vector<16xf32>,
        tpu.vector_store %swap3A_362[%swap3A_363], %gather3A_346 {strides = array<i32>} : memref<128xf32, #tpu.memory_space<vmem>>, vector<16xf32>,
        %mul3A_365 = arith.constant 128 : i32
        %mul3A_366 = arith.muli %scan3A_162, %mul3A_365 : i32
        %add3A_367 = arith.constant 112 : i32
        %add3A_368 = arith.addi %mul3A_366, %add3A_367 : i32
        %add3A_369 = vector.broadcast %add3A_368 : i32 to vector<16xi32>
        %add3A_370 = arith.addi %add3A_369, %iota3A : vector<16xi32>
        %gather3A_371 = arith.constant 0 : i32
        %gather3A_372 = arith.constant 0 : i32
        %gather3A_373 = tpu.memref_slice %arg7[%and3A_131, %gather3A_371, %gather3A_372] : memref<4x1024x16xf32, #tpu.memory_space<vmem>> -> memref<1x1024x16xf32, #tpu.memory_space<vmem>>
        %gather3A_374 = tpu.memref_squeeze %gather3A_373 : memref<1x1024x16xf32, #tpu.memory_space<vmem>> -> memref<1024x16xf32, #tpu.memory_space<vmem>>
        %gather3A_375 = tpu.vector_load_idx %gather3A_374[%add3A_370, %iota3A] : memref<1024x16xf32, #tpu.memory_space<vmem>>[vector<16xi32>, vector<16xi32>], vector<16xf32>,
        %mul3A_376 = arith.constant 16 : i32
        %mul3A_377 = arith.muli %scan3A_129, %mul3A_376 : i32
        %swap3A_378 = arith.constant 0 : i32
        %swap3A_379 = arith.constant 7 : i32
        %swap3A_380 = arith.constant 0 : i32
        %swap3A_381 = arith.constant 0 : i32
        %swap3A_382 = arith.constant 0 : i32
        %swap3A_383 = tpu.memref_slice %arg8[%scan3A_162, %swap3A_380, %swap3A_381, %swap3A_382] : memref<8x1x8x128xf32, #tpu.memory_space<vmem>> -> memref<1x1x8x128xf32, #tpu.memory_space<vmem>>
        %swap3A_384 = tpu.memref_squeeze %swap3A_383 : memref<1x1x8x128xf32, #tpu.memory_space<vmem>> -> memref<1x8x128xf32, #tpu.memory_space<vmem>>
        %swap3A_385 = arith.constant 0 : i32
        %swap3A_386 = arith.constant 0 : i32
        %swap3A_387 = tpu.memref_slice %swap3A_384[%swap3A_378, %swap3A_385, %swap3A_386] : memref<1x8x128xf32, #tpu.memory_space<vmem>> -> memref<1x8x128xf32, #tpu.memory_space<vmem>>
        %swap3A_388 = tpu.memref_squeeze %swap3A_387 : memref<1x8x128xf32, #tpu.memory_space<vmem>> -> memref<8x128xf32, #tpu.memory_space<vmem>>
        %swap3A_389 = arith.constant 0 : i32
        %swap3A_390 = tpu.memref_slice %swap3A_388[%swap3A_379, %swap3A_389] : memref<8x128xf32, #tpu.memory_space<vmem>> -> memref<1x128xf32, #tpu.memory_space<vmem>>
        %swap3A_391 = tpu.memref_squeeze %swap3A_390 : memref<1x128xf32, #tpu.memory_space<vmem>> -> memref<128xf32, #tpu.memory_space<vmem>>
        %swap3A_392 = arith.index_cast %mul3A_377 : i32 to index
        %swap3A_393 = tpu.vector_load %swap3A_391[%swap3A_392] {strides = array<i32>} : memref<128xf32, #tpu.memory_space<vmem>>, vector<16xf32>,
        tpu.vector_store %swap3A_391[%swap3A_392], %gather3A_375 {strides = array<i32>} : memref<128xf32, #tpu.memory_space<vmem>>, vector<16xf32>,
        %scan3A_394 = arith.constant 0 : i32
        scf.yield %scan3A_394 : i32
      }
      %scan3A_160 = arith.constant 8 : i32
      %scan3A_161 = arith.constant 0 : i32
      scf.yield %scan3A_161 : i32
    }
    %scan3A_128 = arith.constant 8 : i32
    "tpu.region"() ({
      %run_scoped3A = tpu.sem_alloc : memref<!tpu.dma_semaphore, #tpu.memory_space<semaphore_mem>>
      %dma_start3A = arith.constant 0 : i32
      %dma_start3A_129 = arith.constant 0 : i32
      %dma_start3A_130 = arith.constant 0 : i32
      %dma_start3A_131 = tpu.memref_slice %arg4[%dma_start3A, %add3A, %dma_start3A_129, %dma_start3A_130] : memref<8x32x8x128xf32, #tpu.memory_space<hbm>> -> memref<8x1x8x128xf32, #tpu.memory_space<hbm>>
      %dma_start3A_132 = arith.constant 0 : i32
      %dma_start3A_133 = arith.constant 0 : i32
      %dma_start3A_134 = arith.constant 0 : i32
      %dma_start3A_135 = tpu.memref_slice %arg4[%dma_start3A_132, %add3A, %dma_start3A_133, %dma_start3A_134] : memref<8x32x8x128xf32, #tpu.memory_space<hbm>> -> memref<8x1x8x128xf32, #tpu.memory_space<hbm>>
      tpu.enqueue_dma source(%arg8 : memref<8x1x8x128xf32, #tpu.memory_space<vmem>>) target(%dma_start3A_135 : memref<8x1x8x128xf32, #tpu.memory_space<hbm>>) target_semaphore(%run_scoped3A : memref<!tpu.dma_semaphore, #tpu.memory_space<semaphore_mem>>)
      %dma_wait3A = arith.constant 0 : i32
      %dma_wait3A_136 = arith.constant 0 : i32
      %dma_wait3A_137 = arith.constant 0 : i32
      %dma_wait3A_138 = tpu.memref_slice %arg4[%dma_wait3A, %add3A, %dma_wait3A_136, %dma_wait3A_137] : memref<8x32x8x128xf32, #tpu.memory_space<hbm>> -> memref<8x1x8x128xf32, #tpu.memory_space<hbm>>
      %dma_wait3A_139 = arith.constant 0 : i32
      %dma_wait3A_140 = arith.constant 0 : i32
      %dma_wait3A_141 = arith.constant 0 : i32
      %dma_wait3A_142 = tpu.memref_slice %arg4[%dma_wait3A_139, %add3A, %dma_wait3A_140, %dma_wait3A_141] : memref<8x32x8x128xf32, #tpu.memory_space<hbm>> -> memref<8x1x8x128xf32, #tpu.memory_space<hbm>>
      tpu.wait_dma2 semaphore(%run_scoped3A : memref<!tpu.dma_semaphore, #tpu.memory_space<semaphore_mem>>) src(%arg8 : memref<8x1x8x128xf32, #tpu.memory_space<vmem>>) dst(%dma_wait3A_142 : memref<8x1x8x128xf32, #tpu.memory_space<hbm>>)
      tpu.yield
    }) : () -> ()
    return
  }
}

</mosaic_0001>

<sc_bundles>
// kernel: kernel.3.cloned.1.call-start
scs
__scs_entry_jumppad:
0x0: {  	(pc) =	sbr.rel $0x88, $3  }
0x1: {  	(tag) =	ssettag $0x0;
	lr =	simm.s32 $0x1  }
0x2: {  	[smem:$0x3F9F] =	sst lr;
	_ =	strace $0xD0000000  }
0x3: {  	_ = 	snop  }
0x4: {  	_ = 	snop  }
0x5: {  	_ = 	snop  }
0x6: {  	_ = 	snop  }
0x7: {  	_ = 	snop  }
__scs_overlays_trampoline_lowered:
0x8: {  	[smem:$0x3FAE] =	sst s0  }
0x9: {  	[smem:$0x3FAF] =	sst s1  }
0xa: {  	[smem:$0x3FB0] =	sst s2  }
0xb: {  	[smem:$0x3FB1] =	sst s3  }
0xc: {  	[smem:$0x3FB2] =	sst s4  }
0xd: {  	[smem:$0x3FB3] =	sst s5  }
0xe: {  	[smem:$0x3FB4] =	sst s6  }
0xf: {  	[smem:$0x3FB5] =	sst s7  }
0x10: {  	[smem:$0x3FB6] =	sst s8  }
0x11: {  	[smem:$0x3FB7] =	sst s9;
	s0 =	simm.s32 @!p0 $0x0  }
0x12: {  	s1 =	sld [smem:$0x3F9D];
	s0 =	simm.s32 @p0 $0x1  }
0x13: {  	[smem:$0x3FB8] =	sst s0;
	s0 =	simm.s32 @!p1 $0x0  }
0x14: {  	s2 =	sld [smem:$0x3F9C];
	s0 =	simm.s32 @p1 $0x1  }
0x15: {  	[smem:$0x3FB9] =	sst s0;
	s0 =	simm.s32 @!p2 $0x0  }
0x16: {  	s3 =	sld [smem:$0x3FDB];
	s0 =	simm.s32 @p2 $0x1  }
0x17: {  	s4 =	simm.s32 $0x1BF5;
	[smem:$0x3FBB] =	sst s0  }
0x18: {  	s0 =	sld [smem:$0x3F9E];
	_ =	swait.ge [sflag:s4], $0x0  }
0x19: {  	s7 =	sld [smem:$0x3F9F]  }
0x1a: {  	s8 =	sadd.s32 $0xFFFFE003, lr  }
0x1b: {  	s9 =	sadd.s32 $0xFFFFFEF7, lr;
	s5 =	simm.s32 $0xFFFFFFFF;
	p2 =	slt.u32 s8, $0xFFFFF086  }
0x1c: {  	p1 =	slt.u32 s9, $0xF7A;
	s5 =	simm.s32 @!p2 $0x0  }
0x1d: {  	s5 =	simm.s32 @p1 $0x1;
	p0 =	seq.s32 s7, s2  }
0x1e: {  	s7 =	smul.u32 @!p0 $0xF7A, s2;
	p2 =	seq.s32 @!p0 s5, $0x0  }
0x1f: {  	s9 =	smul.u32 $0xF7A, s1;
	s8 =	simm.s32 @!p0 $0x1BF5;
	p2 =	por !p2, p0  }
0x20: {  	[sflag:s8] =	ssyncset.s32 @!p0 $0xFFFFF086;
	s6 =	sadd.s32 @!p0 s3, s7;
	s7 =	simm.s32 @!p0 $0x108  }
0x21: {  	s3 =	sadd.s32 s3, s9;
	s6 =	sadd.s32 @!p0 $0x88, s6;
	s7 =	simm.s32 @p2 $0x1082  }
0x22: {  	[simem:s7], [sflag:s8] =	dma.local @!p0 [hbm:s6], $0xF7A  }
0x23: {  	s9 =	sor.u32 $0xD0000000, s2;
	s6 =	simm.s32 $0x108;
	_ =	swait.ge @!p0 [sflag:s8], $0x0  }
0x24: {  	s3 =	sadd.s32 $0x88, s3;
	s6 =	simm.s32 @!p1 $0x1082;
	[sflag:s4] =	ssyncset.s32 $0xFFFFF086  }
0x25: {  	[simem:s6], [sflag:s4] =	dma.local [hbm:s3], $0xF7A  }
0x26: {  	[smem:$0x3F9F] =	sst s1;
	(tag) =	ssettag s2;
	_ =	strace s9  }
0x27: {  	s1 =	sld [smem:$0x3FAF]  }
0x28: {  	s2 =	sld [smem:$0x3FB0]  }
0x29: {  	s4 =	sld [smem:$0x3FB2]  }
0x2a: {  	p0 =	seq.s32 s5, $0x0;
	s5 =	sld [smem:$0x3FB3]  }
0x2b: {  	s6 =	sld [smem:$0x3FB4]  }
0x2c: {  	s7 =	sld [smem:$0x3FB5]  }
0x2d: {  	s3 =	simm.s32 $0x108;
	s8 =	sld [smem:$0x3FB6]  }
0x2e: {  	s3 =	simm.s32 @!p0 $0x1082;
	s9 =	sld [smem:$0x3FB7]  }
0x2f: {  	lr =	sadd.s32 s0, s3;
	s0 =	sld [smem:$0x3FAE]  }
0x30: {  	s3 =	sld [smem:$0x3FB1]  }
0x31: {  	[smem:$0x3FBA] =	sst s10  }
0x32: {  	s10 =	sld [smem:$0x3FB8];
	_ =	sdelay $0x3  }
0x33: {  	p0 =	seq.s32 s10, $0x1;
	s10 =	sld [smem:$0x3FBA];
	_ =	sdelay $0x3  }
0x34: {  	[smem:$0x3FBA] =	sst s10  }
0x35: {  	s10 =	sld [smem:$0x3FB9];
	_ =	sdelay $0x3  }
0x36: {  	p1 =	seq.s32 s10, $0x1;
	s10 =	sld [smem:$0x3FBA];
	_ =	sdelay $0x3  }
0x37: {  	[smem:$0x3FBA] =	sst s10  }
0x38: {  	s10 =	sld [smem:$0x3FBB]  }
0x39: {  	_ = 	snop;
	(pc) =	sbr.ind lr, $3  }
0x3a: {  	_ = 	snop  }
0x3b: {  	_ = 	snop  }
0x3c: {  	p2 =	seq.s32 s10, $0x1;
	s10 =	sld [smem:$0x3FBA]  }
0x3d: {  	_ =	shalt  }
0x3e: {  	_ =	shalt  }
0x3f: {  	_ =	shalt  }
0x40: {  	_ =	shalt  }
0x41: {  	_ =	shalt  }
0x42: {  	_ =	shalt  }
0x43: {  	_ =	shalt  }
0x44: {  	_ =	shalt  }
0x45: {  	_ =	shalt  }
0x46: {  	_ =	shalt  }
0x47: {  	_ =	shalt  }
0x48: {  	_ =	shalt  }
0x49: {  	_ =	shalt  }
0x4a: {  	_ =	shalt  }
0x4b: {  	_ =	shalt  }
0x4c: {  	_ =	shalt  }
0x4d: {  	_ =	shalt  }
0x4e: {  	_ =	shalt  }
0x4f: {  	_ =	shalt  }
0x50: {  	_ =	shalt  }
0x51: {  	_ =	shalt  }
0x52: {  	_ =	shalt  }
0x53: {  	_ =	shalt  }
0x54: {  	_ =	shalt  }
0x55: {  	_ =	shalt  }
0x56: {  	_ =	shalt  }
0x57: {  	_ =	shalt  }
0x58: {  	_ =	shalt  }
0x59: {  	_ =	shalt  }
0x5a: {  	_ =	shalt  }
0x5b: {  	_ =	shalt  }
0x5c: {  	_ =	shalt  }
0x5d: {  	_ =	shalt  }
0x5e: {  	_ =	shalt  }
0x5f: {  	_ =	shalt  }
0x60: {  	_ =	shalt  }
0x61: {  	_ =	shalt  }
0x62: {  	_ =	shalt  }
0x63: {  	_ =	shalt  }
0x64: {  	_ =	shalt  }
0x65: {  	_ =	shalt  }
0x66: {  	_ =	shalt  }
0x67: {  	_ =	shalt  }
0x68: {  	_ =	shalt  }
0x69: {  	_ =	shalt  }
0x6a: {  	_ =	shalt  }
0x6b: {  	_ =	shalt  }
0x6c: {  	_ =	shalt  }
0x6d: {  	_ =	shalt  }
0x6e: {  	_ =	shalt  }
0x6f: {  	_ =	shalt  }
0x70: {  	_ =	shalt  }
0x71: {  	_ =	shalt  }
0x72: {  	_ =	shalt  }
0x73: {  	_ =	shalt  }
0x74: {  	_ =	shalt  }
0x75: {  	_ =	shalt  }
0x76: {  	_ =	shalt  }
0x77: {  	_ =	shalt  }
0x78: {  	_ =	shalt  }
0x79: {  	_ =	shalt  }
0x7a: {  	_ =	shalt  }
0x7b: {  	_ =	shalt  }
0x7c: {  	_ =	shalt  }
0x7d: {  	_ =	shalt  }
0x7e: {  	_ =	shalt  }
0x7f: {  	_ =	shalt  }
0x80: {  	_ =	shalt  }
0x81: {  	_ =	shalt  }
0x82: {  	_ =	shalt  }
0x83: {  	_ =	shalt  }
0x84: {  	_ =	shalt  }
0x85: {  	_ =	shalt  }
0x86: {  	_ =	shalt  }
0x87: {  	_ =	shalt  }
.Lfunc_end0:
.L_simem_size_0:
called_computation_lowered:
.L_overlay_start_0:
0x88: {  	s2 =	sld [smem:$0x3FD9]  }
0x89: {  	s3 =	sld [smem:$0x3FFE];
	_ =	sdelay $0x1  }
0x8a: {  	s1 =	srdreg.scid  }
0x8b: {  	s0 =	sand.u32 $0x1, s1  }
0x8c: {  	s17 =	sshll.u32 s0, $0xA;
	s2 =	sadd.s32 s3, s2  }
0x8d: {  	s2 =	sadd.s32 s2, s17  }
0x8e: {  	[smem:$0x3FC6] =	sst s2  }
0x8f: {  	_ = 	snop  }
0x90: {  	s2 =	sld [smem:$0x3FC9]  }
0x91: {  	s18 =	sld [smem:$0x3FD0];
	(tm) =	ssettm $0x1  }
0x92: {  	s4 =	sld [smem:$0x3FFB];
	_ =	sdelay $0x3  }
0x93: {  	_ =	strace s4  }
0x94: {  	s4 =	sld [smem:$0x3FFC];
	_ =	sdelay $0x3  }
0x95: {  	_ =	strace s4  }
0x96: {  	s4 =	sld [smem:$0x3FFD];
	_ =	sdelay $0x3  }
0x97: {  	_ =	strace s4  }
0x98: {  	_ =	strace $0x8FFFFFFF  }
0x99: {  	s19 =	sld [smem:$0x3FDB];
	_ =	sdelay $0x1  }
0x9a: {  	s5 =	simm.s32 $_scs_section_size  }
0x9b: {  	s6 =	simm.s32 $_size__tile_overlayer_lowered;
	s7 =	simm.s32 $_tile_overlayer_lowered  }
0x9c: {  	s22 =	simm.s32 $0x1BFF;
	s21 =	sshll.u32 s7, $0x1;
	s4 =	sadd.s32 s5, s19  }
0x9d: {  	s8 =	simm.s32 $0x0;
	s20 =	sshll.u32 s6, $0x1;
	s6 =	sadd.s32 s21, s4  }
0x9e: {  	[timem:s8], [sflag:s22] =	dma.local [hbm:s6], s20  }
0x9f: {  	_ =	swait.ge [sflag:s22], s20  }
0xa0: {  	s5 =	ssub.s32 $0x0, s20;
	[sflag:s22] =	ssyncset.done $0x0  }
0xa1: {  	[sflag:s22] =	ssyncadd.s32 s5;
	_ =	sdelay $0x1  }
0xa2: {  	s23 =	simm.s32 $0x1B8B  }
0xa3: {  	_ =	swait.ge [sflag:s23], $0x1  }
0xa4: {  	[sflag:s23] =	ssyncset.done $0x0  }
0xa5: {  	s25 =	simm.s32 $0x1B8E;
	s24 =	sld [smem:$0x3FFE];
	[sflag:s23] =	ssyncadd.s32 $0xFFFFFFFF  }
0xa6: {  	s26 =	simm.s32 $execute0_lowered;
	[smem:$0x3FD2] =	sst s25  }
0xa7: {  	s6 =	sshll.u32 s26, $0x1;
	_ =	strace $0x80000046;
	[dreg:$0x1] =	wrdreg $0xFFFFFFFF  }
0xa8: {  	s28 =	simm.s32 $_size_execute0_lowered;
	s4 =	sadd.s32 s4, s6;
	[dreg:$0x0] =	wrdreg $0x0  }
0xa9: {  	s6 =	sshll.u32 s28, $0x1;
	[dreg:$0x2] =	wrdreg s4  }
0xaa: {  	[dreg:$0x3] =	wrdreg s6  }
0xab: {  	[dreg:$0x4] =	wrdreg $0xC0  }
0xac: {  	_ =	task [dreg:s8], $0x5FFFF  }
0xad: {  	[dreg:$0x1] =	wrdreg $0xFFFFFFFF  }
0xae: {  	[dreg:$0x0] =	wrdreg $0x60  }
0xaf: {  	[dreg:$0x2] =	wrdreg s2  }
0xb0: {  	[dreg:$0x3] =	wrdreg s24  }
0xb1: {  	[dreg:$0x4] =	wrdreg s18  }
0xb2: {  	[dreg:$0x5] =	wrdreg $0x9  }
0xb3: {  	_ =	task.clear_ibuf [dreg:s8], $0x6FFFF;
	_ =	strace $0x90000046  }
0xb4: {  	s29 =	simm.s32 $0x9;
	_ =	strace $0x80000048  }
0xb5: {  	_ =	swait.ge [sflag:s29], $0x1  }
0xb6: {  	[sflag:s29] =	ssyncadd.s32 $0xFFFFFFFF  }
0xb7: {  	_ =	strace $0x90000048  }
0xb8: {  	_ =	sfence  }
0xb9: {  	s30 =	sld [smem:$0x0];
	_ =	sdelay $0x2  }
0xba: {  	s31 =	sshll.u32 s1, $0xD;
	s1 =	sshrl.u32 s1, $0x2  }
0xbb: {  	s3 =	sand.u32 $0x4000, s31;
	s1 =	sadd.s32 s1, s30  }
0xbc: {  	s0 =	sor.u32 s3, s0;
	s1 =	sshll.u32 s1, $0x11  }
0xbd: {  	s0 =	sor.u32 s1, s0  }
0xbe: {  	s0 =	sadd.s32 $0x8F2B, s0  }
0xbf: {  	[sflag:s0] =	ssyncadd.remote.s32 $0x1  }
0xc0: {  	_ =	sfence.sel $0xFFFF  }
0xc1: {  	[dreg:$0x0] =	wrdreg $0xFFFFFFFF;
	(pc) =	sbr.abs _section_cstart, $3  }
0xc2: {  	[dreg:$0x1] =	wrdreg $0xFFFFFFFF  }
0xc3: {  	_ =	task.clear_ibuf [dreg:s8], $0x2FFFF;
	_ =	strace $0x9FFFFFFF  }
0xc4: {  	(tm) =	ssettm $0x7FFFFFFF  }
0xc5: {  	_ =	shalt  }
tec
execute0_lowered:
.L_overlay_start_1:
0x0: {  	(tag) =	ssettag $0x1  }
0x1: {  	s1 =	rddreg [dreg:$0x0]  }
0x2: {  	s0 =	rddreg [dreg:$0x1]  }
0x3: {  	s2 =	srdreg.scid;
	s4 =	stileid.u32  }
0x4: {  	s3 =	rddreg [dreg:$0x2];
	s26 =	simm.s32 $0x0;
	s8 =	simm.s32 $0x400  }
0x5: {  	s9 =	simm.s32 $0x8000;
	s10 =	simm.s32 $0x5;
	s11 =	simm.s32 $0x80  }
0x6: {  	s29 =	simm.s32 $0x10400;
	s30 =	simm.s32 $0x10C00;
	s31 =	simm.s32 $0x6E00  }
0x7: {  	s12 =	simm.s32 $0x11C00;
	s13 =	simm.s32 $0x6F00;
	s14 =	simm.s32 $0x12400  }
0x8: {  	s15 =	simm.s32 $0x6F80;
	s16 =	simm.s32 $0x12C00;
	s17 =	simm.s32 $0x17400  }
0x9: {  	s18 =	simm.s32 $0x0;
	s2 =	sand.u32 $0x1, s2;
	s4 =	sshll.u32 s4, $0x1  }
0xa: {  	[smem:$0x7FF] =	sst s26;
	s5 =	sor.u32 s2, s4;
	s2 =	ssub.s32 $0x2, s2  }
0xb: {  	_ =	strace $0x80000047;
	s6 =	sshll.u32 s5, $0x7;
	s28 =	sshrl.u32 s2, $0x1  }
0xc: {  	s5 =	sshll.u32 s5, $0x6;
	s0 =	sadd.s32 s6, s0;
	s2 =	ssub.s32 s2, s28  }
0xd: {  	v0 =	vlaneseq.u32;
	s6 =	sadd.s32 s3, s6;
	s3 =	simm.s32 $0x6D80;
	v2 =	vmov s5;
	s4 =	sadd.s32 $0x400, s0  }
0xe: {  	v3 =	vmul.u32 $0x10, v0;
	s7 =	smax.u32 s2, $0x1;
	s2 =	simm.s32 $0x11400;
	s0 =	simm.s32 $0x6E80;
	v1 =	vor.u32 $0x1, v2;
	v2 =	vor.u32 $0x2, v2  }
.LBB2_1:
0xf: {  	s19 =	simm.s32 $0x0  }
0x10: {  	[tilespmem:s19], [sflag:$0x5] =	stream.strided.gather [hbm4b:s4+s8], $0x6400, s9, s8, $0x38;
	[tilespmem:$0x19400] =	vst v63  }
0x11: {  	_ =	swait.ge [sflag:s10], $0x6400  }
0x12: {  	[sflag:s10] =	ssyncset.done $0x0  }
0x13: {  	s21 =	simm.s32 $0x0;
	[sflag:s10] =	ssyncadd.s32 $0xFFFF9C00  }
0x14: {  	v6 =	vld [tilespmem:s21+$0x0]  }
0x15: {  	v7 =	vld [tilespmem:s21+$0x80]  }
0x16: {  	v8 =	vld [tilespmem:s21+$0x100]  }
0x17: {  	v4 =	vld [tilespmem:s21+$0x180]  }
0x18: {  	v9 =	vimm.s32 $0x0;
	v5 =	vld [tilespmem:s21+$0x200]  }
0x19: {  	v9 =	vadd.s32 v9, v6;
	v6 =	vld [tilespmem:s21+$0x280]  }
0x1a: {  	v9 =	vadd.s32 v7, v9;
	v7 =	vld [tilespmem:s21+$0x300]  }
0x1b: {  	s20 =	simm.s32 $0x2000;
	s19 =	simm.s32 $0x400;
	v9 =	vadd.s32 v8, v9;
	v8 =	vld [tilespmem:s21+$0x380]  }
.LBB2_2:
0x1c: {  	p0 =	sne.s32 s20, $0x18000;
	v10 =	vld [tilespmem:s19+$0x0];
	v4 =	vadd.s32 v4, v9  }
0x1d: {  	v9 =	vld [tilespmem:s19+$0x80];
	v4 =	vadd.s32 v5, v4  }
0x1e: {  	v11 =	vld [tilespmem:s19+$0x100];
	v5 =	vadd.s32 v6, v4  }
.Ltmp0:
0x1f: {  	v4 =	vld [tilespmem:s19+$0x180];
	v6 =	vadd.s32 v7, v5;
	(pc) =	sbr.rel @p0 .LBB2_2-.Ltmp0, $4  }
0x20: {  	v5 =	vld [tilespmem:s19+$0x200];
	v6 =	vadd.s32 v8, v6  }
0x21: {  	v7 =	vadd.s32 v6, v10;
	v6 =	vld [tilespmem:s19+$0x280]  }
0x22: {  	v8 =	vadd.s32 v9, v7;
	v7 =	vld [tilespmem:s19+$0x300]  }
0x23: {  	v9 =	vadd.s32 v11, v8;
	v8 =	vld [tilespmem:s19+$0x380];
	s19 =	sshra.s32 s20, $0x2;
	s20 =	sadd.s32 $0x1000, s20  }
0x24: {  	v10 =	vld [tilespmem:s19+$0x0];
	v4 =	vadd.s32 v4, v9  }
0x25: {  	v62 =	vld [tilespmem:s19+$0x80];
	v4 =	vadd.s32 v5, v4  }
0x26: {  	v5 =	vld [tilespmem:s19+$0x100];
	v4 =	vadd.s32 v6, v4  }
0x27: {  	v6 =	vld [tilespmem:s19+$0x180];
	v4 =	vadd.s32 v7, v4  }
0x28: {  	v7 =	vld [tilespmem:s19+$0x200];
	v4 =	vadd.s32 v8, v4  }
0x29: {  	v8 =	vld [tilespmem:s19+$0x280];
	v4 =	vadd.s32 v4, v10  }
0x2a: {  	v63 =	vld [tilespmem:s19+$0x300];
	v4 =	vadd.s32 v62, v4  }
0x2b: {  	v4 =	vadd.s32 v5, v4;
	v5 =	vld [tilespmem:s19+$0x380]  }
0x2c: {  	v4 =	vadd.s32 v6, v4  }
0x2d: {  	v4 =	vadd.s32 v7, v4  }
0x2e: {  	v4 =	vadd.s32 v8, v4  }
0x2f: {  	v4 =	vadd.s32 v63, v4  }
0x30: {  	v4 =	vadd.s32 v5, v4  }
0x31: {  	vm0 =	vlt.s32 v4, $0xC7  }
0x32: {  	v4 =	vnsel vm0, $0xC7, v4  }
0x33: {  	v4 =	vadd.s32 $0xFFFFFFFF, v4  }
0x34: {  	vm15 =	vlt.s32 v4, $0x0;
	v4 =	vshll.u32 v4, $0xE  }
0x35: {  	s28 =	sadd.s32 $0x0, s5;
	v4 =	vsel vm15, $0x31C000, v4  }
0x36: {  	v5 =	vadd.s32 s28, v4  }
0x37: {  	s19 =	simm.s32 $0x6440;
	v6 =	vor.u32 $0x38, v5  }
0x38: {  	v7 =	vor.u32 $0x8, v5;
	[tilespmem:s19+$0x30] =	vst v6  }
0x39: {  	v6 =	vor.u32 $0x10, v5;
	[tilespmem:s19+$0xFFFFFFD0] =	vst v7  }
0x3a: {  	v7 =	vor.u32 $0x18, v5;
	[tilespmem:s19+$0xFFFFFFE0] =	vst v6  }
0x3b: {  	v6 =	vor.u32 $0x20, v5;
	[tilespmem:s19+$0xFFFFFFF0] =	vst v7  }
0x3c: {  	v7 =	vor.u32 $0x28, v5;
	[tilespmem:s19+$0x0] =	vst v6  }
0x3d: {  	s21 =	sadd.s32 $0x800, s5;
	s20 =	simm.s32 $0x1000;
	v6 =	vor.u32 $0x30, v5;
	[tilespmem:s19+$0x10] =	vst v7  }
.LBB2_4:
0x3e: {  	p0 =	sne.s32 s20, $0x3800;
	v7 =	vadd.s32 s21, v4;
	[tilespmem:s19+$0x20] =	vst v6  }
0x3f: {  	v6 =	vor.u32 $0x8, v7;
	v8 =	vor.u32 $0x10, v7;
	v9 =	vor.u32 $0x38, v7;
	[tilespmem:s19+$0xFFFFFFC0] =	vst v5;
	s19 =	sadd.s32 $0x80, s19;
	v5 =	vmovc v7  }
0x40: {  	v7 =	vor.u32 $0x18, v5;
	v10 =	vor.u32 $0x20, v5;
	v11 =	vor.u32 $0x28, v5;
	[tilespmem:s19+$0x30] =	vst v9  }
.Ltmp1:
0x41: {  	[tilespmem:s19+$0xFFFFFFD0] =	vst v6;
	v6 =	vor.u32 $0x30, v5;
	(pc) =	sbr.rel @p0 .LBB2_4-.Ltmp1, $4  }
0x42: {  	[tilespmem:s19+$0xFFFFFFE0] =	vst v8  }
0x43: {  	[tilespmem:s19+$0xFFFFFFF0] =	vst v7  }
0x44: {  	[tilespmem:s19+$0x0] =	vst v10  }
0x45: {  	s21 =	sadd.s32 s5, s20;
	s20 =	sadd.s32 $0x800, s20;
	[tilespmem:s19+$0x10] =	vst v11  }
0x46: {  	[tilespmem:s19+$0x20] =	vst v6  }
0x47: {  	v4 =	vadd.s32 s21, v4;
	[tilespmem:s19+$0xFFFFFFC0] =	vst v5;
	s26 =	sadd.s32 $0x80, s19  }
0x48: {  	v6 =	vor.u32 $0x38, v4;
	[tilespmem:s26+$0xFFFFFFC0] =	vst v4  }
0x49: {  	v5 =	vor.u32 $0x8, v4;
	[tilespmem:s26+$0x30] =	vst v6  }
0x4a: {  	v6 =	vor.u32 $0x10, v4;
	[tilespmem:s26+$0xFFFFFFD0] =	vst v5  }
0x4b: {  	v5 =	vor.u32 $0x18, v4;
	[tilespmem:s26+$0xFFFFFFE0] =	vst v6  }
0x4c: {  	v6 =	vor.u32 $0x20, v4;
	[tilespmem:s26+$0xFFFFFFF0] =	vst v5  }
0x4d: {  	v5 =	vor.u32 $0x28, v4;
	[tilespmem:s26+$0x0] =	vst v6  }
0x4e: {  	v6 =	vor.u32 $0x30, v4;
	[tilespmem:s26+$0x10] =	vst v5  }
0x4f: {  	s28 =	simm.s32 $0x6400;
	s20 =	simm.s32 $0x7400;
	[tilespmem:s26+$0x20] =	vst v6  }
0x50: {  	[tilespmem:s20], [sflag:$0x1] =	stream.indirect.gather [hbm4b:s1+s11], $0x10, s28, s11, $0xb8;
	[tilespmem:$0x19400] =	vst v63  }
0x51: {  	s21 =	simm.s32 $0x7C00;
	s20 =	simm.s32 $0x6480  }
0x52: {  	[tilespmem:s21], [sflag:$0x1] =	stream.indirect.gather [hbm4b:s1+s11], $0x10, s20, s11, $0xb8;
	[tilespmem:$0x19400] =	vst v63  }
0x53: {  	s22 =	simm.s32 $0x6500;
	s23 =	simm.s32 $0x8400  }
0x54: {  	[tilespmem:s23], [sflag:$0x1] =	stream.indirect.gather [hbm4b:s1+s11], $0x10, s22, s11, $0xb8;
	[tilespmem:$0x19400] =	vst v63  }
0x55: {  	s24 =	simm.s32 $0x6580;
	s25 =	simm.s32 $0x8C00  }
0x56: {  	[tilespmem:s25], [sflag:$0x1] =	stream.indirect.gather [hbm4b:s1+s11], $0x10, s24, s11, $0xb8;
	[tilespmem:$0x19400] =	vst v63  }
0x57: {  	s26 =	simm.s32 $0x6600;
	s28 =	simm.s32 $0x9400  }
0x58: {  	[tilespmem:s28], [sflag:$0x1] =	stream.indirect.gather [hbm4b:s1+s11], $0x10, s26, s11, $0xb8;
	[tilespmem:$0x19400] =	vst v63  }
0x59: {  	s21 =	simm.s32 $0x6680;
	s22 =	simm.s32 $0x9C00  }
0x5a: {  	[tilespmem:s22], [sflag:$0x1] =	stream.indirect.gather [hbm4b:s1+s11], $0x10, s21, s11, $0xb8;
	[tilespmem:$0x19400] =	vst v63  }
0x5b: {  	s23 =	simm.s32 $0x6700;
	s24 =	simm.s32 $0xA400  }
0x5c: {  	[tilespmem:s24], [sflag:$0x1] =	stream.indirect.gather [hbm4b:s1+s11], $0x10, s23, s11, $0xb8;
	[tilespmem:$0x19400] =	vst v63  }
0x5d: {  	s25 =	simm.s32 $0x6780;
	s26 =	simm.s32 $0xAC00;
	s28 =	simm.s32 $0x0  }
0x5e: {  	[tilespmem:s26], [sflag:$0x1] =	stream.indirect.gather [hbm4b:s1+s11], $0x10, s25, s11, $0xb8;
	[tilespmem:$0x19400] =	vst v63  }
0x5f: {  	v6 =	vld [tilespmem:s28+$0x10]  }
0x60: {  	v7 =	vld [tilespmem:s28+$0x90]  }
0x61: {  	v8 =	vld [tilespmem:s28+$0x110]  }
0x62: {  	v4 =	vld [tilespmem:s28+$0x190]  }
0x63: {  	v9 =	vimm.s32 $0x0;
	v5 =	vld [tilespmem:s28+$0x210]  }
0x64: {  	v9 =	vadd.s32 v9, v6;
	v6 =	vld [tilespmem:s28+$0x290]  }
0x65: {  	v9 =	vadd.s32 v7, v9;
	v7 =	vld [tilespmem:s28+$0x310]  }
0x66: {  	s19 =	simm.s32 $0x400;
	s20 =	simm.s32 $0x2000;
	v9 =	vadd.s32 v8, v9;
	v8 =	vld [tilespmem:s28+$0x390]  }
.LBB2_6:
0x67: {  	p0 =	sne.s32 s20, $0x18000;
	v10 =	vld [tilespmem:s19+$0x10];
	v4 =	vadd.s32 v4, v9  }
0x68: {  	v9 =	vld [tilespmem:s19+$0x90];
	v4 =	vadd.s32 v5, v4  }
0x69: {  	v11 =	vld [tilespmem:s19+$0x110];
	v5 =	vadd.s32 v6, v4  }
.Ltmp2:
0x6a: {  	v4 =	vld [tilespmem:s19+$0x190];
	v6 =	vadd.s32 v7, v5;
	(pc) =	sbr.rel @p0 .LBB2_6-.Ltmp2, $4  }
0x6b: {  	v5 =	vld [tilespmem:s19+$0x210];
	v6 =	vadd.s32 v8, v6  }
0x6c: {  	v7 =	vadd.s32 v6, v10;
	v6 =	vld [tilespmem:s19+$0x290]  }
0x6d: {  	v8 =	vadd.s32 v9, v7;
	v7 =	vld [tilespmem:s19+$0x310]  }
0x6e: {  	v9 =	vadd.s32 v11, v8;
	v8 =	vld [tilespmem:s19+$0x390];
	s19 =	sshra.s32 s20, $0x2;
	s20 =	sadd.s32 $0x1000, s20  }
0x6f: {  	v10 =	vld [tilespmem:s19+$0x10];
	v4 =	vadd.s32 v4, v9  }
0x70: {  	v62 =	vld [tilespmem:s19+$0x90];
	v4 =	vadd.s32 v5, v4  }
0x71: {  	v5 =	vld [tilespmem:s19+$0x110];
	v4 =	vadd.s32 v6, v4  }
0x72: {  	v6 =	vld [tilespmem:s19+$0x190];
	v4 =	vadd.s32 v7, v4  }
0x73: {  	v7 =	vld [tilespmem:s19+$0x210];
	v4 =	vadd.s32 v8, v4  }
0x74: {  	v8 =	vld [tilespmem:s19+$0x290];
	v4 =	vadd.s32 v4, v10  }
0x75: {  	v63 =	vld [tilespmem:s19+$0x310];
	v4 =	vadd.s32 v62, v4  }
0x76: {  	v4 =	vadd.s32 v5, v4;
	v5 =	vld [tilespmem:s19+$0x390]  }
0x77: {  	v4 =	vadd.s32 v6, v4  }
0x78: {  	v4 =	vadd.s32 v7, v4  }
0x79: {  	v4 =	vadd.s32 v8, v4  }
0x7a: {  	v4 =	vadd.s32 v63, v4  }
0x7b: {  	v4 =	vadd.s32 v5, v4  }
0x7c: {  	vm0 =	vlt.s32 v4, $0xC7  }
0x7d: {  	v4 =	vnsel vm0, $0xC7, v4  }
0x7e: {  	v4 =	vadd.s32 $0xFFFFFFFF, v4  }
0x7f: {  	vm15 =	vlt.s32 v4, $0x0;
	v4 =	vshll.u32 v4, $0xE  }
0x80: {  	v4 =	vsel vm15, $0x31C000, v4  }
0x81: {  	s28 =	simm.s32 $0x0;
	v4 =	vor.u32 v4, v1  }
0x82: {  	v5 =	vadd.s32 s28, v4  }
0x83: {  	s19 =	simm.s32 $0x6870;
	v6 =	vor.u32 $0x38, v5  }
0x84: {  	v7 =	vor.u32 $0x8, v5;
	[tilespmem:s19+$0x0] =	vst v6  }
0x85: {  	v8 =	vor.u32 $0x30, v5;
	[tilespmem:s19+$0xFFFFFFA0] =	vst v7  }
0x86: {  	v6 =	vor.u32 $0x10, v5;
	[tilespmem:s19+$0xFFFFFFF0] =	vst v8  }
0x87: {  	v7 =	vor.u32 $0x18, v5;
	[tilespmem:s19+$0xFFFFFFB0] =	vst v6  }
0x88: {  	v6 =	vor.u32 $0x20, v5;
	[tilespmem:s19+$0xFFFFFFC0] =	vst v7  }
0x89: {  	s20 =	simm.s32 $0x800;
	v7 =	vor.u32 $0x28, v5;
	[tilespmem:s19+$0xFFFFFFD0] =	vst v6  }
0x8a: {  	[tilespmem:s19+$0xFFFFFFE0] =	vst v7;
	v6 =	vadd.s32 s20, v4;
	s20 =	simm.s32 $0x1000  }
.LBB2_8:
0x8b: {  	p0 =	sne.s32 s20, $0x3800;
	v7 =	vor.u32 $0x8, v6;
	v8 =	vor.u32 $0x10, v6;
	v9 =	vor.u32 $0x38, v6;
	[tilespmem:s19+$0xFFFFFF90] =	vst v5;
	s19 =	sadd.s32 $0x80, s19;
	v5 =	vmovc v6  }
0x8c: {  	v6 =	vor.u32 $0x18, v5;
	v10 =	vor.u32 $0x20, v5;
	v11 =	vor.u32 $0x28, v5;
	[tilespmem:s19+$0x0] =	vst v9  }
0x8d: {  	[tilespmem:s19+$0xFFFFFFA0] =	vst v7;
	v7 =	vor.u32 $0x30, v5  }
.Ltmp3:
0x8e: {  	[tilespmem:s19+$0xFFFFFFB0] =	vst v8;
	(pc) =	sbr.rel @p0 .LBB2_8-.Ltmp3, $4  }
0x8f: {  	[tilespmem:s19+$0xFFFFFFC0] =	vst v6  }
0x90: {  	[tilespmem:s19+$0xFFFFFFD0] =	vst v10  }
0x91: {  	[tilespmem:s19+$0xFFFFFFE0] =	vst v11  }
0x92: {  	v6 =	vadd.s32 s20, v4;
	s20 =	sadd.s32 $0x800, s20;
	[tilespmem:s19+$0xFFFFFFF0] =	vst v7  }
0x93: {  	v4 =	vor.u32 $0x38, v6;
	[tilespmem:s19+$0xFFFFFF90] =	vst v5;
	s20 =	sadd.s32 $0x80, s19  }
0x94: {  	v5 =	vor.u32 $0x8, v6;
	[tilespmem:s20+$0x0] =	vst v4  }
0x95: {  	[tilespmem:s20+$0xFFFFFFA0] =	vst v5  }
0x96: {  	v4 =	vor.u32 $0x10, v6;
	[tilespmem:s20+$0xFFFFFF90] =	vst v6  }
0x97: {  	v5 =	vor.u32 $0x18, v6;
	[tilespmem:s20+$0xFFFFFFB0] =	vst v4  }
0x98: {  	v4 =	vor.u32 $0x20, v6;
	[tilespmem:s20+$0xFFFFFFC0] =	vst v5  }
0x99: {  	v5 =	vor.u32 $0x28, v6;
	[tilespmem:s20+$0xFFFFFFD0] =	vst v4  }
0x9a: {  	v4 =	vor.u32 $0x30, v6;
	[tilespmem:s20+$0xFFFFFFE0] =	vst v5  }
0x9b: {  	s21 =	simm.s32 $0x6800;
	[tilespmem:s20+$0xFFFFFFF0] =	vst v4;
	s20 =	simm.s32 $0xB400  }
0x9c: {  	[tilespmem:s20], [sflag:$0x2] =	stream.indirect.gather [hbm4b:s1+s11], $0x10, s21, s11, $0xb8;
	[tilespmem:$0x19400] =	vst v63  }
0x9d: {  	s22 =	simm.s32 $0x6880;
	s23 =	simm.s32 $0xBC00  }
0x9e: {  	[tilespmem:s23], [sflag:$0x2] =	stream.indirect.gather [hbm4b:s1+s11], $0x10, s22, s11, $0xb8;
	[tilespmem:$0x19400] =	vst v63  }
0x9f: {  	s24 =	simm.s32 $0x6900;
	s25 =	simm.s32 $0xC400  }
0xa0: {  	[tilespmem:s25], [sflag:$0x2] =	stream.indirect.gather [hbm4b:s1+s11], $0x10, s24, s11, $0xb8;
	[tilespmem:$0x19400] =	vst v63  }
0xa1: {  	s26 =	simm.s32 $0x6980;
	s28 =	simm.s32 $0xCC00  }
0xa2: {  	[tilespmem:s28], [sflag:$0x2] =	stream.indirect.gather [hbm4b:s1+s11], $0x10, s26, s11, $0xb8;
	[tilespmem:$0x19400] =	vst v63  }
0xa3: {  	s20 =	simm.s32 $0x6A00;
	s21 =	simm.s32 $0xD400  }
0xa4: {  	[tilespmem:s21], [sflag:$0x2] =	stream.indirect.gather [hbm4b:s1+s11], $0x10, s20, s11, $0xb8;
	[tilespmem:$0x19400] =	vst v63  }
0xa5: {  	s22 =	simm.s32 $0x6A80;
	s23 =	simm.s32 $0xDC00  }
0xa6: {  	[tilespmem:s23], [sflag:$0x2] =	stream.indirect.gather [hbm4b:s1+s11], $0x10, s22, s11, $0xb8;
	[tilespmem:$0x19400] =	vst v63  }
0xa7: {  	s24 =	simm.s32 $0x6B00;
	s25 =	simm.s32 $0xE400  }
0xa8: {  	[tilespmem:s25], [sflag:$0x2] =	stream.indirect.gather [hbm4b:s1+s11], $0x10, s24, s11, $0xb8;
	[tilespmem:$0x19400] =	vst v63  }
0xa9: {  	s26 =	simm.s32 $0x6B80;
	s28 =	simm.s32 $0xEC00;
	s21 =	simm.s32 $0x0  }
0xaa: {  	[tilespmem:s28], [sflag:$0x2] =	stream.indirect.gather [hbm4b:s1+s11], $0x10, s26, s11, $0xb8;
	[tilespmem:$0x19400] =	vst v63  }
0xab: {  	v6 =	vld [tilespmem:s21+$0x20]  }
0xac: {  	v7 =	vld [tilespmem:s21+$0xA0]  }
0xad: {  	v8 =	vld [tilespmem:s21+$0x120]  }
0xae: {  	v4 =	vld [tilespmem:s21+$0x1A0]  }
0xaf: {  	v9 =	vimm.s32 $0x0;
	v5 =	vld [tilespmem:s21+$0x220]  }
0xb0: {  	v9 =	vadd.s32 v9, v6;
	v6 =	vld [tilespmem:s21+$0x2A0]  }
0xb1: {  	v9 =	vadd.s32 v7, v9;
	v7 =	vld [tilespmem:s21+$0x320]  }
0xb2: {  	s19 =	simm.s32 $0x400;
	s20 =	simm.s32 $0x2000;
	v9 =	vadd.s32 v8, v9;
	v8 =	vld [tilespmem:s21+$0x3A0]  }
.LBB2_10:
0xb3: {  	p0 =	sne.s32 s20, $0x18000;
	v10 =	vld [tilespmem:s19+$0x20];
	v4 =	vadd.s32 v4, v9  }
0xb4: {  	v9 =	vld [tilespmem:s19+$0xA0];
	v4 =	vadd.s32 v5, v4  }
0xb5: {  	v11 =	vld [tilespmem:s19+$0x120];
	v5 =	vadd.s32 v6, v4  }
.Ltmp4:
0xb6: {  	v4 =	vld [tilespmem:s19+$0x1A0];
	v6 =	vadd.s32 v7, v5;
	(pc) =	sbr.rel @p0 .LBB2_10-.Ltmp4, $4  }
0xb7: {  	v5 =	vld [tilespmem:s19+$0x220];
	v6 =	vadd.s32 v8, v6  }
0xb8: {  	v7 =	vadd.s32 v6, v10;
	v6 =	vld [tilespmem:s19+$0x2A0]  }
0xb9: {  	v8 =	vadd.s32 v9, v7;
	v7 =	vld [tilespmem:s19+$0x320]  }
0xba: {  	v9 =	vadd.s32 v11, v8;
	v8 =	vld [tilespmem:s19+$0x3A0];
	s19 =	sshra.s32 s20, $0x2;
	s20 =	sadd.s32 $0x1000, s20  }
0xbb: {  	v10 =	vld [tilespmem:s19+$0x20];
	v4 =	vadd.s32 v4, v9  }
0xbc: {  	v62 =	vld [tilespmem:s19+$0xA0];
	v4 =	vadd.s32 v5, v4  }
0xbd: {  	v5 =	vld [tilespmem:s19+$0x120];
	v4 =	vadd.s32 v6, v4  }
0xbe: {  	v6 =	vld [tilespmem:s19+$0x1A0];
	v4 =	vadd.s32 v7, v4  }
0xbf: {  	v7 =	vld [tilespmem:s19+$0x220];
	v4 =	vadd.s32 v8, v4  }
0xc0: {  	v8 =	vld [tilespmem:s19+$0x2A0];
	v4 =	vadd.s32 v4, v10  }
0xc1: {  	v63 =	vld [tilespmem:s19+$0x320];
	v4 =	vadd.s32 v62, v4  }
0xc2: {  	v4 =	vadd.s32 v5, v4;
	v5 =	vld [tilespmem:s19+$0x3A0]  }
0xc3: {  	v4 =	vadd.s32 v6, v4  }
0xc4: {  	v4 =	vadd.s32 v7, v4  }
0xc5: {  	v4 =	vadd.s32 v8, v4  }
0xc6: {  	v4 =	vadd.s32 v63, v4  }
0xc7: {  	v4 =	vadd.s32 v5, v4  }
0xc8: {  	vm0 =	vlt.s32 v4, $0xC7  }
0xc9: {  	v4 =	vnsel vm0, $0xC7, v4  }
0xca: {  	v4 =	vadd.s32 $0xFFFFFFFF, v4  }
0xcb: {  	vm15 =	vlt.s32 v4, $0x0;
	v4 =	vshll.u32 v4, $0xE  }
0xcc: {  	v4 =	vsel vm15, $0x31C000, v4  }
0xcd: {  	s28 =	simm.s32 $0x0;
	v4 =	vor.u32 v4, v2  }
0xce: {  	v5 =	vadd.s32 s28, v4  }
0xcf: {  	s19 =	simm.s32 $0x6C70;
	v6 =	vor.u32 $0x38, v5  }
0xd0: {  	v7 =	vor.u32 $0x8, v5;
	[tilespmem:s19+$0x0] =	vst v6  }
0xd1: {  	v8 =	vor.u32 $0x30, v5;
	[tilespmem:s19+$0xFFFFFFA0] =	vst v7  }
0xd2: {  	v6 =	vor.u32 $0x10, v5;
	[tilespmem:s19+$0xFFFFFFF0] =	vst v8  }
0xd3: {  	v7 =	vor.u32 $0x18, v5;
	[tilespmem:s19+$0xFFFFFFB0] =	vst v6  }
0xd4: {  	v6 =	vor.u32 $0x20, v5;
	[tilespmem:s19+$0xFFFFFFC0] =	vst v7  }
0xd5: {  	s20 =	simm.s32 $0x800;
	v7 =	vor.u32 $0x28, v5;
	[tilespmem:s19+$0xFFFFFFD0] =	vst v6  }
0xd6: {  	[tilespmem:s19+$0xFFFFFFE0] =	vst v7;
	v6 =	vadd.s32 s20, v4;
	s20 =	simm.s32 $0x1000  }
.LBB2_12:
0xd7: {  	p0 =	sne.s32 s20, $0x3800;
	v7 =	vor.u32 $0x8, v6;
	v8 =	vor.u32 $0x10, v6;
	v9 =	vor.u32 $0x38, v6;
	[tilespmem:s19+$0xFFFFFF90] =	vst v5;
	s19 =	sadd.s32 $0x80, s19;
	v5 =	vmovc v6  }
0xd8: {  	v6 =	vor.u32 $0x18, v5;
	v10 =	vor.u32 $0x20, v5;
	v11 =	vor.u32 $0x28, v5;
	[tilespmem:s19+$0x0] =	vst v9  }
0xd9: {  	[tilespmem:s19+$0xFFFFFFA0] =	vst v7;
	v7 =	vor.u32 $0x30, v5  }
.Ltmp5:
0xda: {  	[tilespmem:s19+$0xFFFFFFB0] =	vst v8;
	(pc) =	sbr.rel @p0 .LBB2_12-.Ltmp5, $4  }
0xdb: {  	[tilespmem:s19+$0xFFFFFFC0] =	vst v6  }
0xdc: {  	[tilespmem:s19+$0xFFFFFFD0] =	vst v10  }
0xdd: {  	[tilespmem:s19+$0xFFFFFFE0] =	vst v11  }
0xde: {  	v6 =	vadd.s32 s20, v4;
	s20 =	sadd.s32 $0x800, s20;
	[tilespmem:s19+$0xFFFFFFF0] =	vst v7  }
0xdf: {  	v4 =	vor.u32 $0x38, v6;
	[tilespmem:s19+$0xFFFFFF90] =	vst v5;
	s23 =	sadd.s32 $0x80, s19  }
0xe0: {  	v5 =	vor.u32 $0x8, v6;
	[tilespmem:s23+$0x0] =	vst v4  }
0xe1: {  	[tilespmem:s23+$0xFFFFFFA0] =	vst v5  }
0xe2: {  	v4 =	vor.u32 $0x10, v6;
	[tilespmem:s23+$0xFFFFFF90] =	vst v6  }
0xe3: {  	v5 =	vor.u32 $0x18, v6;
	[tilespmem:s23+$0xFFFFFFB0] =	vst v4  }
0xe4: {  	v4 =	vor.u32 $0x20, v6;
	[tilespmem:s23+$0xFFFFFFC0] =	vst v5  }
0xe5: {  	v5 =	vor.u32 $0x28, v6;
	[tilespmem:s23+$0xFFFFFFD0] =	vst v4  }
0xe6: {  	v4 =	vor.u32 $0x30, v6;
	[tilespmem:s23+$0xFFFFFFE0] =	vst v5  }
0xe7: {  	s24 =	simm.s32 $0x6C00;
	s20 =	simm.s32 $0xF400;
	[tilespmem:s23+$0xFFFFFFF0] =	vst v4  }
0xe8: {  	[tilespmem:s20], [sflag:$0x3] =	stream.indirect.gather [hbm4b:s1+s11], $0x10, s24, s11, $0xb8;
	[tilespmem:$0x19400] =	vst v63  }
0xe9: {  	s25 =	simm.s32 $0x6C80;
	s26 =	simm.s32 $0xFC00  }
0xea: {  	[tilespmem:s26], [sflag:$0x3] =	stream.indirect.gather [hbm4b:s1+s11], $0x10, s25, s11, $0xb8;
	[tilespmem:$0x19400] =	vst v63  }
0xeb: {  	s28 =	simm.s32 $0x6D00  }
0xec: {  	[tilespmem:s29], [sflag:$0x3] =	stream.indirect.gather [hbm4b:s1+s11], $0x10, s28, s11, $0xb8;
	[tilespmem:$0x19400] =	vst v63  }
0xed: {  	_ = 	snop  }
0xee: {  	[tilespmem:s30], [sflag:$0x3] =	stream.indirect.gather [hbm4b:s1+s11], $0x10, s3, s11, $0xb8;
	[tilespmem:$0x19400] =	vst v63  }
0xef: {  	_ = 	snop  }
0xf0: {  	[tilespmem:s2], [sflag:$0x3] =	stream.indirect.gather [hbm4b:s1+s11], $0x10, s31, s11, $0xb8;
	[tilespmem:$0x19400] =	vst v63  }
0xf1: {  	_ = 	snop  }
0xf2: {  	[tilespmem:s12], [sflag:$0x3] =	stream.indirect.gather [hbm4b:s1+s11], $0x10, s0, s11, $0xb8;
	[tilespmem:$0x19400] =	vst v63  }
0xf3: {  	s19 =	simm.s32 $0x0  }
0xf4: {  	[tilespmem:s14], [sflag:$0x3] =	stream.indirect.gather [hbm4b:s1+s11], $0x10, s13, s11, $0xb8;
	[tilespmem:$0x19400] =	vst v63  }
0xf5: {  	s21 =	simm.s32 $0x3;
	s20 =	simm.s32 $0x230;
	s25 =	simm.s32 $0x17600  }
0xf6: {  	[tilespmem:s16], [sflag:$0x3] =	stream.indirect.gather [hbm4b:s1+s11], $0x10, s15, s11, $0xb8;
	[tilespmem:$0x19400] =	vst v63  }
.LBB2_14:
0xf7: {  	p0 =	sgt.u32 s19, $0x4  }
.Ltmp6:
0xf8: {  	_ = 	snop;
	(pc) =	sbr.rel @p0 .LBB2_22-.Ltmp6, $1  }
0xf9: {  	_ =	sdelay $0x3  }
0xfa: {  	v4 =	vmov s20;
	_ =	sdelay $0x3  }
0xfb: {  	s28 =	simm.s32 $0x0  }
0xfc: {  	v9 =	vld.idx.msk [tilespmem:v4+s28+$0xFFFFFE00 ss:$0x1], $0xffff  }
0xfd: {  	v10 =	vld.idx.msk [tilespmem:v4+s28+$0xFFFFFE80 ss:$0x1], $0xffff  }
0xfe: {  	v7 =	vld.idx.msk [tilespmem:v4+s28+$0xFFFFFF00 ss:$0x1], $0xffff  }
0xff: {  	v5 =	vld.idx.msk [tilespmem:v4+s28+$0xFFFFFF80 ss:$0x1], $0xffff  }
0x100: {  	v6 =	vld.idx.msk [tilespmem:v4+s28+$0x0 ss:$0x1], $0xffff  }
0x101: {  	s22 =	sand.u32 $0x3, s21;
	v11 =	vimm.s32 $0x0;
	v8 =	vld.idx.msk [tilespmem:v4+s28+$0x80 ss:$0x1], $0xffff  }
0x102: {  	s23 =	sadd.s32 $0x3, s19;
	s22 =	sshll.u32 s22, $0xA;
	v11 =	vadd.s32 v11, v9;
	v9 =	vld.idx.msk [tilespmem:v4+s28+$0x100 ss:$0x1], $0xffff  }
0x103: {  	s24 =	simm.s32 $0x400;
	s26 =	simm.s32 $0x2000;
	s22 =	sadd.s32 $0x6440, s22;
	v11 =	vadd.s32 v10, v11;
	v10 =	vld.idx.msk [tilespmem:v4+s28+$0x180 ss:$0x1], $0xffff  }
.LBB2_16:
0x104: {  	p0 =	sne.s32 s26, $0x18000;
	v12 =	vld.idx.msk [tilespmem:v4+s24+$0xFFFFFE00 ss:$0x1], $0xffff;
	v7 =	vadd.s32 v7, v11  }
0x105: {  	v11 =	vld.idx.msk [tilespmem:v4+s24+$0xFFFFFE80 ss:$0x1], $0xffff;
	v5 =	vadd.s32 v5, v7  }
0x106: {  	v7 =	vld.idx.msk [tilespmem:v4+s24+$0xFFFFFF00 ss:$0x1], $0xffff;
	v6 =	vadd.s32 v6, v5  }
.Ltmp7:
0x107: {  	v5 =	vld.idx.msk [tilespmem:v4+s24+$0xFFFFFF80 ss:$0x1], $0xffff;
	v8 =	vadd.s32 v8, v6;
	(pc) =	sbr.rel @p0 .LBB2_16-.Ltmp7, $4  }
0x108: {  	v6 =	vld.idx.msk [tilespmem:v4+s24+$0x0 ss:$0x1], $0xffff;
	v9 =	vadd.s32 v9, v8  }
0x109: {  	v8 =	vld.idx.msk [tilespmem:v4+s24+$0x80 ss:$0x1], $0xffff;
	v9 =	vadd.s32 v10, v9  }
0x10a: {  	v10 =	vadd.s32 v9, v12;
	v9 =	vld.idx.msk [tilespmem:v4+s24+$0x100 ss:$0x1], $0xffff  }
0x10b: {  	v11 =	vadd.s32 v11, v10;
	v10 =	vld.idx.msk [tilespmem:v4+s24+$0x180 ss:$0x1], $0xffff;
	s24 =	sshra.s32 s26, $0x2;
	s26 =	sadd.s32 $0x1000, s26  }
0x10c: {  	_ =	sdelay $0x2  }
0x10d: {  	v7 =	vadd.s32 v7, v11  }
0x10e: {  	v60 =	vld.idx.msk [tilespmem:v4+s24+$0xFFFFFE00 ss:$0x1], $0xffff;
	v5 =	vadd.s32 v5, v7  }
0x10f: {  	v7 =	vld.idx.msk [tilespmem:v4+s24+$0xFFFFFE80 ss:$0x1], $0xffff;
	v5 =	vadd.s32 v6, v5  }
0x110: {  	v6 =	vld.idx.msk [tilespmem:v4+s24+$0xFFFFFF00 ss:$0x1], $0xffff;
	v5 =	vadd.s32 v8, v5  }
0x111: {  	v8 =	vld.idx.msk [tilespmem:v4+s24+$0xFFFFFF80 ss:$0x1], $0xffff;
	v5 =	vadd.s32 v9, v5  }
0x112: {  	v61 =	vld.idx.msk [tilespmem:v4+s24+$0x0 ss:$0x1], $0xffff;
	v5 =	vadd.s32 v10, v5  }
0x113: {  	v62 =	vld.idx.msk [tilespmem:v4+s24+$0x80 ss:$0x1], $0xffff;
	v5 =	vadd.s32 v5, v60  }
0x114: {  	v63 =	vld.idx.msk [tilespmem:v4+s24+$0x100 ss:$0x1], $0xffff;
	v5 =	vadd.s32 v7, v5  }
0x115: {  	v4 =	vld.idx.msk [tilespmem:v4+s24+$0x180 ss:$0x1], $0xffff;
	v5 =	vadd.s32 v6, v5  }
0x116: {  	v5 =	vadd.s32 v8, v5  }
0x117: {  	v5 =	vadd.s32 v61, v5  }
0x118: {  	v5 =	vadd.s32 v62, v5  }
0x119: {  	v5 =	vadd.s32 v63, v5  }
0x11a: {  	v4 =	vadd.s32 v4, v5  }
0x11b: {  	vm0 =	vlt.s32 v4, $0xC7  }
0x11c: {  	v4 =	vnsel vm0, $0xC7, v4  }
0x11d: {  	v4 =	vadd.s32 $0xFFFFFFFF, v4  }
0x11e: {  	s24 =	sadd.s32 s5, s23;
	vm15 =	vlt.s32 v4, $0x0;
	v4 =	vshll.u32 v4, $0xE  }
0x11f: {  	s26 =	sadd.s32 $0x0, s24;
	v4 =	vsel vm15, $0x31C000, v4  }
0x120: {  	v5 =	vadd.s32 s26, v4  }
0x121: {  	v6 =	vadd.s32 $0x38, v5  }
0x122: {  	v7 =	vadd.s32 $0x8, v5;
	[tilespmem:s22+$0x30] =	vst v6  }
0x123: {  	v6 =	vadd.s32 $0x10, v5;
	[tilespmem:s22+$0xFFFFFFD0] =	vst v7  }
0x124: {  	v7 =	vadd.s32 $0x18, v5;
	[tilespmem:s22+$0xFFFFFFE0] =	vst v6  }
0x125: {  	v6 =	vadd.s32 $0x20, v5;
	[tilespmem:s22+$0xFFFFFFF0] =	vst v7  }
0x126: {  	v7 =	vadd.s32 $0x28, v5;
	[tilespmem:s22+$0x0] =	vst v6  }
0x127: {  	s23 =	sand.u32 $0x3, s23;
	s28 =	sadd.s32 $0x800, s24;
	s26 =	simm.s32 $0x1000;
	v6 =	vadd.s32 $0x30, v5;
	[tilespmem:s22+$0x10] =	vst v7  }
.LBB2_18:
0x128: {  	p0 =	sne.s32 s26, $0x3800;
	v7 =	vadd.s32 s28, v4;
	[tilespmem:s22+$0x20] =	vst v6  }
0x129: {  	v6 =	vadd.s32 $0x8, v7;
	v8 =	vadd.s32 $0x10, v7;
	v9 =	vadd.s32 $0x38, v7;
	[tilespmem:s22+$0xFFFFFFC0] =	vst v5;
	s22 =	sadd.s32 $0x80, s22;
	v5 =	vmovc v7  }
0x12a: {  	v7 =	vadd.s32 $0x18, v5;
	v10 =	vadd.s32 $0x20, v5;
	v11 =	vadd.s32 $0x28, v5;
	[tilespmem:s22+$0x30] =	vst v9  }
.Ltmp8:
0x12b: {  	[tilespmem:s22+$0xFFFFFFD0] =	vst v6;
	v6 =	vadd.s32 $0x30, v5;
	(pc) =	sbr.rel @p0 .LBB2_18-.Ltmp8, $4  }
0x12c: {  	[tilespmem:s22+$0xFFFFFFE0] =	vst v8  }
0x12d: {  	[tilespmem:s22+$0xFFFFFFF0] =	vst v7  }
0x12e: {  	[tilespmem:s22+$0x0] =	vst v10  }
0x12f: {  	s28 =	sadd.s32 s26, s24;
	s26 =	sadd.s32 $0x800, s26;
	[tilespmem:s22+$0x10] =	vst v11  }
0x130: {  	[tilespmem:s22+$0x20] =	vst v6  }
0x131: {  	v4 =	vadd.s32 s28, v4;
	[tilespmem:s22+$0xFFFFFFC0] =	vst v5;
	s28 =	sadd.s32 $0x80, s22  }
0x132: {  	v60 =	vadd.s32 $0x38, v4;
	[tilespmem:s28+$0xFFFFFFC0] =	vst v4  }
0x133: {  	v5 =	vadd.s32 $0x8, v4;
	[tilespmem:s28+$0x30] =	vst v60  }
0x134: {  	p0 =	sgt.s32 s23, $0x1;
	v61 =	vadd.s32 $0x10, v4;
	[tilespmem:s28+$0xFFFFFFD0] =	vst v5  }
.Ltmp9:
0x135: {  	v62 =	vadd.s32 $0x20, v4;
	[tilespmem:s28+$0xFFFFFFE0] =	vst v61;
	(pc) =	sbr.rel @p0 .LBB2_21-.Ltmp9, $4  }
0x136: {  	v63 =	vadd.s32 $0x30, v4;
	[tilespmem:s28+$0x0] =	vst v62  }
0x137: {  	v5 =	vadd.s32 $0x18, v4;
	[tilespmem:s28+$0x20] =	vst v63  }
0x138: {  	[tilespmem:s28+$0xFFFFFFF0] =	vst v5;
	v5 =	vadd.s32 $0x28, v4  }
0x139: {  	[tilespmem:s28+$0x10] =	vst v5  }
0x13a: {  	p0 =	seq.s32 s23, $0x0  }
0x13b: {  	s22 =	simm.s32 @p0 $0x80;
	s23 =	simm.s32 @p0 $0x6400;
	s24 =	simm.s32 @p0 $0x7400  }
0x13c: {  	[tilespmem:s24], [sflag:$0x1] =	stream.indirect.gather @p0 [hbm4b:s1+s22], $0x10, s23, s22, $0xb8;
	[tilespmem:$0x19400] =	vst v63  }
0x13d: {  	s23 =	simm.s32 @p0 $0x6480;
	s24 =	simm.s32 @p0 $0x7C00  }
0x13e: {  	[tilespmem:s24], [sflag:$0x1] =	stream.indirect.gather @p0 [hbm4b:s1+s22], $0x10, s23, s22, $0xb8;
	[tilespmem:$0x19400] =	vst v63  }
0x13f: {  	s23 =	simm.s32 @p0 $0x6500;
	s24 =	simm.s32 @p0 $0x8400  }
0x140: {  	[tilespmem:s24], [sflag:$0x1] =	stream.indirect.gather @p0 [hbm4b:s1+s22], $0x10, s23, s22, $0xb8;
	[tilespmem:$0x19400] =	vst v63  }
0x141: {  	s23 =	simm.s32 @p0 $0x6580;
	s24 =	simm.s32 @p0 $0x8C00  }
0x142: {  	[tilespmem:s24], [sflag:$0x1] =	stream.indirect.gather @p0 [hbm4b:s1+s22], $0x10, s23, s22, $0xb8;
	[tilespmem:$0x19400] =	vst v63  }
0x143: {  	s23 =	simm.s32 @p0 $0x6600;
	s24 =	simm.s32 @p0 $0x9400  }
0x144: {  	[tilespmem:s24], [sflag:$0x1] =	stream.indirect.gather @p0 [hbm4b:s1+s22], $0x10, s23, s22, $0xb8;
	[tilespmem:$0x19400] =	vst v63  }
0x145: {  	s23 =	simm.s32 @p0 $0x6680;
	s24 =	simm.s32 @p0 $0x9C00  }
0x146: {  	[tilespmem:s24], [sflag:$0x1] =	stream.indirect.gather @p0 [hbm4b:s1+s22], $0x10, s23, s22, $0xb8;
	[tilespmem:$0x19400] =	vst v63  }
0x147: {  	s23 =	simm.s32 @p0 $0x6700;
	s24 =	simm.s32 @p0 $0xA400  }
0x148: {  	[tilespmem:s24], [sflag:$0x1] =	stream.indirect.gather @p0 [hbm4b:s1+s22], $0x10, s23, s22, $0xb8;
	[tilespmem:$0x19400] =	vst v63  }
0x149: {  	s23 =	simm.s32 @p0 $0x6780;
	s24 =	simm.s32 @p0 $0xAC00  }
0x14a: {  	[tilespmem:s24], [sflag:$0x1] =	stream.indirect.gather @p0 [hbm4b:s1+s22], $0x10, s23, s22, $0xb8;
	[tilespmem:$0x19400] =	vst v63  }
0x14b: {  	s22 =	simm.s32 @!p0 $0x80;
	s23 =	simm.s32 @!p0 $0x6800;
	s24 =	simm.s32 @!p0 $0xB400  }
0x14c: {  	[tilespmem:s24], [sflag:$0x2] =	stream.indirect.gather @!p0 [hbm4b:s1+s22], $0x10, s23, s22, $0xb8;
	[tilespmem:$0x19400] =	vst v63  }
0x14d: {  	s23 =	simm.s32 @!p0 $0x6880;
	s24 =	simm.s32 @!p0 $0xBC00  }
0x14e: {  	[tilespmem:s24], [sflag:$0x2] =	stream.indirect.gather @!p0 [hbm4b:s1+s22], $0x10, s23, s22, $0xb8;
	[tilespmem:$0x19400] =	vst v63  }
0x14f: {  	s23 =	simm.s32 @!p0 $0x6900;
	s24 =	simm.s32 @!p0 $0xC400  }
0x150: {  	[tilespmem:s24], [sflag:$0x2] =	stream.indirect.gather @!p0 [hbm4b:s1+s22], $0x10, s23, s22, $0xb8;
	[tilespmem:$0x19400] =	vst v63  }
0x151: {  	s23 =	simm.s32 @!p0 $0x6980;
	s24 =	simm.s32 @!p0 $0xCC00  }
0x152: {  	[tilespmem:s24], [sflag:$0x2] =	stream.indirect.gather @!p0 [hbm4b:s1+s22], $0x10, s23, s22, $0xb8;
	[tilespmem:$0x19400] =	vst v63  }
0x153: {  	s23 =	simm.s32 @!p0 $0x6A00;
	s24 =	simm.s32 @!p0 $0xD400  }
0x154: {  	[tilespmem:s24], [sflag:$0x2] =	stream.indirect.gather @!p0 [hbm4b:s1+s22], $0x10, s23, s22, $0xb8;
	[tilespmem:$0x19400] =	vst v63  }
0x155: {  	s23 =	simm.s32 @!p0 $0x6A80;
	s24 =	simm.s32 @!p0 $0xDC00  }
0x156: {  	[tilespmem:s24], [sflag:$0x2] =	stream.indirect.gather @!p0 [hbm4b:s1+s22], $0x10, s23, s22, $0xb8;
	[tilespmem:$0x19400] =	vst v63  }
.Ltmp10:
0x157: {  	_ = 	snop;
	(pc) =	sbr.rel .LBB2_22-.Ltmp10, $4  }
0x158: {  	s23 =	simm.s32 @!p0 $0x6B00;
	s24 =	simm.s32 @!p0 $0xE400  }
0x159: {  	[tilespmem:s24], [sflag:$0x2] =	stream.indirect.gather @!p0 [hbm4b:s1+s22], $0x10, s23, s22, $0xb8;
	[tilespmem:$0x19400] =	vst v63  }
0x15a: {  	s23 =	simm.s32 @!p0 $0x6B80;
	s24 =	simm.s32 @!p0 $0xEC00  }
0x15b: {  	[tilespmem:s24], [sflag:$0x2] =	stream.indirect.gather @!p0 [hbm4b:s1+s22], $0x10, s23, s22, $0xb8;
	[tilespmem:$0x19400] =	vst v63  }
.LBB2_21:
0x15c: {  	p0 =	seq.s32 s23, $0x2  }
0x15d: {  	s22 =	simm.s32 @p0 $0x80;
	s23 =	simm.s32 @p0 $0x6C00;
	s24 =	simm.s32 @p0 $0xF400  }
0x15e: {  	[tilespmem:s24], [sflag:$0x3] =	stream.indirect.gather @p0 [hbm4b:s1+s22], $0x10, s23, s22, $0xb8;
	[tilespmem:$0x19400] =	vst v63  }
0x15f: {  	s23 =	simm.s32 @p0 $0x6C80;
	s24 =	simm.s32 @p0 $0xFC00  }
0x160: {  	[tilespmem:s24], [sflag:$0x3] =	stream.indirect.gather @p0 [hbm4b:s1+s22], $0x10, s23, s22, $0xb8;
	[tilespmem:$0x19400] =	vst v63  }
0x161: {  	s23 =	simm.s32 @p0 $0x6D00;
	s24 =	simm.s32 @p0 $0x10400  }
0x162: {  	[tilespmem:s24], [sflag:$0x3] =	stream.indirect.gather @p0 [hbm4b:s1+s22], $0x10, s23, s22, $0xb8;
	[tilespmem:$0x19400] =	vst v63  }
0x163: {  	s23 =	simm.s32 @p0 $0x6D80;
	s24 =	simm.s32 @p0 $0x10C00  }
0x164: {  	[tilespmem:s24], [sflag:$0x3] =	stream.indirect.gather @p0 [hbm4b:s1+s22], $0x10, s23, s22, $0xb8;
	[tilespmem:$0x19400] =	vst v63  }
0x165: {  	s23 =	simm.s32 @p0 $0x6E00;
	s24 =	simm.s32 @p0 $0x11400  }
0x166: {  	[tilespmem:s24], [sflag:$0x3] =	stream.indirect.gather @p0 [hbm4b:s1+s22], $0x10, s23, s22, $0xb8;
	[tilespmem:$0x19400] =	vst v63  }
0x167: {  	s23 =	simm.s32 @p0 $0x6E80;
	s24 =	simm.s32 @p0 $0x11C00  }
0x168: {  	[tilespmem:s24], [sflag:$0x3] =	stream.indirect.gather @p0 [hbm4b:s1+s22], $0x10, s23, s22, $0xb8;
	[tilespmem:$0x19400] =	vst v63  }
0x169: {  	s23 =	simm.s32 @p0 $0x6F00;
	s24 =	simm.s32 @p0 $0x12400  }
0x16a: {  	[tilespmem:s24], [sflag:$0x3] =	stream.indirect.gather @p0 [hbm4b:s1+s22], $0x10, s23, s22, $0xb8;
	[tilespmem:$0x19400] =	vst v63  }
0x16b: {  	s23 =	simm.s32 @p0 $0x6F80;
	s24 =	simm.s32 @p0 $0x12C00  }
0x16c: {  	[tilespmem:s24], [sflag:$0x3] =	stream.indirect.gather @p0 [hbm4b:s1+s22], $0x10, s23, s22, $0xb8;
	[tilespmem:$0x19400] =	vst v63  }
0x16d: {  	s22 =	simm.s32 @!p0 $0x80;
	s23 =	simm.s32 @!p0 $0x7000;
	s24 =	simm.s32 @!p0 $0x13400  }
0x16e: {  	[tilespmem:s24], [sflag:$0x4] =	stream.indirect.gather @!p0 [hbm4b:s1+s22], $0x10, s23, s22, $0xb8;
	[tilespmem:$0x19400] =	vst v63  }
0x16f: {  	s23 =	simm.s32 @!p0 $0x7080;
	s24 =	simm.s32 @!p0 $0x13C00  }
0x170: {  	[tilespmem:s24], [sflag:$0x4] =	stream.indirect.gather @!p0 [hbm4b:s1+s22], $0x10, s23, s22, $0xb8;
	[tilespmem:$0x19400] =	vst v63  }
0x171: {  	s23 =	simm.s32 @!p0 $0x7100;
	s24 =	simm.s32 @!p0 $0x14400  }
0x172: {  	[tilespmem:s24], [sflag:$0x4] =	stream.indirect.gather @!p0 [hbm4b:s1+s22], $0x10, s23, s22, $0xb8;
	[tilespmem:$0x19400] =	vst v63  }
0x173: {  	s23 =	simm.s32 @!p0 $0x7180;
	s24 =	simm.s32 @!p0 $0x14C00  }
0x174: {  	[tilespmem:s24], [sflag:$0x4] =	stream.indirect.gather @!p0 [hbm4b:s1+s22], $0x10, s23, s22, $0xb8;
	[tilespmem:$0x19400] =	vst v63  }
0x175: {  	s23 =	simm.s32 @!p0 $0x7200;
	s24 =	simm.s32 @!p0 $0x15400  }
0x176: {  	[tilespmem:s24], [sflag:$0x4] =	stream.indirect.gather @!p0 [hbm4b:s1+s22], $0x10, s23, s22, $0xb8;
	[tilespmem:$0x19400] =	vst v63  }
0x177: {  	s23 =	simm.s32 @!p0 $0x7280;
	s24 =	simm.s32 @!p0 $0x15C00  }
0x178: {  	[tilespmem:s24], [sflag:$0x4] =	stream.indirect.gather @!p0 [hbm4b:s1+s22], $0x10, s23, s22, $0xb8;
	[tilespmem:$0x19400] =	vst v63  }
0x179: {  	s23 =	simm.s32 @!p0 $0x7300;
	s24 =	simm.s32 @!p0 $0x16400  }
0x17a: {  	[tilespmem:s24], [sflag:$0x4] =	stream.indirect.gather @!p0 [hbm4b:s1+s22], $0x10, s23, s22, $0xb8;
	[tilespmem:$0x19400] =	vst v63  }
0x17b: {  	s23 =	simm.s32 @!p0 $0x7380;
	s24 =	simm.s32 @!p0 $0x16C00  }
0x17c: {  	[tilespmem:s24], [sflag:$0x4] =	stream.indirect.gather @!p0 [hbm4b:s1+s22], $0x10, s23, s22, $0xb8;
	[tilespmem:$0x19400] =	vst v63  }
.LBB2_22:
0x17d: {  	s22 =	sand.u32 $0x3, s19  }
0x17e: {  	p0 =	sgt.s32 s22, $0x1  }
0x17f: {  	p1 =	seq.s32 @p0 s22, $0x2;
	p2 =	seq.s32 @!p0 s22, $0x0  }
0x180: {  	p1 =	por !p1, !p0;
	p2 =	por !p2, p0  }
0x181: {  	s23 =	simm.s32 @!p1 $0x3;
	s24 =	simm.s32 @!p2 $0x1  }
0x182: {  	s23 =	simm.s32 @p1 $0x4;
	s24 =	simm.s32 @p2 $0x2  }
0x183: {  	s24 =	smov.u32 @p0 s23  }
0x184: {  	_ =	swait.ge [sflag:s24], $0x800  }
0x185: {  	[sflag:s24] =	ssyncset.done $0x0  }
0x186: {  	[sflag:s24] =	ssyncadd.s32 $0xFFFFF800  }
0x187: {  	_ =	swait.ge [sflag:s24], $0x800  }
0x188: {  	[sflag:s24] =	ssyncset.done $0x0  }
0x189: {  	[sflag:s24] =	ssyncadd.s32 $0xFFFFF800  }
0x18a: {  	_ =	swait.ge [sflag:s24], $0x800  }
0x18b: {  	[sflag:s24] =	ssyncset.done $0x0  }
0x18c: {  	[sflag:s24] =	ssyncadd.s32 $0xFFFFF800  }
0x18d: {  	_ =	swait.ge [sflag:s24], $0x800  }
0x18e: {  	[sflag:s24] =	ssyncset.done $0x0  }
0x18f: {  	[sflag:s24] =	ssyncadd.s32 $0xFFFFF800  }
0x190: {  	_ =	swait.ge [sflag:s24], $0x800  }
0x191: {  	[sflag:s24] =	ssyncset.done $0x0  }
0x192: {  	[sflag:s24] =	ssyncadd.s32 $0xFFFFF800  }
0x193: {  	s26 =	simm.s32 $0x0;
	_ =	swait.ge [sflag:s24], $0x800  }
0x194: {  	v4 =	vmov s26;
	[sflag:s24] =	ssyncset.done $0x0  }
0x195: {  	v4 =	vshll.u32 v4, $0x4;
	[sflag:s24] =	ssyncadd.s32 $0xFFFFF800  }
0x196: {  	v4 =	vor.u32 v3, v4;
	_ =	swait.ge [sflag:s24], $0x800  }
0x197: {  	v4 =	vor.u32 v0, v4;
	[sflag:s24] =	ssyncset.done $0x0  }
0x198: {  	[sflag:s24] =	ssyncadd.s32 $0xFFFFF800  }
0x199: {  	s26 =	simm.s32 $0x10;
	_ =	swait.ge [sflag:s24], $0x800  }
0x19a: {  	s22 =	sshll.u32 s22, $0xE;
	v5 =	vmov s26;
	[sflag:s24] =	ssyncset.done $0x0  }
0x19b: {  	v5 =	vshll.u32 v5, $0x4;
	s23 =	sadd.s32 $0x7400, s22;
	[sflag:s24] =	ssyncadd.s32 $0xFFFFF800  }
0x19c: {  	v5 =	vor.u32 v3, v5;
	v4 =	vld.idx.msk [tilespmem:v4+s23+$0x0], $0xffff  }
0x19d: {  	v5 =	vor.u32 v0, v5;
	_ =	sdelay $0x1  }
0x19e: {  	s24 =	simm.s32 $0x20  }
0x19f: {  	v6 =	vmov s24  }
0x1a0: {  	[tilespmem:s25+$0xFFFFFE00] =	vst v4;
	v4 =	vshll.u32 v6, $0x4  }
0x1a1: {  	v5 =	vld.idx.msk [tilespmem:v5+s23+$0x0], $0xffff;
	v4 =	vor.u32 v3, v4  }
0x1a2: {  	v4 =	vor.u32 v0, v4;
	_ =	sdelay $0x1  }
0x1a3: {  	s26 =	simm.s32 $0x30  }
0x1a4: {  	v6 =	vmov s26  }
0x1a5: {  	[tilespmem:s25+$0xFFFFFE80] =	vst v5;
	v5 =	vshll.u32 v6, $0x4  }
0x1a6: {  	v4 =	vld.idx.msk [tilespmem:v4+s23+$0x0], $0xffff;
	v5 =	vor.u32 v3, v5  }
0x1a7: {  	v5 =	vor.u32 v0, v5;
	_ =	sdelay $0x1  }
0x1a8: {  	s24 =	simm.s32 $0x40  }
0x1a9: {  	v6 =	vmov s24  }
0x1aa: {  	[tilespmem:s25+$0xFFFFFF00] =	vst v4;
	v4 =	vshll.u32 v6, $0x4  }
0x1ab: {  	v5 =	vld.idx.msk [tilespmem:v5+s23+$0x0], $0xffff;
	v4 =	vor.u32 v3, v4  }
0x1ac: {  	v4 =	vor.u32 v0, v4;
	_ =	sdelay $0x1  }
0x1ad: {  	s26 =	simm.s32 $0x50  }
0x1ae: {  	v6 =	vmov s26  }
0x1af: {  	[tilespmem:s25+$0xFFFFFF80] =	vst v5;
	v5 =	vshll.u32 v6, $0x4  }
0x1b0: {  	v4 =	vld.idx.msk [tilespmem:v4+s23+$0x0], $0xffff;
	v5 =	vor.u32 v3, v5  }
0x1b1: {  	v5 =	vor.u32 v0, v5;
	_ =	sdelay $0x1  }
0x1b2: {  	s24 =	simm.s32 $0x60  }
0x1b3: {  	v6 =	vmov s24  }
0x1b4: {  	[tilespmem:s25+$0x0] =	vst v4;
	v4 =	vshll.u32 v6, $0x4  }
0x1b5: {  	v5 =	vld.idx.msk [tilespmem:v5+s23+$0x0], $0xffff;
	v4 =	vor.u32 v3, v4  }
0x1b6: {  	v4 =	vor.u32 v0, v4;
	_ =	sdelay $0x1  }
0x1b7: {  	s26 =	simm.s32 $0x70  }
0x1b8: {  	v6 =	vmov s26  }
0x1b9: {  	v6 =	vshll.u32 v6, $0x4;
	[tilespmem:s25+$0x80] =	vst v5  }
0x1ba: {  	v5 =	vor.u32 v3, v6;
	v4 =	vld.idx.msk [tilespmem:v4+s23+$0x0], $0xffff  }
0x1bb: {  	v5 =	vor.u32 v0, v5;
	_ =	sdelay $0x1  }
0x1bc: {  	s28 =	simm.s32 $0x80  }
0x1bd: {  	s22 =	smov.u32 s25;
	s24 =	simm.s32 $0xF0;
	s26 =	simm.s32 $0x170  }
.LBB2_23:
0x1be: {  	p0 =	sne.s32 s26, $0x3F0;
	v6 =	vmov s28;
	[tilespmem:s22+$0x100] =	vst v4  }
0x1bf: {  	v4 =	vshll.u32 v6, $0x4;
	v5 =	vld.idx.msk [tilespmem:v5+s23+$0x0], $0xffff  }
0x1c0: {  	v4 =	vor.u32 v3, v4  }
0x1c1: {  	v4 =	vor.u32 v0, v4;
	_ =	sdelay $0x2  }
0x1c2: {  	s28 =	sadd.s32 $0xFFFFFFA0, s24  }
0x1c3: {  	v6 =	vmov s28;
	[tilespmem:s22+$0x180] =	vst v5  }
0x1c4: {  	v5 =	vshll.u32 v6, $0x4;
	v4 =	vld.idx.msk [tilespmem:v4+s23+$0x0], $0xffff  }
0x1c5: {  	v5 =	vor.u32 v3, v5  }
0x1c6: {  	v5 =	vor.u32 v0, v5;
	_ =	sdelay $0x2  }
0x1c7: {  	s28 =	sadd.s32 $0xFFFFFFB0, s24;
	s22 =	sadd.s32 $0x400, s22  }
0x1c8: {  	[tilespmem:s22+$0xFFFFFE00] =	vst v4;
	v4 =	vmov s28  }
0x1c9: {  	v5 =	vld.idx.msk [tilespmem:v5+s23+$0x0], $0xffff;
	v4 =	vshll.u32 v4, $0x4  }
0x1ca: {  	v4 =	vor.u32 v3, v4  }
0x1cb: {  	v4 =	vor.u32 v0, v4;
	_ =	sdelay $0x2  }
0x1cc: {  	s28 =	sadd.s32 $0xFFFFFFC0, s24  }
0x1cd: {  	[tilespmem:s22+$0xFFFFFE80] =	vst v5;
	v5 =	vmov s28  }
0x1ce: {  	v4 =	vld.idx.msk [tilespmem:v4+s23+$0x0], $0xffff;
	v5 =	vshll.u32 v5, $0x4  }
0x1cf: {  	v5 =	vor.u32 v3, v5  }
0x1d0: {  	v5 =	vor.u32 v0, v5;
	_ =	sdelay $0x2  }
0x1d1: {  	s28 =	sadd.s32 $0xFFFFFFD0, s24  }
0x1d2: {  	[tilespmem:s22+$0xFFFFFF00] =	vst v4;
	v4 =	vmov s28  }
0x1d3: {  	v5 =	vld.idx.msk [tilespmem:v5+s23+$0x0], $0xffff;
	v4 =	vshll.u32 v4, $0x4  }
0x1d4: {  	v4 =	vor.u32 v3, v4  }
0x1d5: {  	v4 =	vor.u32 v0, v4;
	_ =	sdelay $0x2  }
0x1d6: {  	s28 =	sadd.s32 $0xFFFFFFE0, s24  }
0x1d7: {  	[tilespmem:s22+$0xFFFFFF80] =	vst v5;
	v5 =	vmov s28  }
0x1d8: {  	v4 =	vld.idx.msk [tilespmem:v4+s23+$0x0], $0xffff;
	v5 =	vshll.u32 v5, $0x4  }
0x1d9: {  	v5 =	vor.u32 v3, v5  }
0x1da: {  	v5 =	vor.u32 v0, v5;
	_ =	sdelay $0x2  }
0x1db: {  	s28 =	sadd.s32 $0xFFFFFFF0, s24  }
0x1dc: {  	[tilespmem:s22+$0x0] =	vst v4;
	v4 =	vmov s28  }
0x1dd: {  	v5 =	vld.idx.msk [tilespmem:v5+s23+$0x0], $0xffff;
	v4 =	vshll.u32 v4, $0x4  }
0x1de: {  	v4 =	vor.u32 v3, v4  }
0x1df: {  	v4 =	vor.u32 v0, v4;
	_ =	sdelay $0x3  }
0x1e0: {  	[tilespmem:s22+$0x80] =	vst v5;
	v5 =	vmov s24;
	s24 =	smov.u32 s26  }
0x1e1: {  	v4 =	vld.idx.msk [tilespmem:v4+s23+$0x0], $0xffff;
	v5 =	vshll.u32 v5, $0x4  }
.Ltmp11:
0x1e2: {  	v5 =	vor.u32 v3, v5;
	(pc) =	sbr.rel @p0 .LBB2_23-.Ltmp11, $2  }
0x1e3: {  	v5 =	vor.u32 v0, v5;
	_ =	sdelay $0x2  }
0x1e4: {  	s26 =	sadd.s32 $0x80, s26;
	s28 =	sadd.s32 $0xFFFFFF90, s24  }
0x1e5: {  	_ =	sdelay $0x1  }
0x1e6: {  	v6 =	vmov s28  }
0x1e7: {  	[tilespmem:s22+$0x100] =	vst v4;
	v4 =	vshll.u32 v6, $0x4  }
0x1e8: {  	v5 =	vld.idx.msk [tilespmem:v5+s23+$0x0], $0xffff;
	v4 =	vor.u32 v3, v4  }
0x1e9: {  	v4 =	vor.u32 v0, v4;
	_ =	sdelay $0x1  }
0x1ea: {  	s26 =	sadd.s32 $0xFFFFFFA0, s24  }
0x1eb: {  	v57 =	vmov s26  }
0x1ec: {  	[tilespmem:s22+$0x180] =	vst v5;
	v5 =	vshll.u32 v57, $0x4  }
0x1ed: {  	v5 =	vor.u32 v3, v5;
	v4 =	vld.idx.msk [tilespmem:v4+s23+$0x0], $0xffff  }
0x1ee: {  	v5 =	vor.u32 v0, v5;
	_ =	sdelay $0x1  }
0x1ef: {  	s28 =	sadd.s32 $0xFFFFFFB0, s24  }
0x1f0: {  	v58 =	vmov s28;
	s22 =	sadd.s32 $0x400, s22  }
0x1f1: {  	[tilespmem:s22+$0xFFFFFE00] =	vst v4;
	v4 =	vshll.u32 v58, $0x4  }
0x1f2: {  	v5 =	vld.idx.msk [tilespmem:v5+s23+$0x0], $0xffff;
	v4 =	vor.u32 v3, v4  }
0x1f3: {  	v4 =	vor.u32 v0, v4;
	_ =	sdelay $0x1  }
0x1f4: {  	s28 =	sadd.s32 $0xFFFFFFC0, s24  }
0x1f5: {  	v59 =	vmov s28  }
0x1f6: {  	[tilespmem:s22+$0xFFFFFE80] =	vst v5;
	v5 =	vshll.u32 v59, $0x4  }
0x1f7: {  	v4 =	vld.idx.msk [tilespmem:v4+s23+$0x0], $0xffff;
	v5 =	vor.u32 v3, v5  }
0x1f8: {  	v5 =	vor.u32 v0, v5;
	_ =	sdelay $0x1  }
0x1f9: {  	s28 =	sadd.s32 $0xFFFFFFD0, s24  }
0x1fa: {  	v60 =	vmov s28  }
0x1fb: {  	[tilespmem:s22+$0xFFFFFF00] =	vst v4;
	v4 =	vshll.u32 v60, $0x4  }
0x1fc: {  	v5 =	vld.idx.msk [tilespmem:v5+s23+$0x0], $0xffff;
	v4 =	vor.u32 v3, v4  }
0x1fd: {  	v4 =	vor.u32 v0, v4;
	_ =	sdelay $0x1  }
0x1fe: {  	s28 =	sadd.s32 $0xFFFFFFE0, s24  }
0x1ff: {  	v61 =	vmov s28  }
0x200: {  	[tilespmem:s22+$0xFFFFFF80] =	vst v5;
	v5 =	vshll.u32 v61, $0x4  }
0x201: {  	v4 =	vld.idx.msk [tilespmem:v4+s23+$0x0], $0xffff;
	v5 =	vor.u32 v3, v5  }
0x202: {  	v5 =	vor.u32 v0, v5;
	_ =	sdelay $0x1  }
0x203: {  	s28 =	sadd.s32 $0xFFFFFFF0, s24  }
0x204: {  	v62 =	vmov s28  }
0x205: {  	[tilespmem:s22+$0x0] =	vst v4;
	v4 =	vshll.u32 v62, $0x4  }
0x206: {  	v5 =	vld.idx.msk [tilespmem:v5+s23+$0x0], $0xffff;
	v4 =	vor.u32 v3, v4  }
0x207: {  	v4 =	vor.u32 v0, v4;
	_ =	sdelay $0x2  }
0x208: {  	v63 =	vmov s24  }
0x209: {  	[tilespmem:s22+$0x80] =	vst v5;
	v5 =	vshll.u32 v63, $0x4  }
0x20a: {  	v4 =	vld.idx.msk [tilespmem:v4+s23+$0x0], $0xffff;
	v5 =	vor.u32 v3, v5  }
0x20b: {  	v5 =	vor.u32 v0, v5;
	_ =	sdelay $0x3  }
0x20c: {  	s19 =	sadd.s32 $0x1, s19;
	[tilespmem:s22+$0x100] =	vst v4  }
0x20d: {  	p0 =	sne.s32 s19, $0x8;
	v4 =	vld.idx.msk [tilespmem:v5+s23+$0x0], $0xffff  }
.Ltmp12:
0x20e: {  	_ = 	snop;
	(pc) =	sbr.rel @p0 .LBB2_14-.Ltmp12, $2  }
0x20f: {  	_ =	sdelay $0x2  }
0x210: {  	s20 =	sadd.s32 $0x10, s20;
	s21 =	sadd.s32 $0x1, s21;
	s25 =	sadd.s32 $0x10, s25;
	[tilespmem:s22+$0x180] =	vst v4  }
0x211: {  	s18 =	sadd.s32 $0x1, s18  }
0x212: {  	p0 =	sne.s32 s18, s7  }
.Ltmp13:
0x213: {  	_ = 	snop;
	(pc) =	sbr.rel @p0 .LBB2_1-.Ltmp13, $4  }
0x214: {  	[hbm4b:s6+s8] =	stream.strided.scatter [tilespmem:s17], [sflag:$0x5], $0x2000, s9, s8, $0x38;
	[tilespmem:$0x19400] =	vst v63  }
0x215: {  	_ =	swait.ge [sflag:s10], $0x2000  }
0x216: {  	[sflag:s10] =	ssyncset.done $0x0  }
0x217: {  	[sflag:s10] =	ssyncadd.s32 $0xFFFFE000  }
0x218: {  	_ =	sfence.sel $0x180000  }
0x219: {  	[bflag:$0x0] =	sbarrier.arrive $0xFFFF  }
0x21a: {  	_ =	strace $0x90000047  }
0x21b: {  	s0 =	stileid.u32;
	[bflag:$0x2] =	sbarrier.arrive $0xFFFF  }
0x21c: {  	p0 =	sne.s32 s0, $0x0;
	s0 =	rddreg [dreg:$0x3]  }
0x21d: {  	s0 =	sadd.s32 @!p0 $0x100000, s0  }
0x21e: {  	[sflag:s0] =	ssyncadd.tile.s32 @!p0 $0x1;
	_ =	shalt  }
.Lfunc_end2:
_tile_overlayer_lowered:
.L_overlay_start_2:
0x21f: {  	(tag) =	ssettag $0x2  }
0x220: {  	s0 =	rddreg [dreg:$0x0];
	s2 =	stileid.u32  }
0x221: {  	s1 =	rddreg [dreg:$0x1];
	p0 =	sne.s32 s2, $0x0  }
0x222: {  	s3 =	rddreg [dreg:$0x2];
	[bflag:$0x3] =	sbarrier.arrive $0xFFFF;
	s2 =	simm.s32 @!p0 $0x1C05  }
0x223: {  	[timem:s3], [sflag:s2] =	dma.local @!p0 [hbm:s0], s1  }
0x224: {  	s0 =	simm.s32 @!p0 $0x5  }
0x225: {  	_ =	swait.ge @!p0 [sflag:s0], s1  }
0x226: {  	s1 =	ssub.s32 @!p0 $0x0, s1;
	[sflag:s0] =	ssyncset.done @!p0 $0x0  }
0x227: {  	[sflag:s0] =	ssyncadd.s32 @!p0 s1  }
0x228: {  	[bflag:$0x3] =	sbarrier.arrive $0xFFFF  }
0x229: {  	_ =	shalt  }

</sc_bundles>
